<compile_context>
chip_gen: v7x
topology: tpu7x:2x2x1
jax: 0.10.2.dev20260603
libtpu: 0.0.44.dev20260713+nightly
codegen_flags: <defaults>
</compile_context>

<pallas_src>
import functools

import jax
import jax.numpy as jnp
from jax import lax
from jax.experimental import pallas as pl
from jax.experimental.pallas import tpu as pltpu
from jax.experimental.pallas import tpu_sc as plsc

N = 10000
D = 128
E = 320000
NC = 2
NS = 16
NW = NC * NS
EPW = E // NW
CHUNK = 80
NCHUNK = EPW // CHUNK
NPAD = 10240
RPT = NPAD // NS
NBUF = 4

_mesh = plsc.VectorSubcoreMesh(core_axis_name="c", subcore_axis_name="s")


@functools.partial(
    pl.kernel,
    out_type=jax.ShapeDtypeStruct((NC, NPAD, D), jnp.float32),
    mesh=_mesh,
    scratch_types=[
        pltpu.VMEM((NCHUNK, CHUNK), jnp.int32),
        pltpu.VMEM((CHUNK, D), jnp.float32),
        pltpu.VMEM_SHARED((NPAD, D), jnp.float32),
        pltpu.SemaphoreType.DMA,
        pltpu.SemaphoreType.DMA,
    ],
)
def _sc_degree(dst_hbm, ones_hbm, zeros_hbm, out_hbm, didx_v, ones_v,
               acc_sh, sem0, sem1):
    c = lax.axis_index("c")
    s = lax.axis_index("s")
    wid = c * NS + s
    cp1 = pltpu.async_copy(ones_hbm, ones_v, sem0)
    cp2 = pltpu.async_copy(zeros_hbm.at[pl.ds(s * RPT, RPT)],
                           acc_sh.at[pl.ds(s * RPT, RPT)], sem1)
    pltpu.sync_copy(dst_hbm.at[wid], didx_v)
    cp1.wait()
    cp2.wait()
    plsc.subcore_barrier()

    sems = (sem0, sem1)
    for b in range(2):
        pltpu.async_copy(ones_v, acc_sh.at[didx_v.at[b]], sems[b], add=True)

    def grp(g, carry):
        for b in range(2):
            i = g * 2 + b
            pltpu.make_async_copy(ones_v, acc_sh.at[didx_v.at[i]],
                                  sems[b]).wait()

            @pl.when(i + 2 < NCHUNK)
            def _():
                pltpu.async_copy(ones_v, acc_sh.at[didx_v.at[i + 2]],
                                 sems[b], add=True)
        return carry

    lax.fori_loop(0, NCHUNK // 2, grp, 0)
    pltpu.make_async_copy(ones_v, acc_sh.at[didx_v.at[NCHUNK - 1]],
                          sems[(NCHUNK - 1) % 2]).wait()
    plsc.subcore_barrier()
    pltpu.sync_copy(acc_sh.at[pl.ds(s * RPT, RPT)],
                    out_hbm.at[c, pl.ds(s * RPT, RPT)])


@functools.partial(
    pl.kernel,
    out_type=jax.ShapeDtypeStruct((NC, NPAD, D), jnp.float32),
    mesh=_mesh,
    scratch_types=[
        pltpu.VMEM((2 * NBUF, CHUNK), jnp.int32),
        pltpu.VMEM((NBUF, CHUNK, D), jnp.float32),
        pltpu.VMEM_SHARED((NPAD, D), jnp.float32),
        pltpu.SemaphoreType.DMA,
        pltpu.SemaphoreType.DMA,
        pltpu.SemaphoreType.DMA,
        pltpu.SemaphoreType.DMA,
        pltpu.SemaphoreType.DMA,
        pltpu.SemaphoreType.DMA,
        pltpu.SemaphoreType.DMA,
        pltpu.SemaphoreType.DMA,
        pltpu.SemaphoreType.DMA,
    ],
)
def _sc_scatter(g_hbm, src_hbm, dst_hbm, zeros_hbm, out_hbm,
                idx_v, rows_v, acc_sh,
                isem0, isem1, isem2, isem3, gsem0, gsem1, gsem2, gsem3,
                zsem):
    c = lax.axis_index("c")
    s = lax.axis_index("s")
    wid = c * NS + s
    isems = (isem0, isem1, isem2, isem3)
    gsems = (gsem0, gsem1, gsem2, gsem3)
    ebase = wid * EPW

    zcp = pltpu.async_copy(zeros_hbm.at[pl.ds(s * RPT, RPT)],
                           acc_sh.at[pl.ds(s * RPT, RPT)], zsem)

    def fire_idx(j, b):
        off = ebase + j * CHUNK
        pltpu.async_copy(src_hbm.at[pl.ds(off, CHUNK)], idx_v.at[2 * b],
                         isems[b])
        pltpu.async_copy(dst_hbm.at[pl.ds(off, CHUNK)], idx_v.at[2 * b + 1],
                         isems[b])

    def wait_idx(b):
        pltpu.make_async_copy(src_hbm.at[pl.ds(0, CHUNK)], idx_v.at[2 * b],
                              isems[b]).wait()
        pltpu.make_async_copy(src_hbm.at[pl.ds(0, CHUNK)],
                              idx_v.at[2 * b + 1], isems[b]).wait()

    def fire_gather(b):
        pltpu.async_copy(g_hbm.at[idx_v.at[2 * b]], rows_v.at[b], gsems[b])

    def wait_gather(b):
        pltpu.make_async_copy(g_hbm.at[idx_v.at[2 * b]], rows_v.at[b],
                              gsems[b]).wait()

    for j in range(NBUF - 1):
        fire_idx(j, j)
    for j in range(NBUF - 2):
        wait_idx(j)
        fire_gather(j)
    zcp.wait()
    plsc.subcore_barrier()

    def grp(g, carry):
        for b in range(NBUF):
            i = g * NBUF + b

            wait_gather(b)
            pltpu.sync_copy(rows_v.at[b], acc_sh.at[idx_v.at[2 * b + 1]],
                            add=True)

            @pl.when(i + NBUF - 1 < NCHUNK)
            def _():
                fire_idx(i + NBUF - 1, (b + NBUF - 1) % NBUF)

            @pl.when(i + NBUF - 2 < NCHUNK)
            def _():
                nb = (b + NBUF - 2) % NBUF
                wait_idx(nb)
                fire_gather(nb)
        return carry

    lax.fori_loop(0, NCHUNK // NBUF, grp, 0)
    tb = (NCHUNK - 1) % NBUF
    wait_gather(tb)
    pltpu.sync_copy(rows_v.at[tb], acc_sh.at[idx_v.at[2 * tb + 1]], add=True)

    plsc.subcore_barrier()
    pltpu.sync_copy(acc_sh.at[pl.ds(s * RPT, RPT)],
                    out_hbm.at[c, pl.ds(s * RPT, RPT)])


def _dinv_from_parts(degp):
    deg = degp[0, :N, 0:1] + degp[1, :N, 0:1] + 1.0
    return lax.rsqrt(deg)


def _tc_front_body(x_ref, w1_ref, degp_ref, g_ref, dinv_ref):
    dinv = _dinv_from_parts(degp_ref[...])
    h = jnp.dot(x_ref[...], w1_ref[...], preferred_element_type=jnp.float32)
    g_ref[...] = h * dinv
    dinv_ref[...] = jnp.broadcast_to(dinv, (N, D))


def _tc_mid_body(acc_ref, g1_ref, dinv_ref, b1_ref, gamma_ref, beta_ref,
                 w2_ref, g2_ref):
    dinv = dinv_ref[...]
    acc = acc_ref[:, :N, :]
    h1 = dinv * (acc[0] + acc[1] + g1_ref[...]) + b1_ref[...]
    mean = jnp.mean(h1, axis=0, keepdims=True)
    var = jnp.mean((h1 - mean) ** 2, axis=0, keepdims=True)
    hn = gamma_ref[...] * (h1 - mean) * lax.rsqrt(var + 1e-5) + beta_ref[...]
    hn = jnp.where(hn > 0, hn, 0.01 * hn)
    h2 = jnp.dot(hn, w2_ref[...], preferred_element_type=jnp.float32)
    g2_ref[...] = h2 * dinv


def _tc_back_body(acc_ref, g2_ref, dinv_ref, b2_ref, out_ref):
    dinv = dinv_ref[...]
    acc = acc_ref[:, :N, :]
    out_ref[...] = dinv * (acc[0] + acc[1] + g2_ref[...]) + b2_ref[...]


def kernel(x, edge_index, W1, b1, gamma, beta, W2, b2):
    src = edge_index[0]
    dst = edge_index[1]
    dst2 = dst.reshape(NW, NCHUNK, CHUNK)
    zeros = jnp.zeros((NPAD, D), jnp.float32)
    ones_rows = jnp.ones((CHUNK, D), jnp.float32)
    deg_parts = _sc_degree(dst2, ones_rows, zeros)
    g1, dinv = pl.pallas_call(
        _tc_front_body,
        out_shape=[jax.ShapeDtypeStruct((N, D), jnp.float32),
                   jax.ShapeDtypeStruct((N, D), jnp.float32)],
    )(x, W1, deg_parts)
    acc1 = _sc_scatter(g1, src, dst, zeros)
    g2 = pl.pallas_call(
        _tc_mid_body,
        out_shape=jax.ShapeDtypeStruct((N, D), jnp.float32),
    )(acc1, g1, dinv, b1.reshape(1, D), gamma.reshape(1, D),
      beta.reshape(1, D), W2)
    acc2 = _sc_scatter(g2, src, dst, zeros)
    out = pl.pallas_call(
        _tc_back_body,
        out_shape=jax.ShapeDtypeStruct((N, D), jnp.float32),
    )(acc2, g2, dinv, b2.reshape(1, D))
    return out

# --- scband reference (transcript-rebuilt; emitter-appended) ---
"""Pipeline reference for scband-gcn-47588237640428 (READ-ONLY COPY).

The authoritative reference and input builder live on the scoring server;
editing this copy changes nothing except your own understanding.
"""

import jax, jax.numpy as jnp
import numpy as np

N_NODES = 10000
D_FEAT = 128
N_EDGES = 320000


def setup_inputs(seed: int = 0) -> dict:
    key = jax.random.key(seed)
    ks = jax.random.split(key, 8)
    x = jax.random.normal(ks[0], (N_NODES, D_FEAT), dtype=jnp.float32)
    edge_index = jax.random.randint(ks[1], (2, N_EDGES), 0, N_NODES, dtype=jnp.int32)
    W1 = jax.random.normal(ks[2], (D_FEAT, D_FEAT), dtype=jnp.float32) * 0.05
    b1 = jnp.zeros((D_FEAT,), dtype=jnp.float32)
    gamma = jnp.ones((D_FEAT,), dtype=jnp.float32)
    beta = jnp.zeros((D_FEAT,), dtype=jnp.float32)
    W2 = jax.random.normal(ks[3], (D_FEAT, D_FEAT), dtype=jnp.float32) * 0.05
    b2 = jnp.zeros((D_FEAT,), dtype=jnp.float32)
    return {"x": x, "edge_index": edge_index, "W1": W1, "b1": b1, "gamma": gamma, "beta": beta, "W2": W2, "b2": b2}


def _gcn_conv(x, edge_index, W, b):
    # Faithful GCNConv: linear transform, add self-loops, symmetric deg^-1/2 normalization,
    # scatter-add aggregation to dst, then bias.
    n = x.shape[0]
    h = x @ W
    loop = jnp.arange(n, dtype=edge_index.dtype)
    src = jnp.concatenate([edge_index[0], loop])
    dst = jnp.concatenate([edge_index[1], loop])
    deg = jnp.zeros((n,), dtype=h.dtype).at[dst].add(1.0)
    dinv = jnp.where(deg > 0, jax.lax.rsqrt(deg), 0.0)
    norm = dinv[src] * dinv[dst]
    msg = h[src] * norm[:, None]
    out = jnp.zeros_like(h).at[dst].add(msg)
    return out + b


def reference(x, edge_index, W1, b1, gamma, beta, W2, b2):
    h = _gcn_conv(x, edge_index, W1, b1)
    # BatchNorm1d over nodes (training-style batch statistics)
    mean = jnp.mean(h, axis=0)
    var = jnp.var(h, axis=0)
    h = gamma * (h - mean) / jnp.sqrt(var + 1e-5) + beta
    # Dropout disabled (eval); LeakyReLU(0.01)
    h = jnp.where(h > 0, h, 0.01 * h)
    h = _gcn_conv(h, edge_index, W2, b2)
    return h

if __name__ == "__main__":
    import jax
    _d = setup_inputs()
    print(jax.jit(kernel)(*tuple(_d.values())))

</pallas_src>

<mosaic_0001>
#map = affine_map<(d0, d1) -> (0, 0)>
#map1 = affine_map<(d0, d1) -> (0)>
#map2 = affine_map<(d0, d1) -> (0, 0, 0)>
module attributes {stable_mosaic.version = 14 : i64} {
  func.func @_sc_scatter(%arg0: i32, %arg1: i32, %arg2: memref<10000x128xf32, #tpu.memory_space<hbm>>, %arg3: memref<320000xi32, #tpu.memory_space<hbm>>, %arg4: memref<320000xi32, #tpu.memory_space<hbm>>, %arg5: memref<10240x128xf32, #tpu.memory_space<hbm>>, %arg6: memref<2x10240x128xf32, #tpu.memory_space<hbm>>, %arg7: memref<8x80xi32, #tpu.memory_space<vmem>>, %arg8: memref<4x80x128xf32, #tpu.memory_space<vmem>>, %arg9: memref<10240x128xf32, #tpu.memory_space<vmem_shared>>, %arg10: memref<!tpu.dma_semaphore, #tpu.memory_space<semaphore_mem>>, %arg11: memref<!tpu.dma_semaphore, #tpu.memory_space<semaphore_mem>>, %arg12: memref<!tpu.dma_semaphore, #tpu.memory_space<semaphore_mem>>, %arg13: memref<!tpu.dma_semaphore, #tpu.memory_space<semaphore_mem>>, %arg14: memref<!tpu.dma_semaphore, #tpu.memory_space<semaphore_mem>>, %arg15: memref<!tpu.dma_semaphore, #tpu.memory_space<semaphore_mem>>, %arg16: memref<!tpu.dma_semaphore, #tpu.memory_space<semaphore_mem>>, %arg17: memref<!tpu.dma_semaphore, #tpu.memory_space<semaphore_mem>>, %arg18: memref<!tpu.dma_semaphore, #tpu.memory_space<semaphore_mem>>) attributes {dimension_semantics = [#tpu.dimension_semantics<core_parallel>, #tpu.dimension_semantics<subcore_parallel>], iteration_bounds = array<i64: 2, 16>, scalar_prefetch = 0 : i64, scratch_operands = 12 : i64, tpu.core_type = #tpu.core_type<sc_vector_subcore>, window_params = [{transform_indices = #map}, {transform_indices = #map1}, {transform_indices = #map1}, {transform_indices = #map}, {transform_indices = #map2}]} {
    %mul3A = arith.constant 16 : i32
    %mul3A_0 = arith.muli %arg0, %mul3A : i32
    %add3A = arith.addi %mul3A_0, %arg1 : i32
    %mul3A_1 = arith.constant 10000 : i32
    %mul3A_2 = arith.muli %add3A, %mul3A_1 : i32
    %mul3A_3 = arith.constant 640 : i32
    %mul3A_4 = arith.muli %arg1, %mul3A_3 : i32
    %mul3A_5 = arith.constant 640 : i32
    %mul3A_6 = arith.muli %arg1, %mul3A_5 : i32
    %dma_start3A = arith.constant 0 : i32
    %dma_start3A_7 = tpu.memref_slice %arg9[%mul3A_6, %dma_start3A] : memref<10240x128xf32, #tpu.memory_space<vmem_shared>> -> memref<640x128xf32, #tpu.memory_space<vmem_shared>>
    %dma_start3A_8 = arith.constant 0 : i32
    %dma_start3A_9 = tpu.memref_slice %arg5[%mul3A_4, %dma_start3A_8] : memref<10240x128xf32, #tpu.memory_space<hbm>> -> memref<640x128xf32, #tpu.memory_space<hbm>>
    tpu.enqueue_dma source(%dma_start3A_9 : memref<640x128xf32, #tpu.memory_space<hbm>>) target(%dma_start3A_7 : memref<640x128xf32, #tpu.memory_space<vmem_shared>>) target_semaphore(%arg18 : memref<!tpu.dma_semaphore, #tpu.memory_space<semaphore_mem>>)
    %add3A_10 = arith.constant 0 : i32
    %add3A_11 = arith.addi %mul3A_2, %add3A_10 : i32
    %dma_start3A_12 = arith.constant 0 : i32
    %dma_start3A_13 = arith.constant 0 : i32
    %dma_start3A_14 = tpu.memref_slice %arg7[%dma_start3A_12, %dma_start3A_13] : memref<8x80xi32, #tpu.memory_space<vmem>> -> memref<1x80xi32, #tpu.memory_space<vmem>>
    %dma_start3A_15 = tpu.memref_squeeze %dma_start3A_14 : memref<1x80xi32, #tpu.memory_space<vmem>> -> memref<80xi32, #tpu.memory_space<vmem>>
    %dma_start3A_16 = tpu.memref_slice %arg3[%add3A_11] : memref<320000xi32, #tpu.memory_space<hbm>> -> memref<80xi32, #tpu.memory_space<hbm>>
    %dma_start3A_17 = arith.constant 0 : i32
    %dma_start3A_18 = tpu.memref_slice %arg7[%dma_start3A_12, %dma_start3A_17] : memref<8x80xi32, #tpu.memory_space<vmem>> -> memref<1x80xi32, #tpu.memory_space<vmem>>
    %dma_start3A_19 = tpu.memref_squeeze %dma_start3A_18 : memref<1x80xi32, #tpu.memory_space<vmem>> -> memref<80xi32, #tpu.memory_space<vmem>>
    %dma_start3A_20 = tpu.memref_slice %arg3[%add3A_11] : memref<320000xi32, #tpu.memory_space<hbm>> -> memref<80xi32, #tpu.memory_space<hbm>>
    tpu.enqueue_dma source(%dma_start3A_20 : memref<80xi32, #tpu.memory_space<hbm>>) target(%dma_start3A_19 : memref<80xi32, #tpu.memory_space<vmem>>) target_semaphore(%arg10 : memref<!tpu.dma_semaphore, #tpu.memory_space<semaphore_mem>>)
    %dma_start3A_21 = arith.constant 1 : i32
    %dma_start3A_22 = arith.constant 0 : i32
    %dma_start3A_23 = tpu.memref_slice %arg7[%dma_start3A_21, %dma_start3A_22] : memref<8x80xi32, #tpu.memory_space<vmem>> -> memref<1x80xi32, #tpu.memory_space<vmem>>
    %dma_start3A_24 = tpu.memref_squeeze %dma_start3A_23 : memref<1x80xi32, #tpu.memory_space<vmem>> -> memref<80xi32, #tpu.memory_space<vmem>>
    %dma_start3A_25 = tpu.memref_slice %arg4[%add3A_11] : memref<320000xi32, #tpu.memory_space<hbm>> -> memref<80xi32, #tpu.memory_space<hbm>>
    %dma_start3A_26 = arith.constant 0 : i32
    %dma_start3A_27 = tpu.memref_slice %arg7[%dma_start3A_21, %dma_start3A_26] : memref<8x80xi32, #tpu.memory_space<vmem>> -> memref<1x80xi32, #tpu.memory_space<vmem>>
    %dma_start3A_28 = tpu.memref_squeeze %dma_start3A_27 : memref<1x80xi32, #tpu.memory_space<vmem>> -> memref<80xi32, #tpu.memory_space<vmem>>
    %dma_start3A_29 = tpu.memref_slice %arg4[%add3A_11] : memref<320000xi32, #tpu.memory_space<hbm>> -> memref<80xi32, #tpu.memory_space<hbm>>
    tpu.enqueue_dma source(%dma_start3A_29 : memref<80xi32, #tpu.memory_space<hbm>>) target(%dma_start3A_28 : memref<80xi32, #tpu.memory_space<vmem>>) target_semaphore(%arg10 : memref<!tpu.dma_semaphore, #tpu.memory_space<semaphore_mem>>)
    %add3A_30 = arith.constant 80 : i32
    %add3A_31 = arith.addi %mul3A_2, %add3A_30 : i32
    %dma_start3A_32 = arith.constant 2 : i32
    %dma_start3A_33 = arith.constant 0 : i32
    %dma_start3A_34 = tpu.memref_slice %arg7[%dma_start3A_32, %dma_start3A_33] : memref<8x80xi32, #tpu.memory_space<vmem>> -> memref<1x80xi32, #tpu.memory_space<vmem>>
    %dma_start3A_35 = tpu.memref_squeeze %dma_start3A_34 : memref<1x80xi32, #tpu.memory_space<vmem>> -> memref<80xi32, #tpu.memory_space<vmem>>
    %dma_start3A_36 = tpu.memref_slice %arg3[%add3A_31] : memref<320000xi32, #tpu.memory_space<hbm>> -> memref<80xi32, #tpu.memory_space<hbm>>
    %dma_start3A_37 = arith.constant 0 : i32
    %dma_start3A_38 = tpu.memref_slice %arg7[%dma_start3A_32, %dma_start3A_37] : memref<8x80xi32, #tpu.memory_space<vmem>> -> memref<1x80xi32, #tpu.memory_space<vmem>>
    %dma_start3A_39 = tpu.memref_squeeze %dma_start3A_38 : memref<1x80xi32, #tpu.memory_space<vmem>> -> memref<80xi32, #tpu.memory_space<vmem>>
    %dma_start3A_40 = tpu.memref_slice %arg3[%add3A_31] : memref<320000xi32, #tpu.memory_space<hbm>> -> memref<80xi32, #tpu.memory_space<hbm>>
    tpu.enqueue_dma source(%dma_start3A_40 : memref<80xi32, #tpu.memory_space<hbm>>) target(%dma_start3A_39 : memref<80xi32, #tpu.memory_space<vmem>>) target_semaphore(%arg11 : memref<!tpu.dma_semaphore, #tpu.memory_space<semaphore_mem>>)
    %dma_start3A_41 = arith.constant 3 : i32
    %dma_start3A_42 = arith.constant 0 : i32
    %dma_start3A_43 = tpu.memref_slice %arg7[%dma_start3A_41, %dma_start3A_42] : memref<8x80xi32, #tpu.memory_space<vmem>> -> memref<1x80xi32, #tpu.memory_space<vmem>>
    %dma_start3A_44 = tpu.memref_squeeze %dma_start3A_43 : memref<1x80xi32, #tpu.memory_space<vmem>> -> memref<80xi32, #tpu.memory_space<vmem>>
    %dma_start3A_45 = tpu.memref_slice %arg4[%add3A_31] : memref<320000xi32, #tpu.memory_space<hbm>> -> memref<80xi32, #tpu.memory_space<hbm>>
    %dma_start3A_46 = arith.constant 0 : i32
    %dma_start3A_47 = tpu.memref_slice %arg7[%dma_start3A_41, %dma_start3A_46] : memref<8x80xi32, #tpu.memory_space<vmem>> -> memref<1x80xi32, #tpu.memory_space<vmem>>
    %dma_start3A_48 = tpu.memref_squeeze %dma_start3A_47 : memref<1x80xi32, #tpu.memory_space<vmem>> -> memref<80xi32, #tpu.memory_space<vmem>>
    %dma_start3A_49 = tpu.memref_slice %arg4[%add3A_31] : memref<320000xi32, #tpu.memory_space<hbm>> -> memref<80xi32, #tpu.memory_space<hbm>>
    tpu.enqueue_dma source(%dma_start3A_49 : memref<80xi32, #tpu.memory_space<hbm>>) target(%dma_start3A_48 : memref<80xi32, #tpu.memory_space<vmem>>) target_semaphore(%arg11 : memref<!tpu.dma_semaphore, #tpu.memory_space<semaphore_mem>>)
    %add3A_50 = arith.constant 160 : i32
    %add3A_51 = arith.addi %mul3A_2, %add3A_50 : i32
    %dma_start3A_52 = arith.constant 4 : i32
    %dma_start3A_53 = arith.constant 0 : i32
    %dma_start3A_54 = tpu.memref_slice %arg7[%dma_start3A_52, %dma_start3A_53] : memref<8x80xi32, #tpu.memory_space<vmem>> -> memref<1x80xi32, #tpu.memory_space<vmem>>
    %dma_start3A_55 = tpu.memref_squeeze %dma_start3A_54 : memref<1x80xi32, #tpu.memory_space<vmem>> -> memref<80xi32, #tpu.memory_space<vmem>>
    %dma_start3A_56 = tpu.memref_slice %arg3[%add3A_51] : memref<320000xi32, #tpu.memory_space<hbm>> -> memref<80xi32, #tpu.memory_space<hbm>>
    %dma_start3A_57 = arith.constant 0 : i32
    %dma_start3A_58 = tpu.memref_slice %arg7[%dma_start3A_52, %dma_start3A_57] : memref<8x80xi32, #tpu.memory_space<vmem>> -> memref<1x80xi32, #tpu.memory_space<vmem>>
    %dma_start3A_59 = tpu.memref_squeeze %dma_start3A_58 : memref<1x80xi32, #tpu.memory_space<vmem>> -> memref<80xi32, #tpu.memory_space<vmem>>
    %dma_start3A_60 = tpu.memref_slice %arg3[%add3A_51] : memref<320000xi32, #tpu.memory_space<hbm>> -> memref<80xi32, #tpu.memory_space<hbm>>
    tpu.enqueue_dma source(%dma_start3A_60 : memref<80xi32, #tpu.memory_space<hbm>>) target(%dma_start3A_59 : memref<80xi32, #tpu.memory_space<vmem>>) target_semaphore(%arg12 : memref<!tpu.dma_semaphore, #tpu.memory_space<semaphore_mem>>)
    %dma_start3A_61 = arith.constant 5 : i32
    %dma_start3A_62 = arith.constant 0 : i32
    %dma_start3A_63 = tpu.memref_slice %arg7[%dma_start3A_61, %dma_start3A_62] : memref<8x80xi32, #tpu.memory_space<vmem>> -> memref<1x80xi32, #tpu.memory_space<vmem>>
    %dma_start3A_64 = tpu.memref_squeeze %dma_start3A_63 : memref<1x80xi32, #tpu.memory_space<vmem>> -> memref<80xi32, #tpu.memory_space<vmem>>
    %dma_start3A_65 = tpu.memref_slice %arg4[%add3A_51] : memref<320000xi32, #tpu.memory_space<hbm>> -> memref<80xi32, #tpu.memory_space<hbm>>
    %dma_start3A_66 = arith.constant 0 : i32
    %dma_start3A_67 = tpu.memref_slice %arg7[%dma_start3A_61, %dma_start3A_66] : memref<8x80xi32, #tpu.memory_space<vmem>> -> memref<1x80xi32, #tpu.memory_space<vmem>>
    %dma_start3A_68 = tpu.memref_squeeze %dma_start3A_67 : memref<1x80xi32, #tpu.memory_space<vmem>> -> memref<80xi32, #tpu.memory_space<vmem>>
    %dma_start3A_69 = tpu.memref_slice %arg4[%add3A_51] : memref<320000xi32, #tpu.memory_space<hbm>> -> memref<80xi32, #tpu.memory_space<hbm>>
    tpu.enqueue_dma source(%dma_start3A_69 : memref<80xi32, #tpu.memory_space<hbm>>) target(%dma_start3A_68 : memref<80xi32, #tpu.memory_space<vmem>>) target_semaphore(%arg12 : memref<!tpu.dma_semaphore, #tpu.memory_space<semaphore_mem>>)
    %dma_wait3A = arith.constant 0 : i32
    %dma_wait3A_70 = arith.constant 0 : i32
    %dma_wait3A_71 = tpu.memref_slice %arg7[%dma_wait3A, %dma_wait3A_70] : memref<8x80xi32, #tpu.memory_space<vmem>> -> memref<1x80xi32, #tpu.memory_space<vmem>>
    %dma_wait3A_72 = tpu.memref_squeeze %dma_wait3A_71 : memref<1x80xi32, #tpu.memory_space<vmem>> -> memref<80xi32, #tpu.memory_space<vmem>>
    %dma_wait3A_73 = arith.constant 0 : i32
    %dma_wait3A_74 = tpu.memref_slice %arg3[%dma_wait3A_73] : memref<320000xi32, #tpu.memory_space<hbm>> -> memref<80xi32, #tpu.memory_space<hbm>>
    %dma_wait3A_75 = arith.constant 0 : i32
    %dma_wait3A_76 = tpu.memref_slice %arg7[%dma_wait3A, %dma_wait3A_75] : memref<8x80xi32, #tpu.memory_space<vmem>> -> memref<1x80xi32, #tpu.memory_space<vmem>>
    %dma_wait3A_77 = tpu.memref_squeeze %dma_wait3A_76 : memref<1x80xi32, #tpu.memory_space<vmem>> -> memref<80xi32, #tpu.memory_space<vmem>>
    %dma_wait3A_78 = arith.constant 0 : i32
    %dma_wait3A_79 = tpu.memref_slice %arg3[%dma_wait3A_78] : memref<320000xi32, #tpu.memory_space<hbm>> -> memref<80xi32, #tpu.memory_space<hbm>>
    tpu.wait_dma2 semaphore(%arg10 : memref<!tpu.dma_semaphore, #tpu.memory_space<semaphore_mem>>) src(%dma_wait3A_79 : memref<80xi32, #tpu.memory_space<hbm>>) dst(%dma_wait3A_77 : memref<80xi32, #tpu.memory_space<vmem>>)
    %dma_wait3A_80 = arith.constant 1 : i32
    %dma_wait3A_81 = arith.constant 0 : i32
    %dma_wait3A_82 = tpu.memref_slice %arg7[%dma_wait3A_80, %dma_wait3A_81] : memref<8x80xi32, #tpu.memory_space<vmem>> -> memref<1x80xi32, #tpu.memory_space<vmem>>
    %dma_wait3A_83 = tpu.memref_squeeze %dma_wait3A_82 : memref<1x80xi32, #tpu.memory_space<vmem>> -> memref<80xi32, #tpu.memory_space<vmem>>
    %dma_wait3A_84 = arith.constant 0 : i32
    %dma_wait3A_85 = tpu.memref_slice %arg3[%dma_wait3A_84] : memref<320000xi32, #tpu.memory_space<hbm>> -> memref<80xi32, #tpu.memory_space<hbm>>
    %dma_wait3A_86 = arith.constant 0 : i32
    %dma_wait3A_87 = tpu.memref_slice %arg7[%dma_wait3A_80, %dma_wait3A_86] : memref<8x80xi32, #tpu.memory_space<vmem>> -> memref<1x80xi32, #tpu.memory_space<vmem>>
    %dma_wait3A_88 = tpu.memref_squeeze %dma_wait3A_87 : memref<1x80xi32, #tpu.memory_space<vmem>> -> memref<80xi32, #tpu.memory_space<vmem>>
    %dma_wait3A_89 = arith.constant 0 : i32
    %dma_wait3A_90 = tpu.memref_slice %arg3[%dma_wait3A_89] : memref<320000xi32, #tpu.memory_space<hbm>> -> memref<80xi32, #tpu.memory_space<hbm>>
    tpu.wait_dma2 semaphore(%arg10 : memref<!tpu.dma_semaphore, #tpu.memory_space<semaphore_mem>>) src(%dma_wait3A_90 : memref<80xi32, #tpu.memory_space<hbm>>) dst(%dma_wait3A_88 : memref<80xi32, #tpu.memory_space<vmem>>)
    %dma_start3A_91 = arith.constant 0 : i32
    %dma_start3A_92 = arith.constant 0 : i32
    %dma_start3A_93 = arith.constant 0 : i32
    %dma_start3A_94 = arith.constant 0 : i32
    %dma_start3A_95 = tpu.memref_slice %arg8[%dma_start3A_92, %dma_start3A_93, %dma_start3A_94] : memref<4x80x128xf32, #tpu.memory_space<vmem>> -> memref<1x80x128xf32, #tpu.memory_space<vmem>>
    %dma_start3A_96 = tpu.memref_squeeze %dma_start3A_95 : memref<1x80x128xf32, #tpu.memory_space<vmem>> -> memref<80x128xf32, #tpu.memory_space<vmem>>
    %dma_start3A_97 = arith.constant 0 : i32
    %dma_start3A_98 = tpu.memref_slice %arg7[%dma_start3A_91, %dma_start3A_97] : memref<8x80xi32, #tpu.memory_space<vmem>> -> memref<1x80xi32, #tpu.memory_space<vmem>>
    %dma_start3A_99 = tpu.memref_squeeze %dma_start3A_98 : memref<1x80xi32, #tpu.memory_space<vmem>> -> memref<80xi32, #tpu.memory_space<vmem>>
    %dma_start3A_100 = arith.constant 0 : i32
    %dma_start3A_101 = arith.constant 0 : i32
    %dma_start3A_102 = tpu.memref_slice %arg2[%dma_start3A_100, %dma_start3A_101] : memref<10000x128xf32, #tpu.memory_space<hbm>> -> memref<10000x128xf32, #tpu.memory_space<hbm>>
    tpu.enqueue_indirect_dma source(%dma_start3A_102 : memref<10000x128xf32, #tpu.memory_space<hbm>>) target(%dma_start3A_96 : memref<80x128xf32, #tpu.memory_space<vmem>>) offsets(%dma_start3A_99 : memref<80xi32, #tpu.memory_space<vmem>>) semaphore(%arg14 : memref<!tpu.dma_semaphore, #tpu.memory_space<semaphore_mem>>)
    %dma_wait3A_103 = arith.constant 2 : i32
    %dma_wait3A_104 = arith.constant 0 : i32
    %dma_wait3A_105 = tpu.memref_slice %arg7[%dma_wait3A_103, %dma_wait3A_104] : memref<8x80xi32, #tpu.memory_space<vmem>> -> memref<1x80xi32, #tpu.memory_space<vmem>>
    %dma_wait3A_106 = tpu.memref_squeeze %dma_wait3A_105 : memref<1x80xi32, #tpu.memory_space<vmem>> -> memref<80xi32, #tpu.memory_space<vmem>>
    %dma_wait3A_107 = arith.constant 0 : i32
    %dma_wait3A_108 = tpu.memref_slice %arg3[%dma_wait3A_107] : memref<320000xi32, #tpu.memory_space<hbm>> -> memref<80xi32, #tpu.memory_space<hbm>>
    %dma_wait3A_109 = arith.constant 0 : i32
    %dma_wait3A_110 = tpu.memref_slice %arg7[%dma_wait3A_103, %dma_wait3A_109] : memref<8x80xi32, #tpu.memory_space<vmem>> -> memref<1x80xi32, #tpu.memory_space<vmem>>
    %dma_wait3A_111 = tpu.memref_squeeze %dma_wait3A_110 : memref<1x80xi32, #tpu.memory_space<vmem>> -> memref<80xi32, #tpu.memory_space<vmem>>
    %dma_wait3A_112 = arith.constant 0 : i32
    %dma_wait3A_113 = tpu.memref_slice %arg3[%dma_wait3A_112] : memref<320000xi32, #tpu.memory_space<hbm>> -> memref<80xi32, #tpu.memory_space<hbm>>
    tpu.wait_dma2 semaphore(%arg11 : memref<!tpu.dma_semaphore, #tpu.memory_space<semaphore_mem>>) src(%dma_wait3A_113 : memref<80xi32, #tpu.memory_space<hbm>>) dst(%dma_wait3A_111 : memref<80xi32, #tpu.memory_space<vmem>>)
    %dma_wait3A_114 = arith.constant 3 : i32
    %dma_wait3A_115 = arith.constant 0 : i32
    %dma_wait3A_116 = tpu.memref_slice %arg7[%dma_wait3A_114, %dma_wait3A_115] : memref<8x80xi32, #tpu.memory_space<vmem>> -> memref<1x80xi32, #tpu.memory_space<vmem>>
    %dma_wait3A_117 = tpu.memref_squeeze %dma_wait3A_116 : memref<1x80xi32, #tpu.memory_space<vmem>> -> memref<80xi32, #tpu.memory_space<vmem>>
    %dma_wait3A_118 = arith.constant 0 : i32
    %dma_wait3A_119 = tpu.memref_slice %arg3[%dma_wait3A_118] : memref<320000xi32, #tpu.memory_space<hbm>> -> memref<80xi32, #tpu.memory_space<hbm>>
    %dma_wait3A_120 = arith.constant 0 : i32
    %dma_wait3A_121 = tpu.memref_slice %arg7[%dma_wait3A_114, %dma_wait3A_120] : memref<8x80xi32, #tpu.memory_space<vmem>> -> memref<1x80xi32, #tpu.memory_space<vmem>>
    %dma_wait3A_122 = tpu.memref_squeeze %dma_wait3A_121 : memref<1x80xi32, #tpu.memory_space<vmem>> -> memref<80xi32, #tpu.memory_space<vmem>>
    %dma_wait3A_123 = arith.constant 0 : i32
    %dma_wait3A_124 = tpu.memref_slice %arg3[%dma_wait3A_123] : memref<320000xi32, #tpu.memory_space<hbm>> -> memref<80xi32, #tpu.memory_space<hbm>>
    tpu.wait_dma2 semaphore(%arg11 : memref<!tpu.dma_semaphore, #tpu.memory_space<semaphore_mem>>) src(%dma_wait3A_124 : memref<80xi32, #tpu.memory_space<hbm>>) dst(%dma_wait3A_122 : memref<80xi32, #tpu.memory_space<vmem>>)
    %dma_start3A_125 = arith.constant 2 : i32
    %dma_start3A_126 = arith.constant 1 : i32
    %dma_start3A_127 = arith.constant 0 : i32
    %dma_start3A_128 = arith.constant 0 : i32
    %dma_start3A_129 = tpu.memref_slice %arg8[%dma_start3A_126, %dma_start3A_127, %dma_start3A_128] : memref<4x80x128xf32, #tpu.memory_space<vmem>> -> memref<1x80x128xf32, #tpu.memory_space<vmem>>
    %dma_start3A_130 = tpu.memref_squeeze %dma_start3A_129 : memref<1x80x128xf32, #tpu.memory_space<vmem>> -> memref<80x128xf32, #tpu.memory_space<vmem>>
    %dma_start3A_131 = arith.constant 0 : i32
    %dma_start3A_132 = tpu.memref_slice %arg7[%dma_start3A_125, %dma_start3A_131] : memref<8x80xi32, #tpu.memory_space<vmem>> -> memref<1x80xi32, #tpu.memory_space<vmem>>
    %dma_start3A_133 = tpu.memref_squeeze %dma_start3A_132 : memref<1x80xi32, #tpu.memory_space<vmem>> -> memref<80xi32, #tpu.memory_space<vmem>>
    %dma_start3A_134 = arith.constant 0 : i32
    %dma_start3A_135 = arith.constant 0 : i32
    %dma_start3A_136 = tpu.memref_slice %arg2[%dma_start3A_134, %dma_start3A_135] : memref<10000x128xf32, #tpu.memory_space<hbm>> -> memref<10000x128xf32, #tpu.memory_space<hbm>>
    tpu.enqueue_indirect_dma source(%dma_start3A_136 : memref<10000x128xf32, #tpu.memory_space<hbm>>) target(%dma_start3A_130 : memref<80x128xf32, #tpu.memory_space<vmem>>) offsets(%dma_start3A_133 : memref<80xi32, #tpu.memory_space<vmem>>) semaphore(%arg15 : memref<!tpu.dma_semaphore, #tpu.memory_space<semaphore_mem>>)
    %dma_wait3A_137 = arith.constant 0 : i32
    %dma_wait3A_138 = tpu.memref_slice %arg9[%mul3A_6, %dma_wait3A_137] : memref<10240x128xf32, #tpu.memory_space<vmem_shared>> -> memref<640x128xf32, #tpu.memory_space<vmem_shared>>
    %dma_wait3A_139 = arith.constant 0 : i32
    %dma_wait3A_140 = tpu.memref_slice %arg5[%mul3A_4, %dma_wait3A_139] : memref<10240x128xf32, #tpu.memory_space<hbm>> -> memref<640x128xf32, #tpu.memory_space<hbm>>
    tpu.wait_dma2 semaphore(%arg18 : memref<!tpu.dma_semaphore, #tpu.memory_space<semaphore_mem>>) src(%dma_wait3A_140 : memref<640x128xf32, #tpu.memory_space<hbm>>) dst(%dma_wait3A_138 : memref<640x128xf32, #tpu.memory_space<vmem_shared>>)
    %barrier3A = arith.constant 0 : index
    tpu.barrier barrier_id(%barrier3A)
    %scan3A = arith.constant 0 : i32
    %scan3A_141 = arith.constant 0 : i32
    %scan3A_142 = arith.constant 31 : i32
    %scan3A_143 = arith.addi %scan3A_141, %scan3A_142 : i32
    %scan3A_144 = arith.constant 1 : i32
    scf.for %scan3A_164 = %scan3A_141 to %scan3A_143 step %scan3A_144  : i32 {
      %mul3A_165 = arith.constant 4 : i32
      %mul3A_166 = arith.muli %scan3A_164, %mul3A_165 : i32
      %add3A_167 = arith.constant 0 : i32
      %add3A_168 = arith.addi %mul3A_166, %add3A_167 : i32
      %dma_wait3A_169 = arith.constant 0 : i32
      %dma_wait3A_170 = arith.constant 0 : i32
      %dma_wait3A_171 = arith.constant 0 : i32
      %dma_wait3A_172 = arith.constant 0 : i32
      %dma_wait3A_173 = tpu.memref_slice %arg8[%dma_wait3A_170, %dma_wait3A_171, %dma_wait3A_172] : memref<4x80x128xf32, #tpu.memory_space<vmem>> -> memref<1x80x128xf32, #tpu.memory_space<vmem>>
      %dma_wait3A_174 = tpu.memref_squeeze %dma_wait3A_173 : memref<1x80x128xf32, #tpu.memory_space<vmem>> -> memref<80x128xf32, #tpu.memory_space<vmem>>
      %dma_wait3A_175 = arith.constant 0 : i32
      %dma_wait3A_176 = tpu.memref_slice %arg7[%dma_wait3A_169, %dma_wait3A_175] : memref<8x80xi32, #tpu.memory_space<vmem>> -> memref<1x80xi32, #tpu.memory_space<vmem>>
      %dma_wait3A_177 = tpu.memref_squeeze %dma_wait3A_176 : memref<1x80xi32, #tpu.memory_space<vmem>> -> memref<80xi32, #tpu.memory_space<vmem>>
      %dma_wait3A_178 = arith.constant 0 : i32
      %dma_wait3A_179 = arith.constant 0 : i32
      %dma_wait3A_180 = tpu.memref_slice %arg2[%dma_wait3A_178, %dma_wait3A_179] : memref<10000x128xf32, #tpu.memory_space<hbm>> -> memref<10000x128xf32, #tpu.memory_space<hbm>>
      tpu.wait_indirect_dma semaphore(%arg14 : memref<!tpu.dma_semaphore, #tpu.memory_space<semaphore_mem>>) src(%dma_wait3A_180 : memref<10000x128xf32, #tpu.memory_space<hbm>>) dst(%dma_wait3A_174 : memref<80x128xf32, #tpu.memory_space<vmem>>)
      %run_scoped3A_181 = arith.constant 0 : i32
      %run_scoped3A_182 = arith.constant 1 : i32
      "tpu.region"() ({
        %run_scoped3A_305 = tpu.sem_alloc : memref<!tpu.dma_semaphore, #tpu.memory_space<semaphore_mem>>
        %dma_start3A_306 = arith.constant 0 : i32
        %dma_start3A_307 = arith.constant 0 : i32
        %dma_start3A_308 = tpu.memref_slice %arg8[%run_scoped3A_181, %dma_start3A_306, %dma_start3A_307] : memref<4x80x128xf32, #tpu.memory_space<vmem>> -> memref<1x80x128xf32, #tpu.memory_space<vmem>>
        %dma_start3A_309 = tpu.memref_squeeze %dma_start3A_308 : memref<1x80x128xf32, #tpu.memory_space<vmem>> -> memref<80x128xf32, #tpu.memory_space<vmem>>
        %dma_start3A_310 = arith.constant 0 : i32
        %dma_start3A_311 = tpu.memref_slice %arg7[%run_scoped3A_182, %dma_start3A_310] : memref<8x80xi32, #tpu.memory_space<vmem>> -> memref<1x80xi32, #tpu.memory_space<vmem>>
        %dma_start3A_312 = tpu.memref_squeeze %dma_start3A_311 : memref<1x80xi32, #tpu.memory_space<vmem>> -> memref<80xi32, #tpu.memory_space<vmem>>
        %dma_start3A_313 = arith.constant 0 : i32
        %dma_start3A_314 = arith.constant 0 : i32
        %dma_start3A_315 = tpu.memref_slice %arg9[%dma_start3A_313, %dma_start3A_314] : memref<10240x128xf32, #tpu.memory_space<vmem_shared>> -> memref<10240x128xf32, #tpu.memory_space<vmem_shared>>
        tpu.enqueue_indirect_dma source(%dma_start3A_309 : memref<80x128xf32, #tpu.memory_space<vmem>>) target(%dma_start3A_315 : memref<10240x128xf32, #tpu.memory_space<vmem_shared>>) offsets(%dma_start3A_312 : memref<80xi32, #tpu.memory_space<vmem>>) semaphore(%run_scoped3A_305 : memref<!tpu.dma_semaphore, #tpu.memory_space<semaphore_mem>>) {add = true}
        %dma_wait3A_316 = arith.constant 0 : i32
        %dma_wait3A_317 = arith.constant 0 : i32
        %dma_wait3A_318 = tpu.memref_slice %arg8[%run_scoped3A_181, %dma_wait3A_316, %dma_wait3A_317] : memref<4x80x128xf32, #tpu.memory_space<vmem>> -> memref<1x80x128xf32, #tpu.memory_space<vmem>>
        %dma_wait3A_319 = tpu.memref_squeeze %dma_wait3A_318 : memref<1x80x128xf32, #tpu.memory_space<vmem>> -> memref<80x128xf32, #tpu.memory_space<vmem>>
        %dma_wait3A_320 = arith.constant 0 : i32
        %dma_wait3A_321 = tpu.memref_slice %arg7[%run_scoped3A_182, %dma_wait3A_320] : memref<8x80xi32, #tpu.memory_space<vmem>> -> memref<1x80xi32, #tpu.memory_space<vmem>>
        %dma_wait3A_322 = tpu.memref_squeeze %dma_wait3A_321 : memref<1x80xi32, #tpu.memory_space<vmem>> -> memref<80xi32, #tpu.memory_space<vmem>>
        %dma_wait3A_323 = arith.constant 0 : i32
        %dma_wait3A_324 = arith.constant 0 : i32
        %dma_wait3A_325 = tpu.memref_slice %arg9[%dma_wait3A_323, %dma_wait3A_324] : memref<10240x128xf32, #tpu.memory_space<vmem_shared>> -> memref<10240x128xf32, #tpu.memory_space<vmem_shared>>
        tpu.wait_indirect_dma semaphore(%run_scoped3A_305 : memref<!tpu.dma_semaphore, #tpu.memory_space<semaphore_mem>>) src(%dma_wait3A_319 : memref<80x128xf32, #tpu.memory_space<vmem>>) dst(%dma_wait3A_325 : memref<10240x128xf32, #tpu.memory_space<vmem_shared>>)
        tpu.yield
      }) : () -> ()
      %add3A_183 = arith.constant 4 : i32
      %add3A_184 = arith.addi %add3A_168, %add3A_183 : i32
      %sub3A = arith.constant 1 : i32
      %sub3A_185 = arith.subi %add3A_184, %sub3A : i32
      %lt3A = arith.constant 125 : i32
      %lt3A_186 = arith.cmpi slt, %sub3A_185, %lt3A : i32
      %convert_element_type3A = arith.extui %lt3A_186 : i1 to i32
      %cond3A = arith.constant 0 : i32
      %cond3A_187 = arith.cmpi ne, %convert_element_type3A, %cond3A : i32
      scf.if %cond3A_187 {
        %add3A_305 = arith.constant 4 : i32
        %add3A_306 = arith.addi %add3A_168, %add3A_305 : i32
        %sub3A_307 = arith.constant 1 : i32
        %sub3A_308 = arith.subi %add3A_306, %sub3A_307 : i32
        %mul3A_309 = arith.constant 80 : i32
        %mul3A_310 = arith.muli %sub3A_308, %mul3A_309 : i32
        %add3A_311 = arith.addi %mul3A_2, %mul3A_310 : i32
        %dma_start3A_312 = arith.constant 6 : i32
        %dma_start3A_313 = arith.constant 0 : i32
        %dma_start3A_314 = tpu.memref_slice %arg7[%dma_start3A_312, %dma_start3A_313] : memref<8x80xi32, #tpu.memory_space<vmem>> -> memref<1x80xi32, #tpu.memory_space<vmem>>
        %dma_start3A_315 = tpu.memref_squeeze %dma_start3A_314 : memref<1x80xi32, #tpu.memory_space<vmem>> -> memref<80xi32, #tpu.memory_space<vmem>>
        %dma_start3A_316 = tpu.memref_slice %arg3[%add3A_311] : memref<320000xi32, #tpu.memory_space<hbm>> -> memref<80xi32, #tpu.memory_space<hbm>>
        %dma_start3A_317 = arith.constant 0 : i32
        %dma_start3A_318 = tpu.memref_slice %arg7[%dma_start3A_312, %dma_start3A_317] : memref<8x80xi32, #tpu.memory_space<vmem>> -> memref<1x80xi32, #tpu.memory_space<vmem>>
        %dma_start3A_319 = tpu.memref_squeeze %dma_start3A_318 : memref<1x80xi32, #tpu.memory_space<vmem>> -> memref<80xi32, #tpu.memory_space<vmem>>
        %dma_start3A_320 = tpu.memref_slice %arg3[%add3A_311] : memref<320000xi32, #tpu.memory_space<hbm>> -> memref<80xi32, #tpu.memory_space<hbm>>
        tpu.enqueue_dma source(%dma_start3A_320 : memref<80xi32, #tpu.memory_space<hbm>>) target(%dma_start3A_319 : memref<80xi32, #tpu.memory_space<vmem>>) target_semaphore(%arg13 : memref<!tpu.dma_semaphore, #tpu.memory_space<semaphore_mem>>)
        %dma_start3A_321 = arith.constant 7 : i32
        %dma_start3A_322 = arith.constant 0 : i32
        %dma_start3A_323 = tpu.memref_slice %arg7[%dma_start3A_321, %dma_start3A_322] : memref<8x80xi32, #tpu.memory_space<vmem>> -> memref<1x80xi32, #tpu.memory_space<vmem>>
        %dma_start3A_324 = tpu.memref_squeeze %dma_start3A_323 : memref<1x80xi32, #tpu.memory_space<vmem>> -> memref<80xi32, #tpu.memory_space<vmem>>
        %dma_start3A_325 = tpu.memref_slice %arg4[%add3A_311] : memref<320000xi32, #tpu.memory_space<hbm>> -> memref<80xi32, #tpu.memory_space<hbm>>
        %dma_start3A_326 = arith.constant 0 : i32
        %dma_start3A_327 = tpu.memref_slice %arg7[%dma_start3A_321, %dma_start3A_326] : memref<8x80xi32, #tpu.memory_space<vmem>> -> memref<1x80xi32, #tpu.memory_space<vmem>>
        %dma_start3A_328 = tpu.memref_squeeze %dma_start3A_327 : memref<1x80xi32, #tpu.memory_space<vmem>> -> memref<80xi32, #tpu.memory_space<vmem>>
        %dma_start3A_329 = tpu.memref_slice %arg4[%add3A_311] : memref<320000xi32, #tpu.memory_space<hbm>> -> memref<80xi32, #tpu.memory_space<hbm>>
        tpu.enqueue_dma source(%dma_start3A_329 : memref<80xi32, #tpu.memory_space<hbm>>) target(%dma_start3A_328 : memref<80xi32, #tpu.memory_space<vmem>>) target_semaphore(%arg13 : memref<!tpu.dma_semaphore, #tpu.memory_space<semaphore_mem>>)
      } else {
      }
      %add3A_188 = arith.constant 4 : i32
      %add3A_189 = arith.addi %add3A_168, %add3A_188 : i32
      %sub3A_190 = arith.constant 2 : i32
      %sub3A_191 = arith.subi %add3A_189, %sub3A_190 : i32
      %lt3A_192 = arith.constant 125 : i32
      %lt3A_193 = arith.cmpi slt, %sub3A_191, %lt3A_192 : i32
      %convert_element_type3A_194 = arith.extui %lt3A_193 : i1 to i32
      %cond3A_195 = arith.constant 0 : i32
      %cond3A_196 = arith.cmpi ne, %convert_element_type3A_194, %cond3A_195 : i32
      scf.if %cond3A_196 {
        %dma_wait3A_305 = arith.constant 4 : i32
        %dma_wait3A_306 = arith.constant 0 : i32
        %dma_wait3A_307 = tpu.memref_slice %arg7[%dma_wait3A_305, %dma_wait3A_306] : memref<8x80xi32, #tpu.memory_space<vmem>> -> memref<1x80xi32, #tpu.memory_space<vmem>>
        %dma_wait3A_308 = tpu.memref_squeeze %dma_wait3A_307 : memref<1x80xi32, #tpu.memory_space<vmem>> -> memref<80xi32, #tpu.memory_space<vmem>>
        %dma_wait3A_309 = arith.constant 0 : i32
        %dma_wait3A_310 = tpu.memref_slice %arg3[%dma_wait3A_309] : memref<320000xi32, #tpu.memory_space<hbm>> -> memref<80xi32, #tpu.memory_space<hbm>>
        %dma_wait3A_311 = arith.constant 0 : i32
        %dma_wait3A_312 = tpu.memref_slice %arg7[%dma_wait3A_305, %dma_wait3A_311] : memref<8x80xi32, #tpu.memory_space<vmem>> -> memref<1x80xi32, #tpu.memory_space<vmem>>
        %dma_wait3A_313 = tpu.memref_squeeze %dma_wait3A_312 : memref<1x80xi32, #tpu.memory_space<vmem>> -> memref<80xi32, #tpu.memory_space<vmem>>
        %dma_wait3A_314 = arith.constant 0 : i32
        %dma_wait3A_315 = tpu.memref_slice %arg3[%dma_wait3A_314] : memref<320000xi32, #tpu.memory_space<hbm>> -> memref<80xi32, #tpu.memory_space<hbm>>
        tpu.wait_dma2 semaphore(%arg12 : memref<!tpu.dma_semaphore, #tpu.memory_space<semaphore_mem>>) src(%dma_wait3A_315 : memref<80xi32, #tpu.memory_space<hbm>>) dst(%dma_wait3A_313 : memref<80xi32, #tpu.memory_space<vmem>>)
        %dma_wait3A_316 = arith.constant 5 : i32
        %dma_wait3A_317 = arith.constant 0 : i32
        %dma_wait3A_318 = tpu.memref_slice %arg7[%dma_wait3A_316, %dma_wait3A_317] : memref<8x80xi32, #tpu.memory_space<vmem>> -> memref<1x80xi32, #tpu.memory_space<vmem>>
        %dma_wait3A_319 = tpu.memref_squeeze %dma_wait3A_318 : memref<1x80xi32, #tpu.memory_space<vmem>> -> memref<80xi32, #tpu.memory_space<vmem>>
        %dma_wait3A_320 = arith.constant 0 : i32
        %dma_wait3A_321 = tpu.memref_slice %arg3[%dma_wait3A_320] : memref<320000xi32, #tpu.memory_space<hbm>> -> memref<80xi32, #tpu.memory_space<hbm>>
        %dma_wait3A_322 = arith.constant 0 : i32
        %dma_wait3A_323 = tpu.memref_slice %arg7[%dma_wait3A_316, %dma_wait3A_322] : memref<8x80xi32, #tpu.memory_space<vmem>> -> memref<1x80xi32, #tpu.memory_space<vmem>>
        %dma_wait3A_324 = tpu.memref_squeeze %dma_wait3A_323 : memref<1x80xi32, #tpu.memory_space<vmem>> -> memref<80xi32, #tpu.memory_space<vmem>>
        %dma_wait3A_325 = arith.constant 0 : i32
        %dma_wait3A_326 = tpu.memref_slice %arg3[%dma_wait3A_325] : memref<320000xi32, #tpu.memory_space<hbm>> -> memref<80xi32, #tpu.memory_space<hbm>>
        tpu.wait_dma2 semaphore(%arg12 : memref<!tpu.dma_semaphore, #tpu.memory_space<semaphore_mem>>) src(%dma_wait3A_326 : memref<80xi32, #tpu.memory_space<hbm>>) dst(%dma_wait3A_324 : memref<80xi32, #tpu.memory_space<vmem>>)
        %dma_start3A_327 = arith.constant 4 : i32
        %dma_start3A_328 = arith.constant 2 : i32
        %dma_start3A_329 = arith.constant 0 : i32
        %dma_start3A_330 = arith.constant 0 : i32
        %dma_start3A_331 = tpu.memref_slice %arg8[%dma_start3A_328, %dma_start3A_329, %dma_start3A_330] : memref<4x80x128xf32, #tpu.memory_space<vmem>> -> memref<1x80x128xf32, #tpu.memory_space<vmem>>
        %dma_start3A_332 = tpu.memref_squeeze %dma_start3A_331 : memref<1x80x128xf32, #tpu.memory_space<vmem>> -> memref<80x128xf32, #tpu.memory_space<vmem>>
        %dma_start3A_333 = arith.constant 0 : i32
        %dma_start3A_334 = tpu.memref_slice %arg7[%dma_start3A_327, %dma_start3A_333] : memref<8x80xi32, #tpu.memory_space<vmem>> -> memref<1x80xi32, #tpu.memory_space<vmem>>
        %dma_start3A_335 = tpu.memref_squeeze %dma_start3A_334 : memref<1x80xi32, #tpu.memory_space<vmem>> -> memref<80xi32, #tpu.memory_space<vmem>>
        %dma_start3A_336 = arith.constant 0 : i32
        %dma_start3A_337 = arith.constant 0 : i32
        %dma_start3A_338 = tpu.memref_slice %arg2[%dma_start3A_336, %dma_start3A_337] : memref<10000x128xf32, #tpu.memory_space<hbm>> -> memref<10000x128xf32, #tpu.memory_space<hbm>>
        tpu.enqueue_indirect_dma source(%dma_start3A_338 : memref<10000x128xf32, #tpu.memory_space<hbm>>) target(%dma_start3A_332 : memref<80x128xf32, #tpu.memory_space<vmem>>) offsets(%dma_start3A_335 : memref<80xi32, #tpu.memory_space<vmem>>) semaphore(%arg16 : memref<!tpu.dma_semaphore, #tpu.memory_space<semaphore_mem>>)
      } else {
      }
      %mul3A_197 = arith.constant 4 : i32
      %mul3A_198 = arith.muli %scan3A_164, %mul3A_197 : i32
      %add3A_199 = arith.constant 1 : i32
      %add3A_200 = arith.addi %mul3A_198, %add3A_199 : i32
      %dma_wait3A_201 = arith.constant 2 : i32
      %dma_wait3A_202 = arith.constant 1 : i32
      %dma_wait3A_203 = arith.constant 0 : i32
      %dma_wait3A_204 = arith.constant 0 : i32
      %dma_wait3A_205 = tpu.memref_slice %arg8[%dma_wait3A_202, %dma_wait3A_203, %dma_wait3A_204] : memref<4x80x128xf32, #tpu.memory_space<vmem>> -> memref<1x80x128xf32, #tpu.memory_space<vmem>>
      %dma_wait3A_206 = tpu.memref_squeeze %dma_wait3A_205 : memref<1x80x128xf32, #tpu.memory_space<vmem>> -> memref<80x128xf32, #tpu.memory_space<vmem>>
      %dma_wait3A_207 = arith.constant 0 : i32
      %dma_wait3A_208 = tpu.memref_slice %arg7[%dma_wait3A_201, %dma_wait3A_207] : memref<8x80xi32, #tpu.memory_space<vmem>> -> memref<1x80xi32, #tpu.memory_space<vmem>>
      %dma_wait3A_209 = tpu.memref_squeeze %dma_wait3A_208 : memref<1x80xi32, #tpu.memory_space<vmem>> -> memref<80xi32, #tpu.memory_space<vmem>>
      %dma_wait3A_210 = arith.constant 0 : i32
      %dma_wait3A_211 = arith.constant 0 : i32
      %dma_wait3A_212 = tpu.memref_slice %arg2[%dma_wait3A_210, %dma_wait3A_211] : memref<10000x128xf32, #tpu.memory_space<hbm>> -> memref<10000x128xf32, #tpu.memory_space<hbm>>
      tpu.wait_indirect_dma semaphore(%arg15 : memref<!tpu.dma_semaphore, #tpu.memory_space<semaphore_mem>>) src(%dma_wait3A_212 : memref<10000x128xf32, #tpu.memory_space<hbm>>) dst(%dma_wait3A_206 : memref<80x128xf32, #tpu.memory_space<vmem>>)
      %run_scoped3A_213 = arith.constant 1 : i32
      %run_scoped3A_214 = arith.constant 3 : i32
      "tpu.region"() ({
        %run_scoped3A_305 = tpu.sem_alloc : memref<!tpu.dma_semaphore, #tpu.memory_space<semaphore_mem>>
        %dma_start3A_306 = arith.constant 0 : i32
        %dma_start3A_307 = arith.constant 0 : i32
        %dma_start3A_308 = tpu.memref_slice %arg8[%run_scoped3A_213, %dma_start3A_306, %dma_start3A_307] : memref<4x80x128xf32, #tpu.memory_space<vmem>> -> memref<1x80x128xf32, #tpu.memory_space<vmem>>
        %dma_start3A_309 = tpu.memref_squeeze %dma_start3A_308 : memref<1x80x128xf32, #tpu.memory_space<vmem>> -> memref<80x128xf32, #tpu.memory_space<vmem>>
        %dma_start3A_310 = arith.constant 0 : i32
        %dma_start3A_311 = tpu.memref_slice %arg7[%run_scoped3A_214, %dma_start3A_310] : memref<8x80xi32, #tpu.memory_space<vmem>> -> memref<1x80xi32, #tpu.memory_space<vmem>>
        %dma_start3A_312 = tpu.memref_squeeze %dma_start3A_311 : memref<1x80xi32, #tpu.memory_space<vmem>> -> memref<80xi32, #tpu.memory_space<vmem>>
        %dma_start3A_313 = arith.constant 0 : i32
        %dma_start3A_314 = arith.constant 0 : i32
        %dma_start3A_315 = tpu.memref_slice %arg9[%dma_start3A_313, %dma_start3A_314] : memref<10240x128xf32, #tpu.memory_space<vmem_shared>> -> memref<10240x128xf32, #tpu.memory_space<vmem_shared>>
        tpu.enqueue_indirect_dma source(%dma_start3A_309 : memref<80x128xf32, #tpu.memory_space<vmem>>) target(%dma_start3A_315 : memref<10240x128xf32, #tpu.memory_space<vmem_shared>>) offsets(%dma_start3A_312 : memref<80xi32, #tpu.memory_space<vmem>>) semaphore(%run_scoped3A_305 : memref<!tpu.dma_semaphore, #tpu.memory_space<semaphore_mem>>) {add = true}
        %dma_wait3A_316 = arith.constant 0 : i32
        %dma_wait3A_317 = arith.constant 0 : i32
        %dma_wait3A_318 = tpu.memref_slice %arg8[%run_scoped3A_213, %dma_wait3A_316, %dma_wait3A_317] : memref<4x80x128xf32, #tpu.memory_space<vmem>> -> memref<1x80x128xf32, #tpu.memory_space<vmem>>
        %dma_wait3A_319 = tpu.memref_squeeze %dma_wait3A_318 : memref<1x80x128xf32, #tpu.memory_space<vmem>> -> memref<80x128xf32, #tpu.memory_space<vmem>>
        %dma_wait3A_320 = arith.constant 0 : i32
        %dma_wait3A_321 = tpu.memref_slice %arg7[%run_scoped3A_214, %dma_wait3A_320] : memref<8x80xi32, #tpu.memory_space<vmem>> -> memref<1x80xi32, #tpu.memory_space<vmem>>
        %dma_wait3A_322 = tpu.memref_squeeze %dma_wait3A_321 : memref<1x80xi32, #tpu.memory_space<vmem>> -> memref<80xi32, #tpu.memory_space<vmem>>
        %dma_wait3A_323 = arith.constant 0 : i32
        %dma_wait3A_324 = arith.constant 0 : i32
        %dma_wait3A_325 = tpu.memref_slice %arg9[%dma_wait3A_323, %dma_wait3A_324] : memref<10240x128xf32, #tpu.memory_space<vmem_shared>> -> memref<10240x128xf32, #tpu.memory_space<vmem_shared>>
        tpu.wait_indirect_dma semaphore(%run_scoped3A_305 : memref<!tpu.dma_semaphore, #tpu.memory_space<semaphore_mem>>) src(%dma_wait3A_319 : memref<80x128xf32, #tpu.memory_space<vmem>>) dst(%dma_wait3A_325 : memref<10240x128xf32, #tpu.memory_space<vmem_shared>>)
        tpu.yield
      }) : () -> ()
      %add3A_215 = arith.constant 4 : i32
      %add3A_216 = arith.addi %add3A_200, %add3A_215 : i32
      %sub3A_217 = arith.constant 1 : i32
      %sub3A_218 = arith.subi %add3A_216, %sub3A_217 : i32
      %lt3A_219 = arith.constant 125 : i32
      %lt3A_220 = arith.cmpi slt, %sub3A_218, %lt3A_219 : i32
      %convert_element_type3A_221 = arith.extui %lt3A_220 : i1 to i32
      %cond3A_222 = arith.constant 0 : i32
      %cond3A_223 = arith.cmpi ne, %convert_element_type3A_221, %cond3A_222 : i32
      scf.if %cond3A_223 {
        %add3A_305 = arith.constant 4 : i32
        %add3A_306 = arith.addi %add3A_200, %add3A_305 : i32
        %sub3A_307 = arith.constant 1 : i32
        %sub3A_308 = arith.subi %add3A_306, %sub3A_307 : i32
        %mul3A_309 = arith.constant 80 : i32
        %mul3A_310 = arith.muli %sub3A_308, %mul3A_309 : i32
        %add3A_311 = arith.addi %mul3A_2, %mul3A_310 : i32
        %dma_start3A_312 = arith.constant 0 : i32
        %dma_start3A_313 = arith.constant 0 : i32
        %dma_start3A_314 = tpu.memref_slice %arg7[%dma_start3A_312, %dma_start3A_313] : memref<8x80xi32, #tpu.memory_space<vmem>> -> memref<1x80xi32, #tpu.memory_space<vmem>>
        %dma_start3A_315 = tpu.memref_squeeze %dma_start3A_314 : memref<1x80xi32, #tpu.memory_space<vmem>> -> memref<80xi32, #tpu.memory_space<vmem>>
        %dma_start3A_316 = tpu.memref_slice %arg3[%add3A_311] : memref<320000xi32, #tpu.memory_space<hbm>> -> memref<80xi32, #tpu.memory_space<hbm>>
        %dma_start3A_317 = arith.constant 0 : i32
        %dma_start3A_318 = tpu.memref_slice %arg7[%dma_start3A_312, %dma_start3A_317] : memref<8x80xi32, #tpu.memory_space<vmem>> -> memref<1x80xi32, #tpu.memory_space<vmem>>
        %dma_start3A_319 = tpu.memref_squeeze %dma_start3A_318 : memref<1x80xi32, #tpu.memory_space<vmem>> -> memref<80xi32, #tpu.memory_space<vmem>>
        %dma_start3A_320 = tpu.memref_slice %arg3[%add3A_311] : memref<320000xi32, #tpu.memory_space<hbm>> -> memref<80xi32, #tpu.memory_space<hbm>>
        tpu.enqueue_dma source(%dma_start3A_320 : memref<80xi32, #tpu.memory_space<hbm>>) target(%dma_start3A_319 : memref<80xi32, #tpu.memory_space<vmem>>) target_semaphore(%arg10 : memref<!tpu.dma_semaphore, #tpu.memory_space<semaphore_mem>>)
        %dma_start3A_321 = arith.constant 1 : i32
        %dma_start3A_322 = arith.constant 0 : i32
        %dma_start3A_323 = tpu.memref_slice %arg7[%dma_start3A_321, %dma_start3A_322] : memref<8x80xi32, #tpu.memory_space<vmem>> -> memref<1x80xi32, #tpu.memory_space<vmem>>
        %dma_start3A_324 = tpu.memref_squeeze %dma_start3A_323 : memref<1x80xi32, #tpu.memory_space<vmem>> -> memref<80xi32, #tpu.memory_space<vmem>>
        %dma_start3A_325 = tpu.memref_slice %arg4[%add3A_311] : memref<320000xi32, #tpu.memory_space<hbm>> -> memref<80xi32, #tpu.memory_space<hbm>>
        %dma_start3A_326 = arith.constant 0 : i32
        %dma_start3A_327 = tpu.memref_slice %arg7[%dma_start3A_321, %dma_start3A_326] : memref<8x80xi32, #tpu.memory_space<vmem>> -> memref<1x80xi32, #tpu.memory_space<vmem>>
        %dma_start3A_328 = tpu.memref_squeeze %dma_start3A_327 : memref<1x80xi32, #tpu.memory_space<vmem>> -> memref<80xi32, #tpu.memory_space<vmem>>
        %dma_start3A_329 = tpu.memref_slice %arg4[%add3A_311] : memref<320000xi32, #tpu.memory_space<hbm>> -> memref<80xi32, #tpu.memory_space<hbm>>
        tpu.enqueue_dma source(%dma_start3A_329 : memref<80xi32, #tpu.memory_space<hbm>>) target(%dma_start3A_328 : memref<80xi32, #tpu.memory_space<vmem>>) target_semaphore(%arg10 : memref<!tpu.dma_semaphore, #tpu.memory_space<semaphore_mem>>)
      } else {
      }
      %add3A_224 = arith.constant 4 : i32
      %add3A_225 = arith.addi %add3A_200, %add3A_224 : i32
      %sub3A_226 = arith.constant 2 : i32
      %sub3A_227 = arith.subi %add3A_225, %sub3A_226 : i32
      %lt3A_228 = arith.constant 125 : i32
      %lt3A_229 = arith.cmpi slt, %sub3A_227, %lt3A_228 : i32
      %convert_element_type3A_230 = arith.extui %lt3A_229 : i1 to i32
      %cond3A_231 = arith.constant 0 : i32
      %cond3A_232 = arith.cmpi ne, %convert_element_type3A_230, %cond3A_231 : i32
      scf.if %cond3A_232 {
        %dma_wait3A_305 = arith.constant 6 : i32
        %dma_wait3A_306 = arith.constant 0 : i32
        %dma_wait3A_307 = tpu.memref_slice %arg7[%dma_wait3A_305, %dma_wait3A_306] : memref<8x80xi32, #tpu.memory_space<vmem>> -> memref<1x80xi32, #tpu.memory_space<vmem>>
        %dma_wait3A_308 = tpu.memref_squeeze %dma_wait3A_307 : memref<1x80xi32, #tpu.memory_space<vmem>> -> memref<80xi32, #tpu.memory_space<vmem>>
        %dma_wait3A_309 = arith.constant 0 : i32
        %dma_wait3A_310 = tpu.memref_slice %arg3[%dma_wait3A_309] : memref<320000xi32, #tpu.memory_space<hbm>> -> memref<80xi32, #tpu.memory_space<hbm>>
        %dma_wait3A_311 = arith.constant 0 : i32
        %dma_wait3A_312 = tpu.memref_slice %arg7[%dma_wait3A_305, %dma_wait3A_311] : memref<8x80xi32, #tpu.memory_space<vmem>> -> memref<1x80xi32, #tpu.memory_space<vmem>>
        %dma_wait3A_313 = tpu.memref_squeeze %dma_wait3A_312 : memref<1x80xi32, #tpu.memory_space<vmem>> -> memref<80xi32, #tpu.memory_space<vmem>>
        %dma_wait3A_314 = arith.constant 0 : i32
        %dma_wait3A_315 = tpu.memref_slice %arg3[%dma_wait3A_314] : memref<320000xi32, #tpu.memory_space<hbm>> -> memref<80xi32, #tpu.memory_space<hbm>>
        tpu.wait_dma2 semaphore(%arg13 : memref<!tpu.dma_semaphore, #tpu.memory_space<semaphore_mem>>) src(%dma_wait3A_315 : memref<80xi32, #tpu.memory_space<hbm>>) dst(%dma_wait3A_313 : memref<80xi32, #tpu.memory_space<vmem>>)
        %dma_wait3A_316 = arith.constant 7 : i32
        %dma_wait3A_317 = arith.constant 0 : i32
        %dma_wait3A_318 = tpu.memref_slice %arg7[%dma_wait3A_316, %dma_wait3A_317] : memref<8x80xi32, #tpu.memory_space<vmem>> -> memref<1x80xi32, #tpu.memory_space<vmem>>
        %dma_wait3A_319 = tpu.memref_squeeze %dma_wait3A_318 : memref<1x80xi32, #tpu.memory_space<vmem>> -> memref<80xi32, #tpu.memory_space<vmem>>
        %dma_wait3A_320 = arith.constant 0 : i32
        %dma_wait3A_321 = tpu.memref_slice %arg3[%dma_wait3A_320] : memref<320000xi32, #tpu.memory_space<hbm>> -> memref<80xi32, #tpu.memory_space<hbm>>
        %dma_wait3A_322 = arith.constant 0 : i32
        %dma_wait3A_323 = tpu.memref_slice %arg7[%dma_wait3A_316, %dma_wait3A_322] : memref<8x80xi32, #tpu.memory_space<vmem>> -> memref<1x80xi32, #tpu.memory_space<vmem>>
        %dma_wait3A_324 = tpu.memref_squeeze %dma_wait3A_323 : memref<1x80xi32, #tpu.memory_space<vmem>> -> memref<80xi32, #tpu.memory_space<vmem>>
        %dma_wait3A_325 = arith.constant 0 : i32
        %dma_wait3A_326 = tpu.memref_slice %arg3[%dma_wait3A_325] : memref<320000xi32, #tpu.memory_space<hbm>> -> memref<80xi32, #tpu.memory_space<hbm>>
        tpu.wait_dma2 semaphore(%arg13 : memref<!tpu.dma_semaphore, #tpu.memory_space<semaphore_mem>>) src(%dma_wait3A_326 : memref<80xi32, #tpu.memory_space<hbm>>) dst(%dma_wait3A_324 : memref<80xi32, #tpu.memory_space<vmem>>)
        %dma_start3A_327 = arith.constant 6 : i32
        %dma_start3A_328 = arith.constant 3 : i32
        %dma_start3A_329 = arith.constant 0 : i32
        %dma_start3A_330 = arith.constant 0 : i32
        %dma_start3A_331 = tpu.memref_slice %arg8[%dma_start3A_328, %dma_start3A_329, %dma_start3A_330] : memref<4x80x128xf32, #tpu.memory_space<vmem>> -> memref<1x80x128xf32, #tpu.memory_space<vmem>>
        %dma_start3A_332 = tpu.memref_squeeze %dma_start3A_331 : memref<1x80x128xf32, #tpu.memory_space<vmem>> -> memref<80x128xf32, #tpu.memory_space<vmem>>
        %dma_start3A_333 = arith.constant 0 : i32
        %dma_start3A_334 = tpu.memref_slice %arg7[%dma_start3A_327, %dma_start3A_333] : memref<8x80xi32, #tpu.memory_space<vmem>> -> memref<1x80xi32, #tpu.memory_space<vmem>>
        %dma_start3A_335 = tpu.memref_squeeze %dma_start3A_334 : memref<1x80xi32, #tpu.memory_space<vmem>> -> memref<80xi32, #tpu.memory_space<vmem>>
        %dma_start3A_336 = arith.constant 0 : i32
        %dma_start3A_337 = arith.constant 0 : i32
        %dma_start3A_338 = tpu.memref_slice %arg2[%dma_start3A_336, %dma_start3A_337] : memref<10000x128xf32, #tpu.memory_space<hbm>> -> memref<10000x128xf32, #tpu.memory_space<hbm>>
        tpu.enqueue_indirect_dma source(%dma_start3A_338 : memref<10000x128xf32, #tpu.memory_space<hbm>>) target(%dma_start3A_332 : memref<80x128xf32, #tpu.memory_space<vmem>>) offsets(%dma_start3A_335 : memref<80xi32, #tpu.memory_space<vmem>>) semaphore(%arg17 : memref<!tpu.dma_semaphore, #tpu.memory_space<semaphore_mem>>)
      } else {
      }
      %mul3A_233 = arith.constant 4 : i32
      %mul3A_234 = arith.muli %scan3A_164, %mul3A_233 : i32
      %add3A_235 = arith.constant 2 : i32
      %add3A_236 = arith.addi %mul3A_234, %add3A_235 : i32
      %dma_wait3A_237 = arith.constant 4 : i32
      %dma_wait3A_238 = arith.constant 2 : i32
      %dma_wait3A_239 = arith.constant 0 : i32
      %dma_wait3A_240 = arith.constant 0 : i32
      %dma_wait3A_241 = tpu.memref_slice %arg8[%dma_wait3A_238, %dma_wait3A_239, %dma_wait3A_240] : memref<4x80x128xf32, #tpu.memory_space<vmem>> -> memref<1x80x128xf32, #tpu.memory_space<vmem>>
      %dma_wait3A_242 = tpu.memref_squeeze %dma_wait3A_241 : memref<1x80x128xf32, #tpu.memory_space<vmem>> -> memref<80x128xf32, #tpu.memory_space<vmem>>
      %dma_wait3A_243 = arith.constant 0 : i32
      %dma_wait3A_244 = tpu.memref_slice %arg7[%dma_wait3A_237, %dma_wait3A_243] : memref<8x80xi32, #tpu.memory_space<vmem>> -> memref<1x80xi32, #tpu.memory_space<vmem>>
      %dma_wait3A_245 = tpu.memref_squeeze %dma_wait3A_244 : memref<1x80xi32, #tpu.memory_space<vmem>> -> memref<80xi32, #tpu.memory_space<vmem>>
      %dma_wait3A_246 = arith.constant 0 : i32
      %dma_wait3A_247 = arith.constant 0 : i32
      %dma_wait3A_248 = tpu.memref_slice %arg2[%dma_wait3A_246, %dma_wait3A_247] : memref<10000x128xf32, #tpu.memory_space<hbm>> -> memref<10000x128xf32, #tpu.memory_space<hbm>>
      tpu.wait_indirect_dma semaphore(%arg16 : memref<!tpu.dma_semaphore, #tpu.memory_space<semaphore_mem>>) src(%dma_wait3A_248 : memref<10000x128xf32, #tpu.memory_space<hbm>>) dst(%dma_wait3A_242 : memref<80x128xf32, #tpu.memory_space<vmem>>)
      %run_scoped3A_249 = arith.constant 2 : i32
      %run_scoped3A_250 = arith.constant 5 : i32
      "tpu.region"() ({
        %run_scoped3A_305 = tpu.sem_alloc : memref<!tpu.dma_semaphore, #tpu.memory_space<semaphore_mem>>
        %dma_start3A_306 = arith.constant 0 : i32
        %dma_start3A_307 = arith.constant 0 : i32
        %dma_start3A_308 = tpu.memref_slice %arg8[%run_scoped3A_249, %dma_start3A_306, %dma_start3A_307] : memref<4x80x128xf32, #tpu.memory_space<vmem>> -> memref<1x80x128xf32, #tpu.memory_space<vmem>>
        %dma_start3A_309 = tpu.memref_squeeze %dma_start3A_308 : memref<1x80x128xf32, #tpu.memory_space<vmem>> -> memref<80x128xf32, #tpu.memory_space<vmem>>
        %dma_start3A_310 = arith.constant 0 : i32
        %dma_start3A_311 = tpu.memref_slice %arg7[%run_scoped3A_250, %dma_start3A_310] : memref<8x80xi32, #tpu.memory_space<vmem>> -> memref<1x80xi32, #tpu.memory_space<vmem>>
        %dma_start3A_312 = tpu.memref_squeeze %dma_start3A_311 : memref<1x80xi32, #tpu.memory_space<vmem>> -> memref<80xi32, #tpu.memory_space<vmem>>
        %dma_start3A_313 = arith.constant 0 : i32
        %dma_start3A_314 = arith.constant 0 : i32
        %dma_start3A_315 = tpu.memref_slice %arg9[%dma_start3A_313, %dma_start3A_314] : memref<10240x128xf32, #tpu.memory_space<vmem_shared>> -> memref<10240x128xf32, #tpu.memory_space<vmem_shared>>
        tpu.enqueue_indirect_dma source(%dma_start3A_309 : memref<80x128xf32, #tpu.memory_space<vmem>>) target(%dma_start3A_315 : memref<10240x128xf32, #tpu.memory_space<vmem_shared>>) offsets(%dma_start3A_312 : memref<80xi32, #tpu.memory_space<vmem>>) semaphore(%run_scoped3A_305 : memref<!tpu.dma_semaphore, #tpu.memory_space<semaphore_mem>>) {add = true}
        %dma_wait3A_316 = arith.constant 0 : i32
        %dma_wait3A_317 = arith.constant 0 : i32
        %dma_wait3A_318 = tpu.memref_slice %arg8[%run_scoped3A_249, %dma_wait3A_316, %dma_wait3A_317] : memref<4x80x128xf32, #tpu.memory_space<vmem>> -> memref<1x80x128xf32, #tpu.memory_space<vmem>>
        %dma_wait3A_319 = tpu.memref_squeeze %dma_wait3A_318 : memref<1x80x128xf32, #tpu.memory_space<vmem>> -> memref<80x128xf32, #tpu.memory_space<vmem>>
        %dma_wait3A_320 = arith.constant 0 : i32
        %dma_wait3A_321 = tpu.memref_slice %arg7[%run_scoped3A_250, %dma_wait3A_320] : memref<8x80xi32, #tpu.memory_space<vmem>> -> memref<1x80xi32, #tpu.memory_space<vmem>>
        %dma_wait3A_322 = tpu.memref_squeeze %dma_wait3A_321 : memref<1x80xi32, #tpu.memory_space<vmem>> -> memref<80xi32, #tpu.memory_space<vmem>>
        %dma_wait3A_323 = arith.constant 0 : i32
        %dma_wait3A_324 = arith.constant 0 : i32
        %dma_wait3A_325 = tpu.memref_slice %arg9[%dma_wait3A_323, %dma_wait3A_324] : memref<10240x128xf32, #tpu.memory_space<vmem_shared>> -> memref<10240x128xf32, #tpu.memory_space<vmem_shared>>
        tpu.wait_indirect_dma semaphore(%run_scoped3A_305 : memref<!tpu.dma_semaphore, #tpu.memory_space<semaphore_mem>>) src(%dma_wait3A_319 : memref<80x128xf32, #tpu.memory_space<vmem>>) dst(%dma_wait3A_325 : memref<10240x128xf32, #tpu.memory_space<vmem_shared>>)
        tpu.yield
      }) : () -> ()
      %add3A_251 = arith.constant 4 : i32
      %add3A_252 = arith.addi %add3A_236, %add3A_251 : i32
      %sub3A_253 = arith.constant 1 : i32
      %sub3A_254 = arith.subi %add3A_252, %sub3A_253 : i32
      %lt3A_255 = arith.constant 125 : i32
      %lt3A_256 = arith.cmpi slt, %sub3A_254, %lt3A_255 : i32
      %convert_element_type3A_257 = arith.extui %lt3A_256 : i1 to i32
      %cond3A_258 = arith.constant 0 : i32
      %cond3A_259 = arith.cmpi ne, %convert_element_type3A_257, %cond3A_258 : i32
      scf.if %cond3A_259 {
        %add3A_305 = arith.constant 4 : i32
        %add3A_306 = arith.addi %add3A_236, %add3A_305 : i32
        %sub3A_307 = arith.constant 1 : i32
        %sub3A_308 = arith.subi %add3A_306, %sub3A_307 : i32
        %mul3A_309 = arith.constant 80 : i32
        %mul3A_310 = arith.muli %sub3A_308, %mul3A_309 : i32
        %add3A_311 = arith.addi %mul3A_2, %mul3A_310 : i32
        %dma_start3A_312 = arith.constant 2 : i32
        %dma_start3A_313 = arith.constant 0 : i32
        %dma_start3A_314 = tpu.memref_slice %arg7[%dma_start3A_312, %dma_start3A_313] : memref<8x80xi32, #tpu.memory_space<vmem>> -> memref<1x80xi32, #tpu.memory_space<vmem>>
        %dma_start3A_315 = tpu.memref_squeeze %dma_start3A_314 : memref<1x80xi32, #tpu.memory_space<vmem>> -> memref<80xi32, #tpu.memory_space<vmem>>
        %dma_start3A_316 = tpu.memref_slice %arg3[%add3A_311] : memref<320000xi32, #tpu.memory_space<hbm>> -> memref<80xi32, #tpu.memory_space<hbm>>
        %dma_start3A_317 = arith.constant 0 : i32
        %dma_start3A_318 = tpu.memref_slice %arg7[%dma_start3A_312, %dma_start3A_317] : memref<8x80xi32, #tpu.memory_space<vmem>> -> memref<1x80xi32, #tpu.memory_space<vmem>>
        %dma_start3A_319 = tpu.memref_squeeze %dma_start3A_318 : memref<1x80xi32, #tpu.memory_space<vmem>> -> memref<80xi32, #tpu.memory_space<vmem>>
        %dma_start3A_320 = tpu.memref_slice %arg3[%add3A_311] : memref<320000xi32, #tpu.memory_space<hbm>> -> memref<80xi32, #tpu.memory_space<hbm>>
        tpu.enqueue_dma source(%dma_start3A_320 : memref<80xi32, #tpu.memory_space<hbm>>) target(%dma_start3A_319 : memref<80xi32, #tpu.memory_space<vmem>>) target_semaphore(%arg11 : memref<!tpu.dma_semaphore, #tpu.memory_space<semaphore_mem>>)
        %dma_start3A_321 = arith.constant 3 : i32
        %dma_start3A_322 = arith.constant 0 : i32
        %dma_start3A_323 = tpu.memref_slice %arg7[%dma_start3A_321, %dma_start3A_322] : memref<8x80xi32, #tpu.memory_space<vmem>> -> memref<1x80xi32, #tpu.memory_space<vmem>>
        %dma_start3A_324 = tpu.memref_squeeze %dma_start3A_323 : memref<1x80xi32, #tpu.memory_space<vmem>> -> memref<80xi32, #tpu.memory_space<vmem>>
        %dma_start3A_325 = tpu.memref_slice %arg4[%add3A_311] : memref<320000xi32, #tpu.memory_space<hbm>> -> memref<80xi32, #tpu.memory_space<hbm>>
        %dma_start3A_326 = arith.constant 0 : i32
        %dma_start3A_327 = tpu.memref_slice %arg7[%dma_start3A_321, %dma_start3A_326] : memref<8x80xi32, #tpu.memory_space<vmem>> -> memref<1x80xi32, #tpu.memory_space<vmem>>
        %dma_start3A_328 = tpu.memref_squeeze %dma_start3A_327 : memref<1x80xi32, #tpu.memory_space<vmem>> -> memref<80xi32, #tpu.memory_space<vmem>>
        %dma_start3A_329 = tpu.memref_slice %arg4[%add3A_311] : memref<320000xi32, #tpu.memory_space<hbm>> -> memref<80xi32, #tpu.memory_space<hbm>>
        tpu.enqueue_dma source(%dma_start3A_329 : memref<80xi32, #tpu.memory_space<hbm>>) target(%dma_start3A_328 : memref<80xi32, #tpu.memory_space<vmem>>) target_semaphore(%arg11 : memref<!tpu.dma_semaphore, #tpu.memory_space<semaphore_mem>>)
      } else {
      }
      %add3A_260 = arith.constant 4 : i32
      %add3A_261 = arith.addi %add3A_236, %add3A_260 : i32
      %sub3A_262 = arith.constant 2 : i32
      %sub3A_263 = arith.subi %add3A_261, %sub3A_262 : i32
      %lt3A_264 = arith.constant 125 : i32
      %lt3A_265 = arith.cmpi slt, %sub3A_263, %lt3A_264 : i32
      %convert_element_type3A_266 = arith.extui %lt3A_265 : i1 to i32
      %cond3A_267 = arith.constant 0 : i32
      %cond3A_268 = arith.cmpi ne, %convert_element_type3A_266, %cond3A_267 : i32
      scf.if %cond3A_268 {
        %dma_wait3A_305 = arith.constant 0 : i32
        %dma_wait3A_306 = arith.constant 0 : i32
        %dma_wait3A_307 = tpu.memref_slice %arg7[%dma_wait3A_305, %dma_wait3A_306] : memref<8x80xi32, #tpu.memory_space<vmem>> -> memref<1x80xi32, #tpu.memory_space<vmem>>
        %dma_wait3A_308 = tpu.memref_squeeze %dma_wait3A_307 : memref<1x80xi32, #tpu.memory_space<vmem>> -> memref<80xi32, #tpu.memory_space<vmem>>
        %dma_wait3A_309 = arith.constant 0 : i32
        %dma_wait3A_310 = tpu.memref_slice %arg3[%dma_wait3A_309] : memref<320000xi32, #tpu.memory_space<hbm>> -> memref<80xi32, #tpu.memory_space<hbm>>
        %dma_wait3A_311 = arith.constant 0 : i32
        %dma_wait3A_312 = tpu.memref_slice %arg7[%dma_wait3A_305, %dma_wait3A_311] : memref<8x80xi32, #tpu.memory_space<vmem>> -> memref<1x80xi32, #tpu.memory_space<vmem>>
        %dma_wait3A_313 = tpu.memref_squeeze %dma_wait3A_312 : memref<1x80xi32, #tpu.memory_space<vmem>> -> memref<80xi32, #tpu.memory_space<vmem>>
        %dma_wait3A_314 = arith.constant 0 : i32
        %dma_wait3A_315 = tpu.memref_slice %arg3[%dma_wait3A_314] : memref<320000xi32, #tpu.memory_space<hbm>> -> memref<80xi32, #tpu.memory_space<hbm>>
        tpu.wait_dma2 semaphore(%arg10 : memref<!tpu.dma_semaphore, #tpu.memory_space<semaphore_mem>>) src(%dma_wait3A_315 : memref<80xi32, #tpu.memory_space<hbm>>) dst(%dma_wait3A_313 : memref<80xi32, #tpu.memory_space<vmem>>)
        %dma_wait3A_316 = arith.constant 1 : i32
        %dma_wait3A_317 = arith.constant 0 : i32
        %dma_wait3A_318 = tpu.memref_slice %arg7[%dma_wait3A_316, %dma_wait3A_317] : memref<8x80xi32, #tpu.memory_space<vmem>> -> memref<1x80xi32, #tpu.memory_space<vmem>>
        %dma_wait3A_319 = tpu.memref_squeeze %dma_wait3A_318 : memref<1x80xi32, #tpu.memory_space<vmem>> -> memref<80xi32, #tpu.memory_space<vmem>>
        %dma_wait3A_320 = arith.constant 0 : i32
        %dma_wait3A_321 = tpu.memref_slice %arg3[%dma_wait3A_320] : memref<320000xi32, #tpu.memory_space<hbm>> -> memref<80xi32, #tpu.memory_space<hbm>>
        %dma_wait3A_322 = arith.constant 0 : i32
        %dma_wait3A_323 = tpu.memref_slice %arg7[%dma_wait3A_316, %dma_wait3A_322] : memref<8x80xi32, #tpu.memory_space<vmem>> -> memref<1x80xi32, #tpu.memory_space<vmem>>
        %dma_wait3A_324 = tpu.memref_squeeze %dma_wait3A_323 : memref<1x80xi32, #tpu.memory_space<vmem>> -> memref<80xi32, #tpu.memory_space<vmem>>
        %dma_wait3A_325 = arith.constant 0 : i32
        %dma_wait3A_326 = tpu.memref_slice %arg3[%dma_wait3A_325] : memref<320000xi32, #tpu.memory_space<hbm>> -> memref<80xi32, #tpu.memory_space<hbm>>
        tpu.wait_dma2 semaphore(%arg10 : memref<!tpu.dma_semaphore, #tpu.memory_space<semaphore_mem>>) src(%dma_wait3A_326 : memref<80xi32, #tpu.memory_space<hbm>>) dst(%dma_wait3A_324 : memref<80xi32, #tpu.memory_space<vmem>>)
        %dma_start3A_327 = arith.constant 0 : i32
        %dma_start3A_328 = arith.constant 0 : i32
        %dma_start3A_329 = arith.constant 0 : i32
        %dma_start3A_330 = arith.constant 0 : i32
        %dma_start3A_331 = tpu.memref_slice %arg8[%dma_start3A_328, %dma_start3A_329, %dma_start3A_330] : memref<4x80x128xf32, #tpu.memory_space<vmem>> -> memref<1x80x128xf32, #tpu.memory_space<vmem>>
        %dma_start3A_332 = tpu.memref_squeeze %dma_start3A_331 : memref<1x80x128xf32, #tpu.memory_space<vmem>> -> memref<80x128xf32, #tpu.memory_space<vmem>>
        %dma_start3A_333 = arith.constant 0 : i32
        %dma_start3A_334 = tpu.memref_slice %arg7[%dma_start3A_327, %dma_start3A_333] : memref<8x80xi32, #tpu.memory_space<vmem>> -> memref<1x80xi32, #tpu.memory_space<vmem>>
        %dma_start3A_335 = tpu.memref_squeeze %dma_start3A_334 : memref<1x80xi32, #tpu.memory_space<vmem>> -> memref<80xi32, #tpu.memory_space<vmem>>
        %dma_start3A_336 = arith.constant 0 : i32
        %dma_start3A_337 = arith.constant 0 : i32
        %dma_start3A_338 = tpu.memref_slice %arg2[%dma_start3A_336, %dma_start3A_337] : memref<10000x128xf32, #tpu.memory_space<hbm>> -> memref<10000x128xf32, #tpu.memory_space<hbm>>
        tpu.enqueue_indirect_dma source(%dma_start3A_338 : memref<10000x128xf32, #tpu.memory_space<hbm>>) target(%dma_start3A_332 : memref<80x128xf32, #tpu.memory_space<vmem>>) offsets(%dma_start3A_335 : memref<80xi32, #tpu.memory_space<vmem>>) semaphore(%arg14 : memref<!tpu.dma_semaphore, #tpu.memory_space<semaphore_mem>>)
      } else {
      }
      %mul3A_269 = arith.constant 4 : i32
      %mul3A_270 = arith.muli %scan3A_164, %mul3A_269 : i32
      %add3A_271 = arith.constant 3 : i32
      %add3A_272 = arith.addi %mul3A_270, %add3A_271 : i32
      %dma_wait3A_273 = arith.constant 6 : i32
      %dma_wait3A_274 = arith.constant 3 : i32
      %dma_wait3A_275 = arith.constant 0 : i32
      %dma_wait3A_276 = arith.constant 0 : i32
      %dma_wait3A_277 = tpu.memref_slice %arg8[%dma_wait3A_274, %dma_wait3A_275, %dma_wait3A_276] : memref<4x80x128xf32, #tpu.memory_space<vmem>> -> memref<1x80x128xf32, #tpu.memory_space<vmem>>
      %dma_wait3A_278 = tpu.memref_squeeze %dma_wait3A_277 : memref<1x80x128xf32, #tpu.memory_space<vmem>> -> memref<80x128xf32, #tpu.memory_space<vmem>>
      %dma_wait3A_279 = arith.constant 0 : i32
      %dma_wait3A_280 = tpu.memref_slice %arg7[%dma_wait3A_273, %dma_wait3A_279] : memref<8x80xi32, #tpu.memory_space<vmem>> -> memref<1x80xi32, #tpu.memory_space<vmem>>
      %dma_wait3A_281 = tpu.memref_squeeze %dma_wait3A_280 : memref<1x80xi32, #tpu.memory_space<vmem>> -> memref<80xi32, #tpu.memory_space<vmem>>
      %dma_wait3A_282 = arith.constant 0 : i32
      %dma_wait3A_283 = arith.constant 0 : i32
      %dma_wait3A_284 = tpu.memref_slice %arg2[%dma_wait3A_282, %dma_wait3A_283] : memref<10000x128xf32, #tpu.memory_space<hbm>> -> memref<10000x128xf32, #tpu.memory_space<hbm>>
      tpu.wait_indirect_dma semaphore(%arg17 : memref<!tpu.dma_semaphore, #tpu.memory_space<semaphore_mem>>) src(%dma_wait3A_284 : memref<10000x128xf32, #tpu.memory_space<hbm>>) dst(%dma_wait3A_278 : memref<80x128xf32, #tpu.memory_space<vmem>>)
      %run_scoped3A_285 = arith.constant 3 : i32
      %run_scoped3A_286 = arith.constant 7 : i32
      "tpu.region"() ({
        %run_scoped3A_305 = tpu.sem_alloc : memref<!tpu.dma_semaphore, #tpu.memory_space<semaphore_mem>>
        %dma_start3A_306 = arith.constant 0 : i32
        %dma_start3A_307 = arith.constant 0 : i32
        %dma_start3A_308 = tpu.memref_slice %arg8[%run_scoped3A_285, %dma_start3A_306, %dma_start3A_307] : memref<4x80x128xf32, #tpu.memory_space<vmem>> -> memref<1x80x128xf32, #tpu.memory_space<vmem>>
        %dma_start3A_309 = tpu.memref_squeeze %dma_start3A_308 : memref<1x80x128xf32, #tpu.memory_space<vmem>> -> memref<80x128xf32, #tpu.memory_space<vmem>>
        %dma_start3A_310 = arith.constant 0 : i32
        %dma_start3A_311 = tpu.memref_slice %arg7[%run_scoped3A_286, %dma_start3A_310] : memref<8x80xi32, #tpu.memory_space<vmem>> -> memref<1x80xi32, #tpu.memory_space<vmem>>
        %dma_start3A_312 = tpu.memref_squeeze %dma_start3A_311 : memref<1x80xi32, #tpu.memory_space<vmem>> -> memref<80xi32, #tpu.memory_space<vmem>>
        %dma_start3A_313 = arith.constant 0 : i32
        %dma_start3A_314 = arith.constant 0 : i32
        %dma_start3A_315 = tpu.memref_slice %arg9[%dma_start3A_313, %dma_start3A_314] : memref<10240x128xf32, #tpu.memory_space<vmem_shared>> -> memref<10240x128xf32, #tpu.memory_space<vmem_shared>>
        tpu.enqueue_indirect_dma source(%dma_start3A_309 : memref<80x128xf32, #tpu.memory_space<vmem>>) target(%dma_start3A_315 : memref<10240x128xf32, #tpu.memory_space<vmem_shared>>) offsets(%dma_start3A_312 : memref<80xi32, #tpu.memory_space<vmem>>) semaphore(%run_scoped3A_305 : memref<!tpu.dma_semaphore, #tpu.memory_space<semaphore_mem>>) {add = true}
        %dma_wait3A_316 = arith.constant 0 : i32
        %dma_wait3A_317 = arith.constant 0 : i32
        %dma_wait3A_318 = tpu.memref_slice %arg8[%run_scoped3A_285, %dma_wait3A_316, %dma_wait3A_317] : memref<4x80x128xf32, #tpu.memory_space<vmem>> -> memref<1x80x128xf32, #tpu.memory_space<vmem>>
        %dma_wait3A_319 = tpu.memref_squeeze %dma_wait3A_318 : memref<1x80x128xf32, #tpu.memory_space<vmem>> -> memref<80x128xf32, #tpu.memory_space<vmem>>
        %dma_wait3A_320 = arith.constant 0 : i32
        %dma_wait3A_321 = tpu.memref_slice %arg7[%run_scoped3A_286, %dma_wait3A_320] : memref<8x80xi32, #tpu.memory_space<vmem>> -> memref<1x80xi32, #tpu.memory_space<vmem>>
        %dma_wait3A_322 = tpu.memref_squeeze %dma_wait3A_321 : memref<1x80xi32, #tpu.memory_space<vmem>> -> memref<80xi32, #tpu.memory_space<vmem>>
        %dma_wait3A_323 = arith.constant 0 : i32
        %dma_wait3A_324 = arith.constant 0 : i32
        %dma_wait3A_325 = tpu.memref_slice %arg9[%dma_wait3A_323, %dma_wait3A_324] : memref<10240x128xf32, #tpu.memory_space<vmem_shared>> -> memref<10240x128xf32, #tpu.memory_space<vmem_shared>>
        tpu.wait_indirect_dma semaphore(%run_scoped3A_305 : memref<!tpu.dma_semaphore, #tpu.memory_space<semaphore_mem>>) src(%dma_wait3A_319 : memref<80x128xf32, #tpu.memory_space<vmem>>) dst(%dma_wait3A_325 : memref<10240x128xf32, #tpu.memory_space<vmem_shared>>)
        tpu.yield
      }) : () -> ()
      %add3A_287 = arith.constant 4 : i32
      %add3A_288 = arith.addi %add3A_272, %add3A_287 : i32
      %sub3A_289 = arith.constant 1 : i32
      %sub3A_290 = arith.subi %add3A_288, %sub3A_289 : i32
      %lt3A_291 = arith.constant 125 : i32
      %lt3A_292 = arith.cmpi slt, %sub3A_290, %lt3A_291 : i32
      %convert_element_type3A_293 = arith.extui %lt3A_292 : i1 to i32
      %cond3A_294 = arith.constant 0 : i32
      %cond3A_295 = arith.cmpi ne, %convert_element_type3A_293, %cond3A_294 : i32
      scf.if %cond3A_295 {
        %add3A_305 = arith.constant 4 : i32
        %add3A_306 = arith.addi %add3A_272, %add3A_305 : i32
        %sub3A_307 = arith.constant 1 : i32
        %sub3A_308 = arith.subi %add3A_306, %sub3A_307 : i32
        %mul3A_309 = arith.constant 80 : i32
        %mul3A_310 = arith.muli %sub3A_308, %mul3A_309 : i32
        %add3A_311 = arith.addi %mul3A_2, %mul3A_310 : i32
        %dma_start3A_312 = arith.constant 4 : i32
        %dma_start3A_313 = arith.constant 0 : i32
        %dma_start3A_314 = tpu.memref_slice %arg7[%dma_start3A_312, %dma_start3A_313] : memref<8x80xi32, #tpu.memory_space<vmem>> -> memref<1x80xi32, #tpu.memory_space<vmem>>
        %dma_start3A_315 = tpu.memref_squeeze %dma_start3A_314 : memref<1x80xi32, #tpu.memory_space<vmem>> -> memref<80xi32, #tpu.memory_space<vmem>>
        %dma_start3A_316 = tpu.memref_slice %arg3[%add3A_311] : memref<320000xi32, #tpu.memory_space<hbm>> -> memref<80xi32, #tpu.memory_space<hbm>>
        %dma_start3A_317 = arith.constant 0 : i32
        %dma_start3A_318 = tpu.memref_slice %arg7[%dma_start3A_312, %dma_start3A_317] : memref<8x80xi32, #tpu.memory_space<vmem>> -> memref<1x80xi32, #tpu.memory_space<vmem>>
        %dma_start3A_319 = tpu.memref_squeeze %dma_start3A_318 : memref<1x80xi32, #tpu.memory_space<vmem>> -> memref<80xi32, #tpu.memory_space<vmem>>
        %dma_start3A_320 = tpu.memref_slice %arg3[%add3A_311] : memref<320000xi32, #tpu.memory_space<hbm>> -> memref<80xi32, #tpu.memory_space<hbm>>
        tpu.enqueue_dma source(%dma_start3A_320 : memref<80xi32, #tpu.memory_space<hbm>>) target(%dma_start3A_319 : memref<80xi32, #tpu.memory_space<vmem>>) target_semaphore(%arg12 : memref<!tpu.dma_semaphore, #tpu.memory_space<semaphore_mem>>)
        %dma_start3A_321 = arith.constant 5 : i32
        %dma_start3A_322 = arith.constant 0 : i32
        %dma_start3A_323 = tpu.memref_slice %arg7[%dma_start3A_321, %dma_start3A_322] : memref<8x80xi32, #tpu.memory_space<vmem>> -> memref<1x80xi32, #tpu.memory_space<vmem>>
        %dma_start3A_324 = tpu.memref_squeeze %dma_start3A_323 : memref<1x80xi32, #tpu.memory_space<vmem>> -> memref<80xi32, #tpu.memory_space<vmem>>
        %dma_start3A_325 = tpu.memref_slice %arg4[%add3A_311] : memref<320000xi32, #tpu.memory_space<hbm>> -> memref<80xi32, #tpu.memory_space<hbm>>
        %dma_start3A_326 = arith.constant 0 : i32
        %dma_start3A_327 = tpu.memref_slice %arg7[%dma_start3A_321, %dma_start3A_326] : memref<8x80xi32, #tpu.memory_space<vmem>> -> memref<1x80xi32, #tpu.memory_space<vmem>>
        %dma_start3A_328 = tpu.memref_squeeze %dma_start3A_327 : memref<1x80xi32, #tpu.memory_space<vmem>> -> memref<80xi32, #tpu.memory_space<vmem>>
        %dma_start3A_329 = tpu.memref_slice %arg4[%add3A_311] : memref<320000xi32, #tpu.memory_space<hbm>> -> memref<80xi32, #tpu.memory_space<hbm>>
        tpu.enqueue_dma source(%dma_start3A_329 : memref<80xi32, #tpu.memory_space<hbm>>) target(%dma_start3A_328 : memref<80xi32, #tpu.memory_space<vmem>>) target_semaphore(%arg12 : memref<!tpu.dma_semaphore, #tpu.memory_space<semaphore_mem>>)
      } else {
      }
      %add3A_296 = arith.constant 4 : i32
      %add3A_297 = arith.addi %add3A_272, %add3A_296 : i32
      %sub3A_298 = arith.constant 2 : i32
      %sub3A_299 = arith.subi %add3A_297, %sub3A_298 : i32
      %lt3A_300 = arith.constant 125 : i32
      %lt3A_301 = arith.cmpi slt, %sub3A_299, %lt3A_300 : i32
      %convert_element_type3A_302 = arith.extui %lt3A_301 : i1 to i32
      %cond3A_303 = arith.constant 0 : i32
      %cond3A_304 = arith.cmpi ne, %convert_element_type3A_302, %cond3A_303 : i32
      scf.if %cond3A_304 {
        %dma_wait3A_305 = arith.constant 2 : i32
        %dma_wait3A_306 = arith.constant 0 : i32
        %dma_wait3A_307 = tpu.memref_slice %arg7[%dma_wait3A_305, %dma_wait3A_306] : memref<8x80xi32, #tpu.memory_space<vmem>> -> memref<1x80xi32, #tpu.memory_space<vmem>>
        %dma_wait3A_308 = tpu.memref_squeeze %dma_wait3A_307 : memref<1x80xi32, #tpu.memory_space<vmem>> -> memref<80xi32, #tpu.memory_space<vmem>>
        %dma_wait3A_309 = arith.constant 0 : i32
        %dma_wait3A_310 = tpu.memref_slice %arg3[%dma_wait3A_309] : memref<320000xi32, #tpu.memory_space<hbm>> -> memref<80xi32, #tpu.memory_space<hbm>>
        %dma_wait3A_311 = arith.constant 0 : i32
        %dma_wait3A_312 = tpu.memref_slice %arg7[%dma_wait3A_305, %dma_wait3A_311] : memref<8x80xi32, #tpu.memory_space<vmem>> -> memref<1x80xi32, #tpu.memory_space<vmem>>
        %dma_wait3A_313 = tpu.memref_squeeze %dma_wait3A_312 : memref<1x80xi32, #tpu.memory_space<vmem>> -> memref<80xi32, #tpu.memory_space<vmem>>
        %dma_wait3A_314 = arith.constant 0 : i32
        %dma_wait3A_315 = tpu.memref_slice %arg3[%dma_wait3A_314] : memref<320000xi32, #tpu.memory_space<hbm>> -> memref<80xi32, #tpu.memory_space<hbm>>
        tpu.wait_dma2 semaphore(%arg11 : memref<!tpu.dma_semaphore, #tpu.memory_space<semaphore_mem>>) src(%dma_wait3A_315 : memref<80xi32, #tpu.memory_space<hbm>>) dst(%dma_wait3A_313 : memref<80xi32, #tpu.memory_space<vmem>>)
        %dma_wait3A_316 = arith.constant 3 : i32
        %dma_wait3A_317 = arith.constant 0 : i32
        %dma_wait3A_318 = tpu.memref_slice %arg7[%dma_wait3A_316, %dma_wait3A_317] : memref<8x80xi32, #tpu.memory_space<vmem>> -> memref<1x80xi32, #tpu.memory_space<vmem>>
        %dma_wait3A_319 = tpu.memref_squeeze %dma_wait3A_318 : memref<1x80xi32, #tpu.memory_space<vmem>> -> memref<80xi32, #tpu.memory_space<vmem>>
        %dma_wait3A_320 = arith.constant 0 : i32
        %dma_wait3A_321 = tpu.memref_slice %arg3[%dma_wait3A_320] : memref<320000xi32, #tpu.memory_space<hbm>> -> memref<80xi32, #tpu.memory_space<hbm>>
        %dma_wait3A_322 = arith.constant 0 : i32
        %dma_wait3A_323 = tpu.memref_slice %arg7[%dma_wait3A_316, %dma_wait3A_322] : memref<8x80xi32, #tpu.memory_space<vmem>> -> memref<1x80xi32, #tpu.memory_space<vmem>>
        %dma_wait3A_324 = tpu.memref_squeeze %dma_wait3A_323 : memref<1x80xi32, #tpu.memory_space<vmem>> -> memref<80xi32, #tpu.memory_space<vmem>>
        %dma_wait3A_325 = arith.constant 0 : i32
        %dma_wait3A_326 = tpu.memref_slice %arg3[%dma_wait3A_325] : memref<320000xi32, #tpu.memory_space<hbm>> -> memref<80xi32, #tpu.memory_space<hbm>>
        tpu.wait_dma2 semaphore(%arg11 : memref<!tpu.dma_semaphore, #tpu.memory_space<semaphore_mem>>) src(%dma_wait3A_326 : memref<80xi32, #tpu.memory_space<hbm>>) dst(%dma_wait3A_324 : memref<80xi32, #tpu.memory_space<vmem>>)
        %dma_start3A_327 = arith.constant 2 : i32
        %dma_start3A_328 = arith.constant 1 : i32
        %dma_start3A_329 = arith.constant 0 : i32
        %dma_start3A_330 = arith.constant 0 : i32
        %dma_start3A_331 = tpu.memref_slice %arg8[%dma_start3A_328, %dma_start3A_329, %dma_start3A_330] : memref<4x80x128xf32, #tpu.memory_space<vmem>> -> memref<1x80x128xf32, #tpu.memory_space<vmem>>
        %dma_start3A_332 = tpu.memref_squeeze %dma_start3A_331 : memref<1x80x128xf32, #tpu.memory_space<vmem>> -> memref<80x128xf32, #tpu.memory_space<vmem>>
        %dma_start3A_333 = arith.constant 0 : i32
        %dma_start3A_334 = tpu.memref_slice %arg7[%dma_start3A_327, %dma_start3A_333] : memref<8x80xi32, #tpu.memory_space<vmem>> -> memref<1x80xi32, #tpu.memory_space<vmem>>
        %dma_start3A_335 = tpu.memref_squeeze %dma_start3A_334 : memref<1x80xi32, #tpu.memory_space<vmem>> -> memref<80xi32, #tpu.memory_space<vmem>>
        %dma_start3A_336 = arith.constant 0 : i32
        %dma_start3A_337 = arith.constant 0 : i32
        %dma_start3A_338 = tpu.memref_slice %arg2[%dma_start3A_336, %dma_start3A_337] : memref<10000x128xf32, #tpu.memory_space<hbm>> -> memref<10000x128xf32, #tpu.memory_space<hbm>>
        tpu.enqueue_indirect_dma source(%dma_start3A_338 : memref<10000x128xf32, #tpu.memory_space<hbm>>) target(%dma_start3A_332 : memref<80x128xf32, #tpu.memory_space<vmem>>) offsets(%dma_start3A_335 : memref<80xi32, #tpu.memory_space<vmem>>) semaphore(%arg15 : memref<!tpu.dma_semaphore, #tpu.memory_space<semaphore_mem>>)
      } else {
      }
    }
    %scan3A_145 = arith.constant 31 : i32
    %dma_wait3A_146 = arith.constant 0 : i32
    %dma_wait3A_147 = arith.constant 0 : i32
    %dma_wait3A_148 = arith.constant 0 : i32
    %dma_wait3A_149 = arith.constant 0 : i32
    %dma_wait3A_150 = tpu.memref_slice %arg8[%dma_wait3A_147, %dma_wait3A_148, %dma_wait3A_149] : memref<4x80x128xf32, #tpu.memory_space<vmem>> -> memref<1x80x128xf32, #tpu.memory_space<vmem>>
    %dma_wait3A_151 = tpu.memref_squeeze %dma_wait3A_150 : memref<1x80x128xf32, #tpu.memory_space<vmem>> -> memref<80x128xf32, #tpu.memory_space<vmem>>
    %dma_wait3A_152 = arith.constant 0 : i32
    %dma_wait3A_153 = tpu.memref_slice %arg7[%dma_wait3A_146, %dma_wait3A_152] : memref<8x80xi32, #tpu.memory_space<vmem>> -> memref<1x80xi32, #tpu.memory_space<vmem>>
    %dma_wait3A_154 = tpu.memref_squeeze %dma_wait3A_153 : memref<1x80xi32, #tpu.memory_space<vmem>> -> memref<80xi32, #tpu.memory_space<vmem>>
    %dma_wait3A_155 = arith.constant 0 : i32
    %dma_wait3A_156 = arith.constant 0 : i32
    %dma_wait3A_157 = tpu.memref_slice %arg2[%dma_wait3A_155, %dma_wait3A_156] : memref<10000x128xf32, #tpu.memory_space<hbm>> -> memref<10000x128xf32, #tpu.memory_space<hbm>>
    tpu.wait_indirect_dma semaphore(%arg14 : memref<!tpu.dma_semaphore, #tpu.memory_space<semaphore_mem>>) src(%dma_wait3A_157 : memref<10000x128xf32, #tpu.memory_space<hbm>>) dst(%dma_wait3A_151 : memref<80x128xf32, #tpu.memory_space<vmem>>)
    %run_scoped3A = arith.constant 0 : i32
    %run_scoped3A_158 = arith.constant 1 : i32
    "tpu.region"() ({
      %run_scoped3A_164 = tpu.sem_alloc : memref<!tpu.dma_semaphore, #tpu.memory_space<semaphore_mem>>
      %dma_start3A_165 = arith.constant 0 : i32
      %dma_start3A_166 = arith.constant 0 : i32
      %dma_start3A_167 = tpu.memref_slice %arg8[%run_scoped3A, %dma_start3A_165, %dma_start3A_166] : memref<4x80x128xf32, #tpu.memory_space<vmem>> -> memref<1x80x128xf32, #tpu.memory_space<vmem>>
      %dma_start3A_168 = tpu.memref_squeeze %dma_start3A_167 : memref<1x80x128xf32, #tpu.memory_space<vmem>> -> memref<80x128xf32, #tpu.memory_space<vmem>>
      %dma_start3A_169 = arith.constant 0 : i32
      %dma_start3A_170 = tpu.memref_slice %arg7[%run_scoped3A_158, %dma_start3A_169] : memref<8x80xi32, #tpu.memory_space<vmem>> -> memref<1x80xi32, #tpu.memory_space<vmem>>
      %dma_start3A_171 = tpu.memref_squeeze %dma_start3A_170 : memref<1x80xi32, #tpu.memory_space<vmem>> -> memref<80xi32, #tpu.memory_space<vmem>>
      %dma_start3A_172 = arith.constant 0 : i32
      %dma_start3A_173 = arith.constant 0 : i32
      %dma_start3A_174 = tpu.memref_slice %arg9[%dma_start3A_172, %dma_start3A_173] : memref<10240x128xf32, #tpu.memory_space<vmem_shared>> -> memref<10240x128xf32, #tpu.memory_space<vmem_shared>>
      tpu.enqueue_indirect_dma source(%dma_start3A_168 : memref<80x128xf32, #tpu.memory_space<vmem>>) target(%dma_start3A_174 : memref<10240x128xf32, #tpu.memory_space<vmem_shared>>) offsets(%dma_start3A_171 : memref<80xi32, #tpu.memory_space<vmem>>) semaphore(%run_scoped3A_164 : memref<!tpu.dma_semaphore, #tpu.memory_space<semaphore_mem>>) {add = true}
      %dma_wait3A_175 = arith.constant 0 : i32
      %dma_wait3A_176 = arith.constant 0 : i32
      %dma_wait3A_177 = tpu.memref_slice %arg8[%run_scoped3A, %dma_wait3A_175, %dma_wait3A_176] : memref<4x80x128xf32, #tpu.memory_space<vmem>> -> memref<1x80x128xf32, #tpu.memory_space<vmem>>
      %dma_wait3A_178 = tpu.memref_squeeze %dma_wait3A_177 : memref<1x80x128xf32, #tpu.memory_space<vmem>> -> memref<80x128xf32, #tpu.memory_space<vmem>>
      %dma_wait3A_179 = arith.constant 0 : i32
      %dma_wait3A_180 = tpu.memref_slice %arg7[%run_scoped3A_158, %dma_wait3A_179] : memref<8x80xi32, #tpu.memory_space<vmem>> -> memref<1x80xi32, #tpu.memory_space<vmem>>
      %dma_wait3A_181 = tpu.memref_squeeze %dma_wait3A_180 : memref<1x80xi32, #tpu.memory_space<vmem>> -> memref<80xi32, #tpu.memory_space<vmem>>
      %dma_wait3A_182 = arith.constant 0 : i32
      %dma_wait3A_183 = arith.constant 0 : i32
      %dma_wait3A_184 = tpu.memref_slice %arg9[%dma_wait3A_182, %dma_wait3A_183] : memref<10240x128xf32, #tpu.memory_space<vmem_shared>> -> memref<10240x128xf32, #tpu.memory_space<vmem_shared>>
      tpu.wait_indirect_dma semaphore(%run_scoped3A_164 : memref<!tpu.dma_semaphore, #tpu.memory_space<semaphore_mem>>) src(%dma_wait3A_178 : memref<80x128xf32, #tpu.memory_space<vmem>>) dst(%dma_wait3A_184 : memref<10240x128xf32, #tpu.memory_space<vmem_shared>>)
      tpu.yield
    }) : () -> ()
    %barrier3A_159 = arith.constant 0 : index
    tpu.barrier barrier_id(%barrier3A_159)
    %mul3A_160 = arith.constant 640 : i32
    %mul3A_161 = arith.muli %arg1, %mul3A_160 : i32
    %mul3A_162 = arith.constant 640 : i32
    %mul3A_163 = arith.muli %arg1, %mul3A_162 : i32
    "tpu.region"() ({
      %run_scoped3A_164 = tpu.sem_alloc : memref<!tpu.dma_semaphore, #tpu.memory_space<semaphore_mem>>
      %dma_start3A_165 = arith.constant 0 : i32
      %dma_start3A_166 = tpu.memref_slice %arg6[%arg0, %mul3A_163, %dma_start3A_165] : memref<2x10240x128xf32, #tpu.memory_space<hbm>> -> memref<1x640x128xf32, #tpu.memory_space<hbm>>
      %dma_start3A_167 = tpu.memref_squeeze %dma_start3A_166 : memref<1x640x128xf32, #tpu.memory_space<hbm>> -> memref<640x128xf32, #tpu.memory_space<hbm>>
      %dma_start3A_168 = arith.constant 0 : i32
      %dma_start3A_169 = tpu.memref_slice %arg9[%mul3A_161, %dma_start3A_168] : memref<10240x128xf32, #tpu.memory_space<vmem_shared>> -> memref<640x128xf32, #tpu.memory_space<vmem_shared>>
      tpu.enqueue_dma source(%dma_start3A_169 : memref<640x128xf32, #tpu.memory_space<vmem_shared>>) target(%dma_start3A_167 : memref<640x128xf32, #tpu.memory_space<hbm>>) target_semaphore(%run_scoped3A_164 : memref<!tpu.dma_semaphore, #tpu.memory_space<semaphore_mem>>)
      %dma_wait3A_170 = arith.constant 0 : i32
      %dma_wait3A_171 = tpu.memref_slice %arg6[%arg0, %mul3A_163, %dma_wait3A_170] : memref<2x10240x128xf32, #tpu.memory_space<hbm>> -> memref<1x640x128xf32, #tpu.memory_space<hbm>>
      %dma_wait3A_172 = tpu.memref_squeeze %dma_wait3A_171 : memref<1x640x128xf32, #tpu.memory_space<hbm>> -> memref<640x128xf32, #tpu.memory_space<hbm>>
      %dma_wait3A_173 = arith.constant 0 : i32
      %dma_wait3A_174 = tpu.memref_slice %arg9[%mul3A_161, %dma_wait3A_173] : memref<10240x128xf32, #tpu.memory_space<vmem_shared>> -> memref<640x128xf32, #tpu.memory_space<vmem_shared>>
      tpu.wait_dma2 semaphore(%run_scoped3A_164 : memref<!tpu.dma_semaphore, #tpu.memory_space<semaphore_mem>>) src(%dma_wait3A_174 : memref<640x128xf32, #tpu.memory_space<vmem_shared>>) dst(%dma_wait3A_172 : memref<640x128xf32, #tpu.memory_space<hbm>>)
      tpu.yield
    }) : () -> ()
    return
  }
}

#map = affine_map<(d0, d1) -> (0, 0)>
#map1 = affine_map<(d0, d1) -> (0)>
#map2 = affine_map<(d0, d1) -> (0, 0, 0)>
module attributes {stable_mosaic.version = 14 : i64} {
  func.func @_sc_scatter(%arg0: i32, %arg1: i32, %arg2: memref<10000x128xf32, #tpu.memory_space<hbm>>, %arg3: memref<320000xi32, #tpu.memory_space<hbm>>, %arg4: memref<320000xi32, #tpu.memory_space<hbm>>, %arg5: memref<10240x128xf32, #tpu.memory_space<hbm>>, %arg6: memref<2x10240x128xf32, #tpu.memory_space<hbm>>, %arg7: memref<8x80xi32, #tpu.memory_space<vmem>>, %arg8: memref<4x80x128xf32, #tpu.memory_space<vmem>>, %arg9: memref<10240x128xf32, #tpu.memory_space<vmem_shared>>, %arg10: memref<!tpu.dma_semaphore, #tpu.memory_space<semaphore_mem>>, %arg11: memref<!tpu.dma_semaphore, #tpu.memory_space<semaphore_mem>>, %arg12: memref<!tpu.dma_semaphore, #tpu.memory_space<semaphore_mem>>, %arg13: memref<!tpu.dma_semaphore, #tpu.memory_space<semaphore_mem>>, %arg14: memref<!tpu.dma_semaphore, #tpu.memory_space<semaphore_mem>>, %arg15: memref<!tpu.dma_semaphore, #tpu.memory_space<semaphore_mem>>, %arg16: memref<!tpu.dma_semaphore, #tpu.memory_space<semaphore_mem>>, %arg17: memref<!tpu.dma_semaphore, #tpu.memory_space<semaphore_mem>>, %arg18: memref<!tpu.dma_semaphore, #tpu.memory_space<semaphore_mem>>) attributes {dimension_semantics = [#tpu.dimension_semantics<core_parallel>, #tpu.dimension_semantics<subcore_parallel>], iteration_bounds = array<i64: 2, 16>, scalar_prefetch = 0 : i64, scratch_operands = 12 : i64, tpu.core_type = #tpu.core_type<sc_vector_subcore>, window_params = [{transform_indices = #map}, {transform_indices = #map1}, {transform_indices = #map1}, {transform_indices = #map}, {transform_indices = #map2}]} {
    %mul3A = arith.constant 16 : i32
    %mul3A_0 = arith.muli %arg0, %mul3A : i32
    %add3A = arith.addi %mul3A_0, %arg1 : i32
    %mul3A_1 = arith.constant 10000 : i32
    %mul3A_2 = arith.muli %add3A, %mul3A_1 : i32
    %mul3A_3 = arith.constant 640 : i32
    %mul3A_4 = arith.muli %arg1, %mul3A_3 : i32
    %mul3A_5 = arith.constant 640 : i32
    %mul3A_6 = arith.muli %arg1, %mul3A_5 : i32
    %dma_start3A = arith.constant 0 : i32
    %dma_start3A_7 = tpu.memref_slice %arg9[%mul3A_6, %dma_start3A] : memref<10240x128xf32, #tpu.memory_space<vmem_shared>> -> memref<640x128xf32, #tpu.memory_space<vmem_shared>>
    %dma_start3A_8 = arith.constant 0 : i32
    %dma_start3A_9 = tpu.memref_slice %arg5[%mul3A_4, %dma_start3A_8] : memref<10240x128xf32, #tpu.memory_space<hbm>> -> memref<640x128xf32, #tpu.memory_space<hbm>>
    tpu.enqueue_dma source(%dma_start3A_9 : memref<640x128xf32, #tpu.memory_space<hbm>>) target(%dma_start3A_7 : memref<640x128xf32, #tpu.memory_space<vmem_shared>>) target_semaphore(%arg18 : memref<!tpu.dma_semaphore, #tpu.memory_space<semaphore_mem>>)
    %add3A_10 = arith.constant 0 : i32
    %add3A_11 = arith.addi %mul3A_2, %add3A_10 : i32
    %dma_start3A_12 = arith.constant 0 : i32
    %dma_start3A_13 = arith.constant 0 : i32
    %dma_start3A_14 = tpu.memref_slice %arg7[%dma_start3A_12, %dma_start3A_13] : memref<8x80xi32, #tpu.memory_space<vmem>> -> memref<1x80xi32, #tpu.memory_space<vmem>>
    %dma_start3A_15 = tpu.memref_squeeze %dma_start3A_14 : memref<1x80xi32, #tpu.memory_space<vmem>> -> memref<80xi32, #tpu.memory_space<vmem>>
    %dma_start3A_16 = tpu.memref_slice %arg3[%add3A_11] : memref<320000xi32, #tpu.memory_space<hbm>> -> memref<80xi32, #tpu.memory_space<hbm>>
    %dma_start3A_17 = arith.constant 0 : i32
    %dma_start3A_18 = tpu.memref_slice %arg7[%dma_start3A_12, %dma_start3A_17] : memref<8x80xi32, #tpu.memory_space<vmem>> -> memref<1x80xi32, #tpu.memory_space<vmem>>
    %dma_start3A_19 = tpu.memref_squeeze %dma_start3A_18 : memref<1x80xi32, #tpu.memory_space<vmem>> -> memref<80xi32, #tpu.memory_space<vmem>>
    %dma_start3A_20 = tpu.memref_slice %arg3[%add3A_11] : memref<320000xi32, #tpu.memory_space<hbm>> -> memref<80xi32, #tpu.memory_space<hbm>>
    tpu.enqueue_dma source(%dma_start3A_20 : memref<80xi32, #tpu.memory_space<hbm>>) target(%dma_start3A_19 : memref<80xi32, #tpu.memory_space<vmem>>) target_semaphore(%arg10 : memref<!tpu.dma_semaphore, #tpu.memory_space<semaphore_mem>>)
    %dma_start3A_21 = arith.constant 1 : i32
    %dma_start3A_22 = arith.constant 0 : i32
    %dma_start3A_23 = tpu.memref_slice %arg7[%dma_start3A_21, %dma_start3A_22] : memref<8x80xi32, #tpu.memory_space<vmem>> -> memref<1x80xi32, #tpu.memory_space<vmem>>
    %dma_start3A_24 = tpu.memref_squeeze %dma_start3A_23 : memref<1x80xi32, #tpu.memory_space<vmem>> -> memref<80xi32, #tpu.memory_space<vmem>>
    %dma_start3A_25 = tpu.memref_slice %arg4[%add3A_11] : memref<320000xi32, #tpu.memory_space<hbm>> -> memref<80xi32, #tpu.memory_space<hbm>>
    %dma_start3A_26 = arith.constant 0 : i32
    %dma_start3A_27 = tpu.memref_slice %arg7[%dma_start3A_21, %dma_start3A_26] : memref<8x80xi32, #tpu.memory_space<vmem>> -> memref<1x80xi32, #tpu.memory_space<vmem>>
    %dma_start3A_28 = tpu.memref_squeeze %dma_start3A_27 : memref<1x80xi32, #tpu.memory_space<vmem>> -> memref<80xi32, #tpu.memory_space<vmem>>
    %dma_start3A_29 = tpu.memref_slice %arg4[%add3A_11] : memref<320000xi32, #tpu.memory_space<hbm>> -> memref<80xi32, #tpu.memory_space<hbm>>
    tpu.enqueue_dma source(%dma_start3A_29 : memref<80xi32, #tpu.memory_space<hbm>>) target(%dma_start3A_28 : memref<80xi32, #tpu.memory_space<vmem>>) target_semaphore(%arg10 : memref<!tpu.dma_semaphore, #tpu.memory_space<semaphore_mem>>)
    %add3A_30 = arith.constant 80 : i32
    %add3A_31 = arith.addi %mul3A_2, %add3A_30 : i32
    %dma_start3A_32 = arith.constant 2 : i32
    %dma_start3A_33 = arith.constant 0 : i32
    %dma_start3A_34 = tpu.memref_slice %arg7[%dma_start3A_32, %dma_start3A_33] : memref<8x80xi32, #tpu.memory_space<vmem>> -> memref<1x80xi32, #tpu.memory_space<vmem>>
    %dma_start3A_35 = tpu.memref_squeeze %dma_start3A_34 : memref<1x80xi32, #tpu.memory_space<vmem>> -> memref<80xi32, #tpu.memory_space<vmem>>
    %dma_start3A_36 = tpu.memref_slice %arg3[%add3A_31] : memref<320000xi32, #tpu.memory_space<hbm>> -> memref<80xi32, #tpu.memory_space<hbm>>
    %dma_start3A_37 = arith.constant 0 : i32
    %dma_start3A_38 = tpu.memref_slice %arg7[%dma_start3A_32, %dma_start3A_37] : memref<8x80xi32, #tpu.memory_space<vmem>> -> memref<1x80xi32, #tpu.memory_space<vmem>>
    %dma_start3A_39 = tpu.memref_squeeze %dma_start3A_38 : memref<1x80xi32, #tpu.memory_space<vmem>> -> memref<80xi32, #tpu.memory_space<vmem>>
    %dma_start3A_40 = tpu.memref_slice %arg3[%add3A_31] : memref<320000xi32, #tpu.memory_space<hbm>> -> memref<80xi32, #tpu.memory_space<hbm>>
    tpu.enqueue_dma source(%dma_start3A_40 : memref<80xi32, #tpu.memory_space<hbm>>) target(%dma_start3A_39 : memref<80xi32, #tpu.memory_space<vmem>>) target_semaphore(%arg11 : memref<!tpu.dma_semaphore, #tpu.memory_space<semaphore_mem>>)
    %dma_start3A_41 = arith.constant 3 : i32
    %dma_start3A_42 = arith.constant 0 : i32
    %dma_start3A_43 = tpu.memref_slice %arg7[%dma_start3A_41, %dma_start3A_42] : memref<8x80xi32, #tpu.memory_space<vmem>> -> memref<1x80xi32, #tpu.memory_space<vmem>>
    %dma_start3A_44 = tpu.memref_squeeze %dma_start3A_43 : memref<1x80xi32, #tpu.memory_space<vmem>> -> memref<80xi32, #tpu.memory_space<vmem>>
    %dma_start3A_45 = tpu.memref_slice %arg4[%add3A_31] : memref<320000xi32, #tpu.memory_space<hbm>> -> memref<80xi32, #tpu.memory_space<hbm>>
    %dma_start3A_46 = arith.constant 0 : i32
    %dma_start3A_47 = tpu.memref_slice %arg7[%dma_start3A_41, %dma_start3A_46] : memref<8x80xi32, #tpu.memory_space<vmem>> -> memref<1x80xi32, #tpu.memory_space<vmem>>
    %dma_start3A_48 = tpu.memref_squeeze %dma_start3A_47 : memref<1x80xi32, #tpu.memory_space<vmem>> -> memref<80xi32, #tpu.memory_space<vmem>>
    %dma_start3A_49 = tpu.memref_slice %arg4[%add3A_31] : memref<320000xi32, #tpu.memory_space<hbm>> -> memref<80xi32, #tpu.memory_space<hbm>>
    tpu.enqueue_dma source(%dma_start3A_49 : memref<80xi32, #tpu.memory_space<hbm>>) target(%dma_start3A_48 : memref<80xi32, #tpu.memory_space<vmem>>) target_semaphore(%arg11 : memref<!tpu.dma_semaphore, #tpu.memory_space<semaphore_mem>>)
    %add3A_50 = arith.constant 160 : i32
    %add3A_51 = arith.addi %mul3A_2, %add3A_50 : i32
    %dma_start3A_52 = arith.constant 4 : i32
    %dma_start3A_53 = arith.constant 0 : i32
    %dma_start3A_54 = tpu.memref_slice %arg7[%dma_start3A_52, %dma_start3A_53] : memref<8x80xi32, #tpu.memory_space<vmem>> -> memref<1x80xi32, #tpu.memory_space<vmem>>
    %dma_start3A_55 = tpu.memref_squeeze %dma_start3A_54 : memref<1x80xi32, #tpu.memory_space<vmem>> -> memref<80xi32, #tpu.memory_space<vmem>>
    %dma_start3A_56 = tpu.memref_slice %arg3[%add3A_51] : memref<320000xi32, #tpu.memory_space<hbm>> -> memref<80xi32, #tpu.memory_space<hbm>>
    %dma_start3A_57 = arith.constant 0 : i32
    %dma_start3A_58 = tpu.memref_slice %arg7[%dma_start3A_52, %dma_start3A_57] : memref<8x80xi32, #tpu.memory_space<vmem>> -> memref<1x80xi32, #tpu.memory_space<vmem>>
    %dma_start3A_59 = tpu.memref_squeeze %dma_start3A_58 : memref<1x80xi32, #tpu.memory_space<vmem>> -> memref<80xi32, #tpu.memory_space<vmem>>
    %dma_start3A_60 = tpu.memref_slice %arg3[%add3A_51] : memref<320000xi32, #tpu.memory_space<hbm>> -> memref<80xi32, #tpu.memory_space<hbm>>
    tpu.enqueue_dma source(%dma_start3A_60 : memref<80xi32, #tpu.memory_space<hbm>>) target(%dma_start3A_59 : memref<80xi32, #tpu.memory_space<vmem>>) target_semaphore(%arg12 : memref<!tpu.dma_semaphore, #tpu.memory_space<semaphore_mem>>)
    %dma_start3A_61 = arith.constant 5 : i32
    %dma_start3A_62 = arith.constant 0 : i32
    %dma_start3A_63 = tpu.memref_slice %arg7[%dma_start3A_61, %dma_start3A_62] : memref<8x80xi32, #tpu.memory_space<vmem>> -> memref<1x80xi32, #tpu.memory_space<vmem>>
    %dma_start3A_64 = tpu.memref_squeeze %dma_start3A_63 : memref<1x80xi32, #tpu.memory_space<vmem>> -> memref<80xi32, #tpu.memory_space<vmem>>
    %dma_start3A_65 = tpu.memref_slice %arg4[%add3A_51] : memref<320000xi32, #tpu.memory_space<hbm>> -> memref<80xi32, #tpu.memory_space<hbm>>
    %dma_start3A_66 = arith.constant 0 : i32
    %dma_start3A_67 = tpu.memref_slice %arg7[%dma_start3A_61, %dma_start3A_66] : memref<8x80xi32, #tpu.memory_space<vmem>> -> memref<1x80xi32, #tpu.memory_space<vmem>>
    %dma_start3A_68 = tpu.memref_squeeze %dma_start3A_67 : memref<1x80xi32, #tpu.memory_space<vmem>> -> memref<80xi32, #tpu.memory_space<vmem>>
    %dma_start3A_69 = tpu.memref_slice %arg4[%add3A_51] : memref<320000xi32, #tpu.memory_space<hbm>> -> memref<80xi32, #tpu.memory_space<hbm>>
    tpu.enqueue_dma source(%dma_start3A_69 : memref<80xi32, #tpu.memory_space<hbm>>) target(%dma_start3A_68 : memref<80xi32, #tpu.memory_space<vmem>>) target_semaphore(%arg12 : memref<!tpu.dma_semaphore, #tpu.memory_space<semaphore_mem>>)
    %dma_wait3A = arith.constant 0 : i32
    %dma_wait3A_70 = arith.constant 0 : i32
    %dma_wait3A_71 = tpu.memref_slice %arg7[%dma_wait3A, %dma_wait3A_70] : memref<8x80xi32, #tpu.memory_space<vmem>> -> memref<1x80xi32, #tpu.memory_space<vmem>>
    %dma_wait3A_72 = tpu.memref_squeeze %dma_wait3A_71 : memref<1x80xi32, #tpu.memory_space<vmem>> -> memref<80xi32, #tpu.memory_space<vmem>>
    %dma_wait3A_73 = arith.constant 0 : i32
    %dma_wait3A_74 = tpu.memref_slice %arg3[%dma_wait3A_73] : memref<320000xi32, #tpu.memory_space<hbm>> -> memref<80xi32, #tpu.memory_space<hbm>>
    %dma_wait3A_75 = arith.constant 0 : i32
    %dma_wait3A_76 = tpu.memref_slice %arg7[%dma_wait3A, %dma_wait3A_75] : memref<8x80xi32, #tpu.memory_space<vmem>> -> memref<1x80xi32, #tpu.memory_space<vmem>>
    %dma_wait3A_77 = tpu.memref_squeeze %dma_wait3A_76 : memref<1x80xi32, #tpu.memory_space<vmem>> -> memref<80xi32, #tpu.memory_space<vmem>>
    %dma_wait3A_78 = arith.constant 0 : i32
    %dma_wait3A_79 = tpu.memref_slice %arg3[%dma_wait3A_78] : memref<320000xi32, #tpu.memory_space<hbm>> -> memref<80xi32, #tpu.memory_space<hbm>>
    tpu.wait_dma2 semaphore(%arg10 : memref<!tpu.dma_semaphore, #tpu.memory_space<semaphore_mem>>) src(%dma_wait3A_79 : memref<80xi32, #tpu.memory_space<hbm>>) dst(%dma_wait3A_77 : memref<80xi32, #tpu.memory_space<vmem>>)
    %dma_wait3A_80 = arith.constant 1 : i32
    %dma_wait3A_81 = arith.constant 0 : i32
    %dma_wait3A_82 = tpu.memref_slice %arg7[%dma_wait3A_80, %dma_wait3A_81] : memref<8x80xi32, #tpu.memory_space<vmem>> -> memref<1x80xi32, #tpu.memory_space<vmem>>
    %dma_wait3A_83 = tpu.memref_squeeze %dma_wait3A_82 : memref<1x80xi32, #tpu.memory_space<vmem>> -> memref<80xi32, #tpu.memory_space<vmem>>
    %dma_wait3A_84 = arith.constant 0 : i32
    %dma_wait3A_85 = tpu.memref_slice %arg3[%dma_wait3A_84] : memref<320000xi32, #tpu.memory_space<hbm>> -> memref<80xi32, #tpu.memory_space<hbm>>
    %dma_wait3A_86 = arith.constant 0 : i32
    %dma_wait3A_87 = tpu.memref_slice %arg7[%dma_wait3A_80, %dma_wait3A_86] : memref<8x80xi32, #tpu.memory_space<vmem>> -> memref<1x80xi32, #tpu.memory_space<vmem>>
    %dma_wait3A_88 = tpu.memref_squeeze %dma_wait3A_87 : memref<1x80xi32, #tpu.memory_space<vmem>> -> memref<80xi32, #tpu.memory_space<vmem>>
    %dma_wait3A_89 = arith.constant 0 : i32
    %dma_wait3A_90 = tpu.memref_slice %arg3[%dma_wait3A_89] : memref<320000xi32, #tpu.memory_space<hbm>> -> memref<80xi32, #tpu.memory_space<hbm>>
    tpu.wait_dma2 semaphore(%arg10 : memref<!tpu.dma_semaphore, #tpu.memory_space<semaphore_mem>>) src(%dma_wait3A_90 : memref<80xi32, #tpu.memory_space<hbm>>) dst(%dma_wait3A_88 : memref<80xi32, #tpu.memory_space<vmem>>)
    %dma_start3A_91 = arith.constant 0 : i32
    %dma_start3A_92 = arith.constant 0 : i32
    %dma_start3A_93 = arith.constant 0 : i32
    %dma_start3A_94 = arith.constant 0 : i32
    %dma_start3A_95 = tpu.memref_slice %arg8[%dma_start3A_92, %dma_start3A_93, %dma_start3A_94] : memref<4x80x128xf32, #tpu.memory_space<vmem>> -> memref<1x80x128xf32, #tpu.memory_space<vmem>>
    %dma_start3A_96 = tpu.memref_squeeze %dma_start3A_95 : memref<1x80x128xf32, #tpu.memory_space<vmem>> -> memref<80x128xf32, #tpu.memory_space<vmem>>
    %dma_start3A_97 = arith.constant 0 : i32
    %dma_start3A_98 = tpu.memref_slice %arg7[%dma_start3A_91, %dma_start3A_97] : memref<8x80xi32, #tpu.memory_space<vmem>> -> memref<1x80xi32, #tpu.memory_space<vmem>>
    %dma_start3A_99 = tpu.memref_squeeze %dma_start3A_98 : memref<1x80xi32, #tpu.memory_space<vmem>> -> memref<80xi32, #tpu.memory_space<vmem>>
    %dma_start3A_100 = arith.constant 0 : i32
    %dma_start3A_101 = arith.constant 0 : i32
    %dma_start3A_102 = tpu.memref_slice %arg2[%dma_start3A_100, %dma_start3A_101] : memref<10000x128xf32, #tpu.memory_space<hbm>> -> memref<10000x128xf32, #tpu.memory_space<hbm>>
    tpu.enqueue_indirect_dma source(%dma_start3A_102 : memref<10000x128xf32, #tpu.memory_space<hbm>>) target(%dma_start3A_96 : memref<80x128xf32, #tpu.memory_space<vmem>>) offsets(%dma_start3A_99 : memref<80xi32, #tpu.memory_space<vmem>>) semaphore(%arg14 : memref<!tpu.dma_semaphore, #tpu.memory_space<semaphore_mem>>)
    %dma_wait3A_103 = arith.constant 2 : i32
    %dma_wait3A_104 = arith.constant 0 : i32
    %dma_wait3A_105 = tpu.memref_slice %arg7[%dma_wait3A_103, %dma_wait3A_104] : memref<8x80xi32, #tpu.memory_space<vmem>> -> memref<1x80xi32, #tpu.memory_space<vmem>>
    %dma_wait3A_106 = tpu.memref_squeeze %dma_wait3A_105 : memref<1x80xi32, #tpu.memory_space<vmem>> -> memref<80xi32, #tpu.memory_space<vmem>>
    %dma_wait3A_107 = arith.constant 0 : i32
    %dma_wait3A_108 = tpu.memref_slice %arg3[%dma_wait3A_107] : memref<320000xi32, #tpu.memory_space<hbm>> -> memref<80xi32, #tpu.memory_space<hbm>>
    %dma_wait3A_109 = arith.constant 0 : i32
    %dma_wait3A_110 = tpu.memref_slice %arg7[%dma_wait3A_103, %dma_wait3A_109] : memref<8x80xi32, #tpu.memory_space<vmem>> -> memref<1x80xi32, #tpu.memory_space<vmem>>
    %dma_wait3A_111 = tpu.memref_squeeze %dma_wait3A_110 : memref<1x80xi32, #tpu.memory_space<vmem>> -> memref<80xi32, #tpu.memory_space<vmem>>
    %dma_wait3A_112 = arith.constant 0 : i32
    %dma_wait3A_113 = tpu.memref_slice %arg3[%dma_wait3A_112] : memref<320000xi32, #tpu.memory_space<hbm>> -> memref<80xi32, #tpu.memory_space<hbm>>
    tpu.wait_dma2 semaphore(%arg11 : memref<!tpu.dma_semaphore, #tpu.memory_space<semaphore_mem>>) src(%dma_wait3A_113 : memref<80xi32, #tpu.memory_space<hbm>>) dst(%dma_wait3A_111 : memref<80xi32, #tpu.memory_space<vmem>>)
    %dma_wait3A_114 = arith.constant 3 : i32
    %dma_wait3A_115 = arith.constant 0 : i32
    %dma_wait3A_116 = tpu.memref_slice %arg7[%dma_wait3A_114, %dma_wait3A_115] : memref<8x80xi32, #tpu.memory_space<vmem>> -> memref<1x80xi32, #tpu.memory_space<vmem>>
    %dma_wait3A_117 = tpu.memref_squeeze %dma_wait3A_116 : memref<1x80xi32, #tpu.memory_space<vmem>> -> memref<80xi32, #tpu.memory_space<vmem>>
    %dma_wait3A_118 = arith.constant 0 : i32
    %dma_wait3A_119 = tpu.memref_slice %arg3[%dma_wait3A_118] : memref<320000xi32, #tpu.memory_space<hbm>> -> memref<80xi32, #tpu.memory_space<hbm>>
    %dma_wait3A_120 = arith.constant 0 : i32
    %dma_wait3A_121 = tpu.memref_slice %arg7[%dma_wait3A_114, %dma_wait3A_120] : memref<8x80xi32, #tpu.memory_space<vmem>> -> memref<1x80xi32, #tpu.memory_space<vmem>>
    %dma_wait3A_122 = tpu.memref_squeeze %dma_wait3A_121 : memref<1x80xi32, #tpu.memory_space<vmem>> -> memref<80xi32, #tpu.memory_space<vmem>>
    %dma_wait3A_123 = arith.constant 0 : i32
    %dma_wait3A_124 = tpu.memref_slice %arg3[%dma_wait3A_123] : memref<320000xi32, #tpu.memory_space<hbm>> -> memref<80xi32, #tpu.memory_space<hbm>>
    tpu.wait_dma2 semaphore(%arg11 : memref<!tpu.dma_semaphore, #tpu.memory_space<semaphore_mem>>) src(%dma_wait3A_124 : memref<80xi32, #tpu.memory_space<hbm>>) dst(%dma_wait3A_122 : memref<80xi32, #tpu.memory_space<vmem>>)
    %dma_start3A_125 = arith.constant 2 : i32
    %dma_start3A_126 = arith.constant 1 : i32
    %dma_start3A_127 = arith.constant 0 : i32
    %dma_start3A_128 = arith.constant 0 : i32
    %dma_start3A_129 = tpu.memref_slice %arg8[%dma_start3A_126, %dma_start3A_127, %dma_start3A_128] : memref<4x80x128xf32, #tpu.memory_space<vmem>> -> memref<1x80x128xf32, #tpu.memory_space<vmem>>
    %dma_start3A_130 = tpu.memref_squeeze %dma_start3A_129 : memref<1x80x128xf32, #tpu.memory_space<vmem>> -> memref<80x128xf32, #tpu.memory_space<vmem>>
    %dma_start3A_131 = arith.constant 0 : i32
    %dma_start3A_132 = tpu.memref_slice %arg7[%dma_start3A_125, %dma_start3A_131] : memref<8x80xi32, #tpu.memory_space<vmem>> -> memref<1x80xi32, #tpu.memory_space<vmem>>
    %dma_start3A_133 = tpu.memref_squeeze %dma_start3A_132 : memref<1x80xi32, #tpu.memory_space<vmem>> -> memref<80xi32, #tpu.memory_space<vmem>>
    %dma_start3A_134 = arith.constant 0 : i32
    %dma_start3A_135 = arith.constant 0 : i32
    %dma_start3A_136 = tpu.memref_slice %arg2[%dma_start3A_134, %dma_start3A_135] : memref<10000x128xf32, #tpu.memory_space<hbm>> -> memref<10000x128xf32, #tpu.memory_space<hbm>>
    tpu.enqueue_indirect_dma source(%dma_start3A_136 : memref<10000x128xf32, #tpu.memory_space<hbm>>) target(%dma_start3A_130 : memref<80x128xf32, #tpu.memory_space<vmem>>) offsets(%dma_start3A_133 : memref<80xi32, #tpu.memory_space<vmem>>) semaphore(%arg15 : memref<!tpu.dma_semaphore, #tpu.memory_space<semaphore_mem>>)
    %dma_wait3A_137 = arith.constant 0 : i32
    %dma_wait3A_138 = tpu.memref_slice %arg9[%mul3A_6, %dma_wait3A_137] : memref<10240x128xf32, #tpu.memory_space<vmem_shared>> -> memref<640x128xf32, #tpu.memory_space<vmem_shared>>
    %dma_wait3A_139 = arith.constant 0 : i32
    %dma_wait3A_140 = tpu.memref_slice %arg5[%mul3A_4, %dma_wait3A_139] : memref<10240x128xf32, #tpu.memory_space<hbm>> -> memref<640x128xf32, #tpu.memory_space<hbm>>
    tpu.wait_dma2 semaphore(%arg18 : memref<!tpu.dma_semaphore, #tpu.memory_space<semaphore_mem>>) src(%dma_wait3A_140 : memref<640x128xf32, #tpu.memory_space<hbm>>) dst(%dma_wait3A_138 : memref<640x128xf32, #tpu.memory_space<vmem_shared>>)
    %barrier3A = arith.constant 0 : index
    tpu.barrier barrier_id(%barrier3A)
    %scan3A = arith.constant 0 : i32
    %scan3A_141 = arith.constant 0 : i32
    %scan3A_142 = arith.constant 31 : i32
    %scan3A_143 = arith.addi %scan3A_141, %scan3A_142 : i32
    %scan3A_144 = arith.constant 1 : i32
    scf.for %scan3A_164 = %scan3A_141 to %scan3A_143 step %scan3A_144  : i32 {
      %mul3A_165 = arith.constant 4 : i32
      %mul3A_166 = arith.muli %scan3A_164, %mul3A_165 : i32
      %add3A_167 = arith.constant 0 : i32
      %add3A_168 = arith.addi %mul3A_166, %add3A_167 : i32
      %dma_wait3A_169 = arith.constant 0 : i32
      %dma_wait3A_170 = arith.constant 0 : i32
      %dma_wait3A_171 = arith.constant 0 : i32
      %dma_wait3A_172 = arith.constant 0 : i32
      %dma_wait3A_173 = tpu.memref_slice %arg8[%dma_wait3A_170, %dma_wait3A_171, %dma_wait3A_172] : memref<4x80x128xf32, #tpu.memory_space<vmem>> -> memref<1x80x128xf32, #tpu.memory_space<vmem>>
      %dma_wait3A_174 = tpu.memref_squeeze %dma_wait3A_173 : memref<1x80x128xf32, #tpu.memory_space<vmem>> -> memref<80x128xf32, #tpu.memory_space<vmem>>
      %dma_wait3A_175 = arith.constant 0 : i32
      %dma_wait3A_176 = tpu.memref_slice %arg7[%dma_wait3A_169, %dma_wait3A_175] : memref<8x80xi32, #tpu.memory_space<vmem>> -> memref<1x80xi32, #tpu.memory_space<vmem>>
      %dma_wait3A_177 = tpu.memref_squeeze %dma_wait3A_176 : memref<1x80xi32, #tpu.memory_space<vmem>> -> memref<80xi32, #tpu.memory_space<vmem>>
      %dma_wait3A_178 = arith.constant 0 : i32
      %dma_wait3A_179 = arith.constant 0 : i32
      %dma_wait3A_180 = tpu.memref_slice %arg2[%dma_wait3A_178, %dma_wait3A_179] : memref<10000x128xf32, #tpu.memory_space<hbm>> -> memref<10000x128xf32, #tpu.memory_space<hbm>>
      tpu.wait_indirect_dma semaphore(%arg14 : memref<!tpu.dma_semaphore, #tpu.memory_space<semaphore_mem>>) src(%dma_wait3A_180 : memref<10000x128xf32, #tpu.memory_space<hbm>>) dst(%dma_wait3A_174 : memref<80x128xf32, #tpu.memory_space<vmem>>)
      %run_scoped3A_181 = arith.constant 0 : i32
      %run_scoped3A_182 = arith.constant 1 : i32
      "tpu.region"() ({
        %run_scoped3A_305 = tpu.sem_alloc : memref<!tpu.dma_semaphore, #tpu.memory_space<semaphore_mem>>
        %dma_start3A_306 = arith.constant 0 : i32
        %dma_start3A_307 = arith.constant 0 : i32
        %dma_start3A_308 = tpu.memref_slice %arg8[%run_scoped3A_181, %dma_start3A_306, %dma_start3A_307] : memref<4x80x128xf32, #tpu.memory_space<vmem>> -> memref<1x80x128xf32, #tpu.memory_space<vmem>>
        %dma_start3A_309 = tpu.memref_squeeze %dma_start3A_308 : memref<1x80x128xf32, #tpu.memory_space<vmem>> -> memref<80x128xf32, #tpu.memory_space<vmem>>
        %dma_start3A_310 = arith.constant 0 : i32
        %dma_start3A_311 = tpu.memref_slice %arg7[%run_scoped3A_182, %dma_start3A_310] : memref<8x80xi32, #tpu.memory_space<vmem>> -> memref<1x80xi32, #tpu.memory_space<vmem>>
        %dma_start3A_312 = tpu.memref_squeeze %dma_start3A_311 : memref<1x80xi32, #tpu.memory_space<vmem>> -> memref<80xi32, #tpu.memory_space<vmem>>
        %dma_start3A_313 = arith.constant 0 : i32
        %dma_start3A_314 = arith.constant 0 : i32
        %dma_start3A_315 = tpu.memref_slice %arg9[%dma_start3A_313, %dma_start3A_314] : memref<10240x128xf32, #tpu.memory_space<vmem_shared>> -> memref<10240x128xf32, #tpu.memory_space<vmem_shared>>
        tpu.enqueue_indirect_dma source(%dma_start3A_309 : memref<80x128xf32, #tpu.memory_space<vmem>>) target(%dma_start3A_315 : memref<10240x128xf32, #tpu.memory_space<vmem_shared>>) offsets(%dma_start3A_312 : memref<80xi32, #tpu.memory_space<vmem>>) semaphore(%run_scoped3A_305 : memref<!tpu.dma_semaphore, #tpu.memory_space<semaphore_mem>>) {add = true}
        %dma_wait3A_316 = arith.constant 0 : i32
        %dma_wait3A_317 = arith.constant 0 : i32
        %dma_wait3A_318 = tpu.memref_slice %arg8[%run_scoped3A_181, %dma_wait3A_316, %dma_wait3A_317] : memref<4x80x128xf32, #tpu.memory_space<vmem>> -> memref<1x80x128xf32, #tpu.memory_space<vmem>>
        %dma_wait3A_319 = tpu.memref_squeeze %dma_wait3A_318 : memref<1x80x128xf32, #tpu.memory_space<vmem>> -> memref<80x128xf32, #tpu.memory_space<vmem>>
        %dma_wait3A_320 = arith.constant 0 : i32
        %dma_wait3A_321 = tpu.memref_slice %arg7[%run_scoped3A_182, %dma_wait3A_320] : memref<8x80xi32, #tpu.memory_space<vmem>> -> memref<1x80xi32, #tpu.memory_space<vmem>>
        %dma_wait3A_322 = tpu.memref_squeeze %dma_wait3A_321 : memref<1x80xi32, #tpu.memory_space<vmem>> -> memref<80xi32, #tpu.memory_space<vmem>>
        %dma_wait3A_323 = arith.constant 0 : i32
        %dma_wait3A_324 = arith.constant 0 : i32
        %dma_wait3A_325 = tpu.memref_slice %arg9[%dma_wait3A_323, %dma_wait3A_324] : memref<10240x128xf32, #tpu.memory_space<vmem_shared>> -> memref<10240x128xf32, #tpu.memory_space<vmem_shared>>
        tpu.wait_indirect_dma semaphore(%run_scoped3A_305 : memref<!tpu.dma_semaphore, #tpu.memory_space<semaphore_mem>>) src(%dma_wait3A_319 : memref<80x128xf32, #tpu.memory_space<vmem>>) dst(%dma_wait3A_325 : memref<10240x128xf32, #tpu.memory_space<vmem_shared>>)
        tpu.yield
      }) : () -> ()
      %add3A_183 = arith.constant 4 : i32
      %add3A_184 = arith.addi %add3A_168, %add3A_183 : i32
      %sub3A = arith.constant 1 : i32
      %sub3A_185 = arith.subi %add3A_184, %sub3A : i32
      %lt3A = arith.constant 125 : i32
      %lt3A_186 = arith.cmpi slt, %sub3A_185, %lt3A : i32
      %convert_element_type3A = arith.extui %lt3A_186 : i1 to i32
      %cond3A = arith.constant 0 : i32
      %cond3A_187 = arith.cmpi ne, %convert_element_type3A, %cond3A : i32
      scf.if %cond3A_187 {
        %add3A_305 = arith.constant 4 : i32
        %add3A_306 = arith.addi %add3A_168, %add3A_305 : i32
        %sub3A_307 = arith.constant 1 : i32
        %sub3A_308 = arith.subi %add3A_306, %sub3A_307 : i32
        %mul3A_309 = arith.constant 80 : i32
        %mul3A_310 = arith.muli %sub3A_308, %mul3A_309 : i32
        %add3A_311 = arith.addi %mul3A_2, %mul3A_310 : i32
        %dma_start3A_312 = arith.constant 6 : i32
        %dma_start3A_313 = arith.constant 0 : i32
        %dma_start3A_314 = tpu.memref_slice %arg7[%dma_start3A_312, %dma_start3A_313] : memref<8x80xi32, #tpu.memory_space<vmem>> -> memref<1x80xi32, #tpu.memory_space<vmem>>
        %dma_start3A_315 = tpu.memref_squeeze %dma_start3A_314 : memref<1x80xi32, #tpu.memory_space<vmem>> -> memref<80xi32, #tpu.memory_space<vmem>>
        %dma_start3A_316 = tpu.memref_slice %arg3[%add3A_311] : memref<320000xi32, #tpu.memory_space<hbm>> -> memref<80xi32, #tpu.memory_space<hbm>>
        %dma_start3A_317 = arith.constant 0 : i32
        %dma_start3A_318 = tpu.memref_slice %arg7[%dma_start3A_312, %dma_start3A_317] : memref<8x80xi32, #tpu.memory_space<vmem>> -> memref<1x80xi32, #tpu.memory_space<vmem>>
        %dma_start3A_319 = tpu.memref_squeeze %dma_start3A_318 : memref<1x80xi32, #tpu.memory_space<vmem>> -> memref<80xi32, #tpu.memory_space<vmem>>
        %dma_start3A_320 = tpu.memref_slice %arg3[%add3A_311] : memref<320000xi32, #tpu.memory_space<hbm>> -> memref<80xi32, #tpu.memory_space<hbm>>
        tpu.enqueue_dma source(%dma_start3A_320 : memref<80xi32, #tpu.memory_space<hbm>>) target(%dma_start3A_319 : memref<80xi32, #tpu.memory_space<vmem>>) target_semaphore(%arg13 : memref<!tpu.dma_semaphore, #tpu.memory_space<semaphore_mem>>)
        %dma_start3A_321 = arith.constant 7 : i32
        %dma_start3A_322 = arith.constant 0 : i32
        %dma_start3A_323 = tpu.memref_slice %arg7[%dma_start3A_321, %dma_start3A_322] : memref<8x80xi32, #tpu.memory_space<vmem>> -> memref<1x80xi32, #tpu.memory_space<vmem>>
        %dma_start3A_324 = tpu.memref_squeeze %dma_start3A_323 : memref<1x80xi32, #tpu.memory_space<vmem>> -> memref<80xi32, #tpu.memory_space<vmem>>
        %dma_start3A_325 = tpu.memref_slice %arg4[%add3A_311] : memref<320000xi32, #tpu.memory_space<hbm>> -> memref<80xi32, #tpu.memory_space<hbm>>
        %dma_start3A_326 = arith.constant 0 : i32
        %dma_start3A_327 = tpu.memref_slice %arg7[%dma_start3A_321, %dma_start3A_326] : memref<8x80xi32, #tpu.memory_space<vmem>> -> memref<1x80xi32, #tpu.memory_space<vmem>>
        %dma_start3A_328 = tpu.memref_squeeze %dma_start3A_327 : memref<1x80xi32, #tpu.memory_space<vmem>> -> memref<80xi32, #tpu.memory_space<vmem>>
        %dma_start3A_329 = tpu.memref_slice %arg4[%add3A_311] : memref<320000xi32, #tpu.memory_space<hbm>> -> memref<80xi32, #tpu.memory_space<hbm>>
        tpu.enqueue_dma source(%dma_start3A_329 : memref<80xi32, #tpu.memory_space<hbm>>) target(%dma_start3A_328 : memref<80xi32, #tpu.memory_space<vmem>>) target_semaphore(%arg13 : memref<!tpu.dma_semaphore, #tpu.memory_space<semaphore_mem>>)
      } else {
      }
      %add3A_188 = arith.constant 4 : i32
      %add3A_189 = arith.addi %add3A_168, %add3A_188 : i32
      %sub3A_190 = arith.constant 2 : i32
      %sub3A_191 = arith.subi %add3A_189, %sub3A_190 : i32
      %lt3A_192 = arith.constant 125 : i32
      %lt3A_193 = arith.cmpi slt, %sub3A_191, %lt3A_192 : i32
      %convert_element_type3A_194 = arith.extui %lt3A_193 : i1 to i32
      %cond3A_195 = arith.constant 0 : i32
      %cond3A_196 = arith.cmpi ne, %convert_element_type3A_194, %cond3A_195 : i32
      scf.if %cond3A_196 {
        %dma_wait3A_305 = arith.constant 4 : i32
        %dma_wait3A_306 = arith.constant 0 : i32
        %dma_wait3A_307 = tpu.memref_slice %arg7[%dma_wait3A_305, %dma_wait3A_306] : memref<8x80xi32, #tpu.memory_space<vmem>> -> memref<1x80xi32, #tpu.memory_space<vmem>>
        %dma_wait3A_308 = tpu.memref_squeeze %dma_wait3A_307 : memref<1x80xi32, #tpu.memory_space<vmem>> -> memref<80xi32, #tpu.memory_space<vmem>>
        %dma_wait3A_309 = arith.constant 0 : i32
        %dma_wait3A_310 = tpu.memref_slice %arg3[%dma_wait3A_309] : memref<320000xi32, #tpu.memory_space<hbm>> -> memref<80xi32, #tpu.memory_space<hbm>>
        %dma_wait3A_311 = arith.constant 0 : i32
        %dma_wait3A_312 = tpu.memref_slice %arg7[%dma_wait3A_305, %dma_wait3A_311] : memref<8x80xi32, #tpu.memory_space<vmem>> -> memref<1x80xi32, #tpu.memory_space<vmem>>
        %dma_wait3A_313 = tpu.memref_squeeze %dma_wait3A_312 : memref<1x80xi32, #tpu.memory_space<vmem>> -> memref<80xi32, #tpu.memory_space<vmem>>
        %dma_wait3A_314 = arith.constant 0 : i32
        %dma_wait3A_315 = tpu.memref_slice %arg3[%dma_wait3A_314] : memref<320000xi32, #tpu.memory_space<hbm>> -> memref<80xi32, #tpu.memory_space<hbm>>
        tpu.wait_dma2 semaphore(%arg12 : memref<!tpu.dma_semaphore, #tpu.memory_space<semaphore_mem>>) src(%dma_wait3A_315 : memref<80xi32, #tpu.memory_space<hbm>>) dst(%dma_wait3A_313 : memref<80xi32, #tpu.memory_space<vmem>>)
        %dma_wait3A_316 = arith.constant 5 : i32
        %dma_wait3A_317 = arith.constant 0 : i32
        %dma_wait3A_318 = tpu.memref_slice %arg7[%dma_wait3A_316, %dma_wait3A_317] : memref<8x80xi32, #tpu.memory_space<vmem>> -> memref<1x80xi32, #tpu.memory_space<vmem>>
        %dma_wait3A_319 = tpu.memref_squeeze %dma_wait3A_318 : memref<1x80xi32, #tpu.memory_space<vmem>> -> memref<80xi32, #tpu.memory_space<vmem>>
        %dma_wait3A_320 = arith.constant 0 : i32
        %dma_wait3A_321 = tpu.memref_slice %arg3[%dma_wait3A_320] : memref<320000xi32, #tpu.memory_space<hbm>> -> memref<80xi32, #tpu.memory_space<hbm>>
        %dma_wait3A_322 = arith.constant 0 : i32
        %dma_wait3A_323 = tpu.memref_slice %arg7[%dma_wait3A_316, %dma_wait3A_322] : memref<8x80xi32, #tpu.memory_space<vmem>> -> memref<1x80xi32, #tpu.memory_space<vmem>>
        %dma_wait3A_324 = tpu.memref_squeeze %dma_wait3A_323 : memref<1x80xi32, #tpu.memory_space<vmem>> -> memref<80xi32, #tpu.memory_space<vmem>>
        %dma_wait3A_325 = arith.constant 0 : i32
        %dma_wait3A_326 = tpu.memref_slice %arg3[%dma_wait3A_325] : memref<320000xi32, #tpu.memory_space<hbm>> -> memref<80xi32, #tpu.memory_space<hbm>>
        tpu.wait_dma2 semaphore(%arg12 : memref<!tpu.dma_semaphore, #tpu.memory_space<semaphore_mem>>) src(%dma_wait3A_326 : memref<80xi32, #tpu.memory_space<hbm>>) dst(%dma_wait3A_324 : memref<80xi32, #tpu.memory_space<vmem>>)
        %dma_start3A_327 = arith.constant 4 : i32
        %dma_start3A_328 = arith.constant 2 : i32
        %dma_start3A_329 = arith.constant 0 : i32
        %dma_start3A_330 = arith.constant 0 : i32
        %dma_start3A_331 = tpu.memref_slice %arg8[%dma_start3A_328, %dma_start3A_329, %dma_start3A_330] : memref<4x80x128xf32, #tpu.memory_space<vmem>> -> memref<1x80x128xf32, #tpu.memory_space<vmem>>
        %dma_start3A_332 = tpu.memref_squeeze %dma_start3A_331 : memref<1x80x128xf32, #tpu.memory_space<vmem>> -> memref<80x128xf32, #tpu.memory_space<vmem>>
        %dma_start3A_333 = arith.constant 0 : i32
        %dma_start3A_334 = tpu.memref_slice %arg7[%dma_start3A_327, %dma_start3A_333] : memref<8x80xi32, #tpu.memory_space<vmem>> -> memref<1x80xi32, #tpu.memory_space<vmem>>
        %dma_start3A_335 = tpu.memref_squeeze %dma_start3A_334 : memref<1x80xi32, #tpu.memory_space<vmem>> -> memref<80xi32, #tpu.memory_space<vmem>>
        %dma_start3A_336 = arith.constant 0 : i32
        %dma_start3A_337 = arith.constant 0 : i32
        %dma_start3A_338 = tpu.memref_slice %arg2[%dma_start3A_336, %dma_start3A_337] : memref<10000x128xf32, #tpu.memory_space<hbm>> -> memref<10000x128xf32, #tpu.memory_space<hbm>>
        tpu.enqueue_indirect_dma source(%dma_start3A_338 : memref<10000x128xf32, #tpu.memory_space<hbm>>) target(%dma_start3A_332 : memref<80x128xf32, #tpu.memory_space<vmem>>) offsets(%dma_start3A_335 : memref<80xi32, #tpu.memory_space<vmem>>) semaphore(%arg16 : memref<!tpu.dma_semaphore, #tpu.memory_space<semaphore_mem>>)
      } else {
      }
      %mul3A_197 = arith.constant 4 : i32
      %mul3A_198 = arith.muli %scan3A_164, %mul3A_197 : i32
      %add3A_199 = arith.constant 1 : i32
      %add3A_200 = arith.addi %mul3A_198, %add3A_199 : i32
      %dma_wait3A_201 = arith.constant 2 : i32
      %dma_wait3A_202 = arith.constant 1 : i32
      %dma_wait3A_203 = arith.constant 0 : i32
      %dma_wait3A_204 = arith.constant 0 : i32
      %dma_wait3A_205 = tpu.memref_slice %arg8[%dma_wait3A_202, %dma_wait3A_203, %dma_wait3A_204] : memref<4x80x128xf32, #tpu.memory_space<vmem>> -> memref<1x80x128xf32, #tpu.memory_space<vmem>>
      %dma_wait3A_206 = tpu.memref_squeeze %dma_wait3A_205 : memref<1x80x128xf32, #tpu.memory_space<vmem>> -> memref<80x128xf32, #tpu.memory_space<vmem>>
      %dma_wait3A_207 = arith.constant 0 : i32
      %dma_wait3A_208 = tpu.memref_slice %arg7[%dma_wait3A_201, %dma_wait3A_207] : memref<8x80xi32, #tpu.memory_space<vmem>> -> memref<1x80xi32, #tpu.memory_space<vmem>>
      %dma_wait3A_209 = tpu.memref_squeeze %dma_wait3A_208 : memref<1x80xi32, #tpu.memory_space<vmem>> -> memref<80xi32, #tpu.memory_space<vmem>>
      %dma_wait3A_210 = arith.constant 0 : i32
      %dma_wait3A_211 = arith.constant 0 : i32
      %dma_wait3A_212 = tpu.memref_slice %arg2[%dma_wait3A_210, %dma_wait3A_211] : memref<10000x128xf32, #tpu.memory_space<hbm>> -> memref<10000x128xf32, #tpu.memory_space<hbm>>
      tpu.wait_indirect_dma semaphore(%arg15 : memref<!tpu.dma_semaphore, #tpu.memory_space<semaphore_mem>>) src(%dma_wait3A_212 : memref<10000x128xf32, #tpu.memory_space<hbm>>) dst(%dma_wait3A_206 : memref<80x128xf32, #tpu.memory_space<vmem>>)
      %run_scoped3A_213 = arith.constant 1 : i32
      %run_scoped3A_214 = arith.constant 3 : i32
      "tpu.region"() ({
        %run_scoped3A_305 = tpu.sem_alloc : memref<!tpu.dma_semaphore, #tpu.memory_space<semaphore_mem>>
        %dma_start3A_306 = arith.constant 0 : i32
        %dma_start3A_307 = arith.constant 0 : i32
        %dma_start3A_308 = tpu.memref_slice %arg8[%run_scoped3A_213, %dma_start3A_306, %dma_start3A_307] : memref<4x80x128xf32, #tpu.memory_space<vmem>> -> memref<1x80x128xf32, #tpu.memory_space<vmem>>
        %dma_start3A_309 = tpu.memref_squeeze %dma_start3A_308 : memref<1x80x128xf32, #tpu.memory_space<vmem>> -> memref<80x128xf32, #tpu.memory_space<vmem>>
        %dma_start3A_310 = arith.constant 0 : i32
        %dma_start3A_311 = tpu.memref_slice %arg7[%run_scoped3A_214, %dma_start3A_310] : memref<8x80xi32, #tpu.memory_space<vmem>> -> memref<1x80xi32, #tpu.memory_space<vmem>>
        %dma_start3A_312 = tpu.memref_squeeze %dma_start3A_311 : memref<1x80xi32, #tpu.memory_space<vmem>> -> memref<80xi32, #tpu.memory_space<vmem>>
        %dma_start3A_313 = arith.constant 0 : i32
        %dma_start3A_314 = arith.constant 0 : i32
        %dma_start3A_315 = tpu.memref_slice %arg9[%dma_start3A_313, %dma_start3A_314] : memref<10240x128xf32, #tpu.memory_space<vmem_shared>> -> memref<10240x128xf32, #tpu.memory_space<vmem_shared>>
        tpu.enqueue_indirect_dma source(%dma_start3A_309 : memref<80x128xf32, #tpu.memory_space<vmem>>) target(%dma_start3A_315 : memref<10240x128xf32, #tpu.memory_space<vmem_shared>>) offsets(%dma_start3A_312 : memref<80xi32, #tpu.memory_space<vmem>>) semaphore(%run_scoped3A_305 : memref<!tpu.dma_semaphore, #tpu.memory_space<semaphore_mem>>) {add = true}
        %dma_wait3A_316 = arith.constant 0 : i32
        %dma_wait3A_317 = arith.constant 0 : i32
        %dma_wait3A_318 = tpu.memref_slice %arg8[%run_scoped3A_213, %dma_wait3A_316, %dma_wait3A_317] : memref<4x80x128xf32, #tpu.memory_space<vmem>> -> memref<1x80x128xf32, #tpu.memory_space<vmem>>
        %dma_wait3A_319 = tpu.memref_squeeze %dma_wait3A_318 : memref<1x80x128xf32, #tpu.memory_space<vmem>> -> memref<80x128xf32, #tpu.memory_space<vmem>>
        %dma_wait3A_320 = arith.constant 0 : i32
        %dma_wait3A_321 = tpu.memref_slice %arg7[%run_scoped3A_214, %dma_wait3A_320] : memref<8x80xi32, #tpu.memory_space<vmem>> -> memref<1x80xi32, #tpu.memory_space<vmem>>
        %dma_wait3A_322 = tpu.memref_squeeze %dma_wait3A_321 : memref<1x80xi32, #tpu.memory_space<vmem>> -> memref<80xi32, #tpu.memory_space<vmem>>
        %dma_wait3A_323 = arith.constant 0 : i32
        %dma_wait3A_324 = arith.constant 0 : i32
        %dma_wait3A_325 = tpu.memref_slice %arg9[%dma_wait3A_323, %dma_wait3A_324] : memref<10240x128xf32, #tpu.memory_space<vmem_shared>> -> memref<10240x128xf32, #tpu.memory_space<vmem_shared>>
        tpu.wait_indirect_dma semaphore(%run_scoped3A_305 : memref<!tpu.dma_semaphore, #tpu.memory_space<semaphore_mem>>) src(%dma_wait3A_319 : memref<80x128xf32, #tpu.memory_space<vmem>>) dst(%dma_wait3A_325 : memref<10240x128xf32, #tpu.memory_space<vmem_shared>>)
        tpu.yield
      }) : () -> ()
      %add3A_215 = arith.constant 4 : i32
      %add3A_216 = arith.addi %add3A_200, %add3A_215 : i32
      %sub3A_217 = arith.constant 1 : i32
      %sub3A_218 = arith.subi %add3A_216, %sub3A_217 : i32
      %lt3A_219 = arith.constant 125 : i32
      %lt3A_220 = arith.cmpi slt, %sub3A_218, %lt3A_219 : i32
      %convert_element_type3A_221 = arith.extui %lt3A_220 : i1 to i32
      %cond3A_222 = arith.constant 0 : i32
      %cond3A_223 = arith.cmpi ne, %convert_element_type3A_221, %cond3A_222 : i32
      scf.if %cond3A_223 {
        %add3A_305 = arith.constant 4 : i32
        %add3A_306 = arith.addi %add3A_200, %add3A_305 : i32
        %sub3A_307 = arith.constant 1 : i32
        %sub3A_308 = arith.subi %add3A_306, %sub3A_307 : i32
        %mul3A_309 = arith.constant 80 : i32
        %mul3A_310 = arith.muli %sub3A_308, %mul3A_309 : i32
        %add3A_311 = arith.addi %mul3A_2, %mul3A_310 : i32
        %dma_start3A_312 = arith.constant 0 : i32
        %dma_start3A_313 = arith.constant 0 : i32
        %dma_start3A_314 = tpu.memref_slice %arg7[%dma_start3A_312, %dma_start3A_313] : memref<8x80xi32, #tpu.memory_space<vmem>> -> memref<1x80xi32, #tpu.memory_space<vmem>>
        %dma_start3A_315 = tpu.memref_squeeze %dma_start3A_314 : memref<1x80xi32, #tpu.memory_space<vmem>> -> memref<80xi32, #tpu.memory_space<vmem>>
        %dma_start3A_316 = tpu.memref_slice %arg3[%add3A_311] : memref<320000xi32, #tpu.memory_space<hbm>> -> memref<80xi32, #tpu.memory_space<hbm>>
        %dma_start3A_317 = arith.constant 0 : i32
        %dma_start3A_318 = tpu.memref_slice %arg7[%dma_start3A_312, %dma_start3A_317] : memref<8x80xi32, #tpu.memory_space<vmem>> -> memref<1x80xi32, #tpu.memory_space<vmem>>
        %dma_start3A_319 = tpu.memref_squeeze %dma_start3A_318 : memref<1x80xi32, #tpu.memory_space<vmem>> -> memref<80xi32, #tpu.memory_space<vmem>>
        %dma_start3A_320 = tpu.memref_slice %arg3[%add3A_311] : memref<320000xi32, #tpu.memory_space<hbm>> -> memref<80xi32, #tpu.memory_space<hbm>>
        tpu.enqueue_dma source(%dma_start3A_320 : memref<80xi32, #tpu.memory_space<hbm>>) target(%dma_start3A_319 : memref<80xi32, #tpu.memory_space<vmem>>) target_semaphore(%arg10 : memref<!tpu.dma_semaphore, #tpu.memory_space<semaphore_mem>>)
        %dma_start3A_321 = arith.constant 1 : i32
        %dma_start3A_322 = arith.constant 0 : i32
        %dma_start3A_323 = tpu.memref_slice %arg7[%dma_start3A_321, %dma_start3A_322] : memref<8x80xi32, #tpu.memory_space<vmem>> -> memref<1x80xi32, #tpu.memory_space<vmem>>
        %dma_start3A_324 = tpu.memref_squeeze %dma_start3A_323 : memref<1x80xi32, #tpu.memory_space<vmem>> -> memref<80xi32, #tpu.memory_space<vmem>>
        %dma_start3A_325 = tpu.memref_slice %arg4[%add3A_311] : memref<320000xi32, #tpu.memory_space<hbm>> -> memref<80xi32, #tpu.memory_space<hbm>>
        %dma_start3A_326 = arith.constant 0 : i32
        %dma_start3A_327 = tpu.memref_slice %arg7[%dma_start3A_321, %dma_start3A_326] : memref<8x80xi32, #tpu.memory_space<vmem>> -> memref<1x80xi32, #tpu.memory_space<vmem>>
        %dma_start3A_328 = tpu.memref_squeeze %dma_start3A_327 : memref<1x80xi32, #tpu.memory_space<vmem>> -> memref<80xi32, #tpu.memory_space<vmem>>
        %dma_start3A_329 = tpu.memref_slice %arg4[%add3A_311] : memref<320000xi32, #tpu.memory_space<hbm>> -> memref<80xi32, #tpu.memory_space<hbm>>
        tpu.enqueue_dma source(%dma_start3A_329 : memref<80xi32, #tpu.memory_space<hbm>>) target(%dma_start3A_328 : memref<80xi32, #tpu.memory_space<vmem>>) target_semaphore(%arg10 : memref<!tpu.dma_semaphore, #tpu.memory_space<semaphore_mem>>)
      } else {
      }
      %add3A_224 = arith.constant 4 : i32
      %add3A_225 = arith.addi %add3A_200, %add3A_224 : i32
      %sub3A_226 = arith.constant 2 : i32
      %sub3A_227 = arith.subi %add3A_225, %sub3A_226 : i32
      %lt3A_228 = arith.constant 125 : i32
      %lt3A_229 = arith.cmpi slt, %sub3A_227, %lt3A_228 : i32
      %convert_element_type3A_230 = arith.extui %lt3A_229 : i1 to i32
      %cond3A_231 = arith.constant 0 : i32
      %cond3A_232 = arith.cmpi ne, %convert_element_type3A_230, %cond3A_231 : i32
      scf.if %cond3A_232 {
        %dma_wait3A_305 = arith.constant 6 : i32
        %dma_wait3A_306 = arith.constant 0 : i32
        %dma_wait3A_307 = tpu.memref_slice %arg7[%dma_wait3A_305, %dma_wait3A_306] : memref<8x80xi32, #tpu.memory_space<vmem>> -> memref<1x80xi32, #tpu.memory_space<vmem>>
        %dma_wait3A_308 = tpu.memref_squeeze %dma_wait3A_307 : memref<1x80xi32, #tpu.memory_space<vmem>> -> memref<80xi32, #tpu.memory_space<vmem>>
        %dma_wait3A_309 = arith.constant 0 : i32
        %dma_wait3A_310 = tpu.memref_slice %arg3[%dma_wait3A_309] : memref<320000xi32, #tpu.memory_space<hbm>> -> memref<80xi32, #tpu.memory_space<hbm>>
        %dma_wait3A_311 = arith.constant 0 : i32
        %dma_wait3A_312 = tpu.memref_slice %arg7[%dma_wait3A_305, %dma_wait3A_311] : memref<8x80xi32, #tpu.memory_space<vmem>> -> memref<1x80xi32, #tpu.memory_space<vmem>>
        %dma_wait3A_313 = tpu.memref_squeeze %dma_wait3A_312 : memref<1x80xi32, #tpu.memory_space<vmem>> -> memref<80xi32, #tpu.memory_space<vmem>>
        %dma_wait3A_314 = arith.constant 0 : i32
        %dma_wait3A_315 = tpu.memref_slice %arg3[%dma_wait3A_314] : memref<320000xi32, #tpu.memory_space<hbm>> -> memref<80xi32, #tpu.memory_space<hbm>>
        tpu.wait_dma2 semaphore(%arg13 : memref<!tpu.dma_semaphore, #tpu.memory_space<semaphore_mem>>) src(%dma_wait3A_315 : memref<80xi32, #tpu.memory_space<hbm>>) dst(%dma_wait3A_313 : memref<80xi32, #tpu.memory_space<vmem>>)
        %dma_wait3A_316 = arith.constant 7 : i32
        %dma_wait3A_317 = arith.constant 0 : i32
        %dma_wait3A_318 = tpu.memref_slice %arg7[%dma_wait3A_316, %dma_wait3A_317] : memref<8x80xi32, #tpu.memory_space<vmem>> -> memref<1x80xi32, #tpu.memory_space<vmem>>
        %dma_wait3A_319 = tpu.memref_squeeze %dma_wait3A_318 : memref<1x80xi32, #tpu.memory_space<vmem>> -> memref<80xi32, #tpu.memory_space<vmem>>
        %dma_wait3A_320 = arith.constant 0 : i32
        %dma_wait3A_321 = tpu.memref_slice %arg3[%dma_wait3A_320] : memref<320000xi32, #tpu.memory_space<hbm>> -> memref<80xi32, #tpu.memory_space<hbm>>
        %dma_wait3A_322 = arith.constant 0 : i32
        %dma_wait3A_323 = tpu.memref_slice %arg7[%dma_wait3A_316, %dma_wait3A_322] : memref<8x80xi32, #tpu.memory_space<vmem>> -> memref<1x80xi32, #tpu.memory_space<vmem>>
        %dma_wait3A_324 = tpu.memref_squeeze %dma_wait3A_323 : memref<1x80xi32, #tpu.memory_space<vmem>> -> memref<80xi32, #tpu.memory_space<vmem>>
        %dma_wait3A_325 = arith.constant 0 : i32
        %dma_wait3A_326 = tpu.memref_slice %arg3[%dma_wait3A_325] : memref<320000xi32, #tpu.memory_space<hbm>> -> memref<80xi32, #tpu.memory_space<hbm>>
        tpu.wait_dma2 semaphore(%arg13 : memref<!tpu.dma_semaphore, #tpu.memory_space<semaphore_mem>>) src(%dma_wait3A_326 : memref<80xi32, #tpu.memory_space<hbm>>) dst(%dma_wait3A_324 : memref<80xi32, #tpu.memory_space<vmem>>)
        %dma_start3A_327 = arith.constant 6 : i32
        %dma_start3A_328 = arith.constant 3 : i32
        %dma_start3A_329 = arith.constant 0 : i32
        %dma_start3A_330 = arith.constant 0 : i32
        %dma_start3A_331 = tpu.memref_slice %arg8[%dma_start3A_328, %dma_start3A_329, %dma_start3A_330] : memref<4x80x128xf32, #tpu.memory_space<vmem>> -> memref<1x80x128xf32, #tpu.memory_space<vmem>>
        %dma_start3A_332 = tpu.memref_squeeze %dma_start3A_331 : memref<1x80x128xf32, #tpu.memory_space<vmem>> -> memref<80x128xf32, #tpu.memory_space<vmem>>
        %dma_start3A_333 = arith.constant 0 : i32
        %dma_start3A_334 = tpu.memref_slice %arg7[%dma_start3A_327, %dma_start3A_333] : memref<8x80xi32, #tpu.memory_space<vmem>> -> memref<1x80xi32, #tpu.memory_space<vmem>>
        %dma_start3A_335 = tpu.memref_squeeze %dma_start3A_334 : memref<1x80xi32, #tpu.memory_space<vmem>> -> memref<80xi32, #tpu.memory_space<vmem>>
        %dma_start3A_336 = arith.constant 0 : i32
        %dma_start3A_337 = arith.constant 0 : i32
        %dma_start3A_338 = tpu.memref_slice %arg2[%dma_start3A_336, %dma_start3A_337] : memref<10000x128xf32, #tpu.memory_space<hbm>> -> memref<10000x128xf32, #tpu.memory_space<hbm>>
        tpu.enqueue_indirect_dma source(%dma_start3A_338 : memref<10000x128xf32, #tpu.memory_space<hbm>>) target(%dma_start3A_332 : memref<80x128xf32, #tpu.memory_space<vmem>>) offsets(%dma_start3A_335 : memref<80xi32, #tpu.memory_space<vmem>>) semaphore(%arg17 : memref<!tpu.dma_semaphore, #tpu.memory_space<semaphore_mem>>)
      } else {
      }
      %mul3A_233 = arith.constant 4 : i32
      %mul3A_234 = arith.muli %scan3A_164, %mul3A_233 : i32
      %add3A_235 = arith.constant 2 : i32
      %add3A_236 = arith.addi %mul3A_234, %add3A_235 : i32
      %dma_wait3A_237 = arith.constant 4 : i32
      %dma_wait3A_238 = arith.constant 2 : i32
      %dma_wait3A_239 = arith.constant 0 : i32
      %dma_wait3A_240 = arith.constant 0 : i32
      %dma_wait3A_241 = tpu.memref_slice %arg8[%dma_wait3A_238, %dma_wait3A_239, %dma_wait3A_240] : memref<4x80x128xf32, #tpu.memory_space<vmem>> -> memref<1x80x128xf32, #tpu.memory_space<vmem>>
      %dma_wait3A_242 = tpu.memref_squeeze %dma_wait3A_241 : memref<1x80x128xf32, #tpu.memory_space<vmem>> -> memref<80x128xf32, #tpu.memory_space<vmem>>
      %dma_wait3A_243 = arith.constant 0 : i32
      %dma_wait3A_244 = tpu.memref_slice %arg7[%dma_wait3A_237, %dma_wait3A_243] : memref<8x80xi32, #tpu.memory_space<vmem>> -> memref<1x80xi32, #tpu.memory_space<vmem>>
      %dma_wait3A_245 = tpu.memref_squeeze %dma_wait3A_244 : memref<1x80xi32, #tpu.memory_space<vmem>> -> memref<80xi32, #tpu.memory_space<vmem>>
      %dma_wait3A_246 = arith.constant 0 : i32
      %dma_wait3A_247 = arith.constant 0 : i32
      %dma_wait3A_248 = tpu.memref_slice %arg2[%dma_wait3A_246, %dma_wait3A_247] : memref<10000x128xf32, #tpu.memory_space<hbm>> -> memref<10000x128xf32, #tpu.memory_space<hbm>>
      tpu.wait_indirect_dma semaphore(%arg16 : memref<!tpu.dma_semaphore, #tpu.memory_space<semaphore_mem>>) src(%dma_wait3A_248 : memref<10000x128xf32, #tpu.memory_space<hbm>>) dst(%dma_wait3A_242 : memref<80x128xf32, #tpu.memory_space<vmem>>)
      %run_scoped3A_249 = arith.constant 2 : i32
      %run_scoped3A_250 = arith.constant 5 : i32
      "tpu.region"() ({
        %run_scoped3A_305 = tpu.sem_alloc : memref<!tpu.dma_semaphore, #tpu.memory_space<semaphore_mem>>
        %dma_start3A_306 = arith.constant 0 : i32
        %dma_start3A_307 = arith.constant 0 : i32
        %dma_start3A_308 = tpu.memref_slice %arg8[%run_scoped3A_249, %dma_start3A_306, %dma_start3A_307] : memref<4x80x128xf32, #tpu.memory_space<vmem>> -> memref<1x80x128xf32, #tpu.memory_space<vmem>>
        %dma_start3A_309 = tpu.memref_squeeze %dma_start3A_308 : memref<1x80x128xf32, #tpu.memory_space<vmem>> -> memref<80x128xf32, #tpu.memory_space<vmem>>
        %dma_start3A_310 = arith.constant 0 : i32
        %dma_start3A_311 = tpu.memref_slice %arg7[%run_scoped3A_250, %dma_start3A_310] : memref<8x80xi32, #tpu.memory_space<vmem>> -> memref<1x80xi32, #tpu.memory_space<vmem>>
        %dma_start3A_312 = tpu.memref_squeeze %dma_start3A_311 : memref<1x80xi32, #tpu.memory_space<vmem>> -> memref<80xi32, #tpu.memory_space<vmem>>
        %dma_start3A_313 = arith.constant 0 : i32
        %dma_start3A_314 = arith.constant 0 : i32
        %dma_start3A_315 = tpu.memref_slice %arg9[%dma_start3A_313, %dma_start3A_314] : memref<10240x128xf32, #tpu.memory_space<vmem_shared>> -> memref<10240x128xf32, #tpu.memory_space<vmem_shared>>
        tpu.enqueue_indirect_dma source(%dma_start3A_309 : memref<80x128xf32, #tpu.memory_space<vmem>>) target(%dma_start3A_315 : memref<10240x128xf32, #tpu.memory_space<vmem_shared>>) offsets(%dma_start3A_312 : memref<80xi32, #tpu.memory_space<vmem>>) semaphore(%run_scoped3A_305 : memref<!tpu.dma_semaphore, #tpu.memory_space<semaphore_mem>>) {add = true}
        %dma_wait3A_316 = arith.constant 0 : i32
        %dma_wait3A_317 = arith.constant 0 : i32
        %dma_wait3A_318 = tpu.memref_slice %arg8[%run_scoped3A_249, %dma_wait3A_316, %dma_wait3A_317] : memref<4x80x128xf32, #tpu.memory_space<vmem>> -> memref<1x80x128xf32, #tpu.memory_space<vmem>>
        %dma_wait3A_319 = tpu.memref_squeeze %dma_wait3A_318 : memref<1x80x128xf32, #tpu.memory_space<vmem>> -> memref<80x128xf32, #tpu.memory_space<vmem>>
        %dma_wait3A_320 = arith.constant 0 : i32
        %dma_wait3A_321 = tpu.memref_slice %arg7[%run_scoped3A_250, %dma_wait3A_320] : memref<8x80xi32, #tpu.memory_space<vmem>> -> memref<1x80xi32, #tpu.memory_space<vmem>>
        %dma_wait3A_322 = tpu.memref_squeeze %dma_wait3A_321 : memref<1x80xi32, #tpu.memory_space<vmem>> -> memref<80xi32, #tpu.memory_space<vmem>>
        %dma_wait3A_323 = arith.constant 0 : i32
        %dma_wait3A_324 = arith.constant 0 : i32
        %dma_wait3A_325 = tpu.memref_slice %arg9[%dma_wait3A_323, %dma_wait3A_324] : memref<10240x128xf32, #tpu.memory_space<vmem_shared>> -> memref<10240x128xf32, #tpu.memory_space<vmem_shared>>
        tpu.wait_indirect_dma semaphore(%run_scoped3A_305 : memref<!tpu.dma_semaphore, #tpu.memory_space<semaphore_mem>>) src(%dma_wait3A_319 : memref<80x128xf32, #tpu.memory_space<vmem>>) dst(%dma_wait3A_325 : memref<10240x128xf32, #tpu.memory_space<vmem_shared>>)
        tpu.yield
      }) : () -> ()
      %add3A_251 = arith.constant 4 : i32
      %add3A_252 = arith.addi %add3A_236, %add3A_251 : i32
      %sub3A_253 = arith.constant 1 : i32
      %sub3A_254 = arith.subi %add3A_252, %sub3A_253 : i32
      %lt3A_255 = arith.constant 125 : i32
      %lt3A_256 = arith.cmpi slt, %sub3A_254, %lt3A_255 : i32
      %convert_element_type3A_257 = arith.extui %lt3A_256 : i1 to i32
      %cond3A_258 = arith.constant 0 : i32
      %cond3A_259 = arith.cmpi ne, %convert_element_type3A_257, %cond3A_258 : i32
      scf.if %cond3A_259 {
        %add3A_305 = arith.constant 4 : i32
        %add3A_306 = arith.addi %add3A_236, %add3A_305 : i32
        %sub3A_307 = arith.constant 1 : i32
        %sub3A_308 = arith.subi %add3A_306, %sub3A_307 : i32
        %mul3A_309 = arith.constant 80 : i32
        %mul3A_310 = arith.muli %sub3A_308, %mul3A_309 : i32
        %add3A_311 = arith.addi %mul3A_2, %mul3A_310 : i32
        %dma_start3A_312 = arith.constant 2 : i32
        %dma_start3A_313 = arith.constant 0 : i32
        %dma_start3A_314 = tpu.memref_slice %arg7[%dma_start3A_312, %dma_start3A_313] : memref<8x80xi32, #tpu.memory_space<vmem>> -> memref<1x80xi32, #tpu.memory_space<vmem>>
        %dma_start3A_315 = tpu.memref_squeeze %dma_start3A_314 : memref<1x80xi32, #tpu.memory_space<vmem>> -> memref<80xi32, #tpu.memory_space<vmem>>
        %dma_start3A_316 = tpu.memref_slice %arg3[%add3A_311] : memref<320000xi32, #tpu.memory_space<hbm>> -> memref<80xi32, #tpu.memory_space<hbm>>
        %dma_start3A_317 = arith.constant 0 : i32
        %dma_start3A_318 = tpu.memref_slice %arg7[%dma_start3A_312, %dma_start3A_317] : memref<8x80xi32, #tpu.memory_space<vmem>> -> memref<1x80xi32, #tpu.memory_space<vmem>>
        %dma_start3A_319 = tpu.memref_squeeze %dma_start3A_318 : memref<1x80xi32, #tpu.memory_space<vmem>> -> memref<80xi32, #tpu.memory_space<vmem>>
        %dma_start3A_320 = tpu.memref_slice %arg3[%add3A_311] : memref<320000xi32, #tpu.memory_space<hbm>> -> memref<80xi32, #tpu.memory_space<hbm>>
        tpu.enqueue_dma source(%dma_start3A_320 : memref<80xi32, #tpu.memory_space<hbm>>) target(%dma_start3A_319 : memref<80xi32, #tpu.memory_space<vmem>>) target_semaphore(%arg11 : memref<!tpu.dma_semaphore, #tpu.memory_space<semaphore_mem>>)
        %dma_start3A_321 = arith.constant 3 : i32
        %dma_start3A_322 = arith.constant 0 : i32
        %dma_start3A_323 = tpu.memref_slice %arg7[%dma_start3A_321, %dma_start3A_322] : memref<8x80xi32, #tpu.memory_space<vmem>> -> memref<1x80xi32, #tpu.memory_space<vmem>>
        %dma_start3A_324 = tpu.memref_squeeze %dma_start3A_323 : memref<1x80xi32, #tpu.memory_space<vmem>> -> memref<80xi32, #tpu.memory_space<vmem>>
        %dma_start3A_325 = tpu.memref_slice %arg4[%add3A_311] : memref<320000xi32, #tpu.memory_space<hbm>> -> memref<80xi32, #tpu.memory_space<hbm>>
        %dma_start3A_326 = arith.constant 0 : i32
        %dma_start3A_327 = tpu.memref_slice %arg7[%dma_start3A_321, %dma_start3A_326] : memref<8x80xi32, #tpu.memory_space<vmem>> -> memref<1x80xi32, #tpu.memory_space<vmem>>
        %dma_start3A_328 = tpu.memref_squeeze %dma_start3A_327 : memref<1x80xi32, #tpu.memory_space<vmem>> -> memref<80xi32, #tpu.memory_space<vmem>>
        %dma_start3A_329 = tpu.memref_slice %arg4[%add3A_311] : memref<320000xi32, #tpu.memory_space<hbm>> -> memref<80xi32, #tpu.memory_space<hbm>>
        tpu.enqueue_dma source(%dma_start3A_329 : memref<80xi32, #tpu.memory_space<hbm>>) target(%dma_start3A_328 : memref<80xi32, #tpu.memory_space<vmem>>) target_semaphore(%arg11 : memref<!tpu.dma_semaphore, #tpu.memory_space<semaphore_mem>>)
      } else {
      }
      %add3A_260 = arith.constant 4 : i32
      %add3A_261 = arith.addi %add3A_236, %add3A_260 : i32
      %sub3A_262 = arith.constant 2 : i32
      %sub3A_263 = arith.subi %add3A_261, %sub3A_262 : i32
      %lt3A_264 = arith.constant 125 : i32
      %lt3A_265 = arith.cmpi slt, %sub3A_263, %lt3A_264 : i32
      %convert_element_type3A_266 = arith.extui %lt3A_265 : i1 to i32
      %cond3A_267 = arith.constant 0 : i32
      %cond3A_268 = arith.cmpi ne, %convert_element_type3A_266, %cond3A_267 : i32
      scf.if %cond3A_268 {
        %dma_wait3A_305 = arith.constant 0 : i32
        %dma_wait3A_306 = arith.constant 0 : i32
        %dma_wait3A_307 = tpu.memref_slice %arg7[%dma_wait3A_305, %dma_wait3A_306] : memref<8x80xi32, #tpu.memory_space<vmem>> -> memref<1x80xi32, #tpu.memory_space<vmem>>
        %dma_wait3A_308 = tpu.memref_squeeze %dma_wait3A_307 : memref<1x80xi32, #tpu.memory_space<vmem>> -> memref<80xi32, #tpu.memory_space<vmem>>
        %dma_wait3A_309 = arith.constant 0 : i32
        %dma_wait3A_310 = tpu.memref_slice %arg3[%dma_wait3A_309] : memref<320000xi32, #tpu.memory_space<hbm>> -> memref<80xi32, #tpu.memory_space<hbm>>
        %dma_wait3A_311 = arith.constant 0 : i32
        %dma_wait3A_312 = tpu.memref_slice %arg7[%dma_wait3A_305, %dma_wait3A_311] : memref<8x80xi32, #tpu.memory_space<vmem>> -> memref<1x80xi32, #tpu.memory_space<vmem>>
        %dma_wait3A_313 = tpu.memref_squeeze %dma_wait3A_312 : memref<1x80xi32, #tpu.memory_space<vmem>> -> memref<80xi32, #tpu.memory_space<vmem>>
        %dma_wait3A_314 = arith.constant 0 : i32
        %dma_wait3A_315 = tpu.memref_slice %arg3[%dma_wait3A_314] : memref<320000xi32, #tpu.memory_space<hbm>> -> memref<80xi32, #tpu.memory_space<hbm>>
        tpu.wait_dma2 semaphore(%arg10 : memref<!tpu.dma_semaphore, #tpu.memory_space<semaphore_mem>>) src(%dma_wait3A_315 : memref<80xi32, #tpu.memory_space<hbm>>) dst(%dma_wait3A_313 : memref<80xi32, #tpu.memory_space<vmem>>)
        %dma_wait3A_316 = arith.constant 1 : i32
        %dma_wait3A_317 = arith.constant 0 : i32
        %dma_wait3A_318 = tpu.memref_slice %arg7[%dma_wait3A_316, %dma_wait3A_317] : memref<8x80xi32, #tpu.memory_space<vmem>> -> memref<1x80xi32, #tpu.memory_space<vmem>>
        %dma_wait3A_319 = tpu.memref_squeeze %dma_wait3A_318 : memref<1x80xi32, #tpu.memory_space<vmem>> -> memref<80xi32, #tpu.memory_space<vmem>>
        %dma_wait3A_320 = arith.constant 0 : i32
        %dma_wait3A_321 = tpu.memref_slice %arg3[%dma_wait3A_320] : memref<320000xi32, #tpu.memory_space<hbm>> -> memref<80xi32, #tpu.memory_space<hbm>>
        %dma_wait3A_322 = arith.constant 0 : i32
        %dma_wait3A_323 = tpu.memref_slice %arg7[%dma_wait3A_316, %dma_wait3A_322] : memref<8x80xi32, #tpu.memory_space<vmem>> -> memref<1x80xi32, #tpu.memory_space<vmem>>
        %dma_wait3A_324 = tpu.memref_squeeze %dma_wait3A_323 : memref<1x80xi32, #tpu.memory_space<vmem>> -> memref<80xi32, #tpu.memory_space<vmem>>
        %dma_wait3A_325 = arith.constant 0 : i32
        %dma_wait3A_326 = tpu.memref_slice %arg3[%dma_wait3A_325] : memref<320000xi32, #tpu.memory_space<hbm>> -> memref<80xi32, #tpu.memory_space<hbm>>
        tpu.wait_dma2 semaphore(%arg10 : memref<!tpu.dma_semaphore, #tpu.memory_space<semaphore_mem>>) src(%dma_wait3A_326 : memref<80xi32, #tpu.memory_space<hbm>>) dst(%dma_wait3A_324 : memref<80xi32, #tpu.memory_space<vmem>>)
        %dma_start3A_327 = arith.constant 0 : i32
        %dma_start3A_328 = arith.constant 0 : i32
        %dma_start3A_329 = arith.constant 0 : i32
        %dma_start3A_330 = arith.constant 0 : i32
        %dma_start3A_331 = tpu.memref_slice %arg8[%dma_start3A_328, %dma_start3A_329, %dma_start3A_330] : memref<4x80x128xf32, #tpu.memory_space<vmem>> -> memref<1x80x128xf32, #tpu.memory_space<vmem>>
        %dma_start3A_332 = tpu.memref_squeeze %dma_start3A_331 : memref<1x80x128xf32, #tpu.memory_space<vmem>> -> memref<80x128xf32, #tpu.memory_space<vmem>>
        %dma_start3A_333 = arith.constant 0 : i32
        %dma_start3A_334 = tpu.memref_slice %arg7[%dma_start3A_327, %dma_start3A_333] : memref<8x80xi32, #tpu.memory_space<vmem>> -> memref<1x80xi32, #tpu.memory_space<vmem>>
        %dma_start3A_335 = tpu.memref_squeeze %dma_start3A_334 : memref<1x80xi32, #tpu.memory_space<vmem>> -> memref<80xi32, #tpu.memory_space<vmem>>
        %dma_start3A_336 = arith.constant 0 : i32
        %dma_start3A_337 = arith.constant 0 : i32
        %dma_start3A_338 = tpu.memref_slice %arg2[%dma_start3A_336, %dma_start3A_337] : memref<10000x128xf32, #tpu.memory_space<hbm>> -> memref<10000x128xf32, #tpu.memory_space<hbm>>
        tpu.enqueue_indirect_dma source(%dma_start3A_338 : memref<10000x128xf32, #tpu.memory_space<hbm>>) target(%dma_start3A_332 : memref<80x128xf32, #tpu.memory_space<vmem>>) offsets(%dma_start3A_335 : memref<80xi32, #tpu.memory_space<vmem>>) semaphore(%arg14 : memref<!tpu.dma_semaphore, #tpu.memory_space<semaphore_mem>>)
      } else {
      }
      %mul3A_269 = arith.constant 4 : i32
      %mul3A_270 = arith.muli %scan3A_164, %mul3A_269 : i32
      %add3A_271 = arith.constant 3 : i32
      %add3A_272 = arith.addi %mul3A_270, %add3A_271 : i32
      %dma_wait3A_273 = arith.constant 6 : i32
      %dma_wait3A_274 = arith.constant 3 : i32
      %dma_wait3A_275 = arith.constant 0 : i32
      %dma_wait3A_276 = arith.constant 0 : i32
      %dma_wait3A_277 = tpu.memref_slice %arg8[%dma_wait3A_274, %dma_wait3A_275, %dma_wait3A_276] : memref<4x80x128xf32, #tpu.memory_space<vmem>> -> memref<1x80x128xf32, #tpu.memory_space<vmem>>
      %dma_wait3A_278 = tpu.memref_squeeze %dma_wait3A_277 : memref<1x80x128xf32, #tpu.memory_space<vmem>> -> memref<80x128xf32, #tpu.memory_space<vmem>>
      %dma_wait3A_279 = arith.constant 0 : i32
      %dma_wait3A_280 = tpu.memref_slice %arg7[%dma_wait3A_273, %dma_wait3A_279] : memref<8x80xi32, #tpu.memory_space<vmem>> -> memref<1x80xi32, #tpu.memory_space<vmem>>
      %dma_wait3A_281 = tpu.memref_squeeze %dma_wait3A_280 : memref<1x80xi32, #tpu.memory_space<vmem>> -> memref<80xi32, #tpu.memory_space<vmem>>
      %dma_wait3A_282 = arith.constant 0 : i32
      %dma_wait3A_283 = arith.constant 0 : i32
      %dma_wait3A_284 = tpu.memref_slice %arg2[%dma_wait3A_282, %dma_wait3A_283] : memref<10000x128xf32, #tpu.memory_space<hbm>> -> memref<10000x128xf32, #tpu.memory_space<hbm>>
      tpu.wait_indirect_dma semaphore(%arg17 : memref<!tpu.dma_semaphore, #tpu.memory_space<semaphore_mem>>) src(%dma_wait3A_284 : memref<10000x128xf32, #tpu.memory_space<hbm>>) dst(%dma_wait3A_278 : memref<80x128xf32, #tpu.memory_space<vmem>>)
      %run_scoped3A_285 = arith.constant 3 : i32
      %run_scoped3A_286 = arith.constant 7 : i32
      "tpu.region"() ({
        %run_scoped3A_305 = tpu.sem_alloc : memref<!tpu.dma_semaphore, #tpu.memory_space<semaphore_mem>>
        %dma_start3A_306 = arith.constant 0 : i32
        %dma_start3A_307 = arith.constant 0 : i32
        %dma_start3A_308 = tpu.memref_slice %arg8[%run_scoped3A_285, %dma_start3A_306, %dma_start3A_307] : memref<4x80x128xf32, #tpu.memory_space<vmem>> -> memref<1x80x128xf32, #tpu.memory_space<vmem>>
        %dma_start3A_309 = tpu.memref_squeeze %dma_start3A_308 : memref<1x80x128xf32, #tpu.memory_space<vmem>> -> memref<80x128xf32, #tpu.memory_space<vmem>>
        %dma_start3A_310 = arith.constant 0 : i32
        %dma_start3A_311 = tpu.memref_slice %arg7[%run_scoped3A_286, %dma_start3A_310] : memref<8x80xi32, #tpu.memory_space<vmem>> -> memref<1x80xi32, #tpu.memory_space<vmem>>
        %dma_start3A_312 = tpu.memref_squeeze %dma_start3A_311 : memref<1x80xi32, #tpu.memory_space<vmem>> -> memref<80xi32, #tpu.memory_space<vmem>>
        %dma_start3A_313 = arith.constant 0 : i32
        %dma_start3A_314 = arith.constant 0 : i32
        %dma_start3A_315 = tpu.memref_slice %arg9[%dma_start3A_313, %dma_start3A_314] : memref<10240x128xf32, #tpu.memory_space<vmem_shared>> -> memref<10240x128xf32, #tpu.memory_space<vmem_shared>>
        tpu.enqueue_indirect_dma source(%dma_start3A_309 : memref<80x128xf32, #tpu.memory_space<vmem>>) target(%dma_start3A_315 : memref<10240x128xf32, #tpu.memory_space<vmem_shared>>) offsets(%dma_start3A_312 : memref<80xi32, #tpu.memory_space<vmem>>) semaphore(%run_scoped3A_305 : memref<!tpu.dma_semaphore, #tpu.memory_space<semaphore_mem>>) {add = true}
        %dma_wait3A_316 = arith.constant 0 : i32
        %dma_wait3A_317 = arith.constant 0 : i32
        %dma_wait3A_318 = tpu.memref_slice %arg8[%run_scoped3A_285, %dma_wait3A_316, %dma_wait3A_317] : memref<4x80x128xf32, #tpu.memory_space<vmem>> -> memref<1x80x128xf32, #tpu.memory_space<vmem>>
        %dma_wait3A_319 = tpu.memref_squeeze %dma_wait3A_318 : memref<1x80x128xf32, #tpu.memory_space<vmem>> -> memref<80x128xf32, #tpu.memory_space<vmem>>
        %dma_wait3A_320 = arith.constant 0 : i32
        %dma_wait3A_321 = tpu.memref_slice %arg7[%run_scoped3A_286, %dma_wait3A_320] : memref<8x80xi32, #tpu.memory_space<vmem>> -> memref<1x80xi32, #tpu.memory_space<vmem>>
        %dma_wait3A_322 = tpu.memref_squeeze %dma_wait3A_321 : memref<1x80xi32, #tpu.memory_space<vmem>> -> memref<80xi32, #tpu.memory_space<vmem>>
        %dma_wait3A_323 = arith.constant 0 : i32
        %dma_wait3A_324 = arith.constant 0 : i32
        %dma_wait3A_325 = tpu.memref_slice %arg9[%dma_wait3A_323, %dma_wait3A_324] : memref<10240x128xf32, #tpu.memory_space<vmem_shared>> -> memref<10240x128xf32, #tpu.memory_space<vmem_shared>>
        tpu.wait_indirect_dma semaphore(%run_scoped3A_305 : memref<!tpu.dma_semaphore, #tpu.memory_space<semaphore_mem>>) src(%dma_wait3A_319 : memref<80x128xf32, #tpu.memory_space<vmem>>) dst(%dma_wait3A_325 : memref<10240x128xf32, #tpu.memory_space<vmem_shared>>)
        tpu.yield
      }) : () -> ()
      %add3A_287 = arith.constant 4 : i32
      %add3A_288 = arith.addi %add3A_272, %add3A_287 : i32
      %sub3A_289 = arith.constant 1 : i32
      %sub3A_290 = arith.subi %add3A_288, %sub3A_289 : i32
      %lt3A_291 = arith.constant 125 : i32
      %lt3A_292 = arith.cmpi slt, %sub3A_290, %lt3A_291 : i32
      %convert_element_type3A_293 = arith.extui %lt3A_292 : i1 to i32
      %cond3A_294 = arith.constant 0 : i32
      %cond3A_295 = arith.cmpi ne, %convert_element_type3A_293, %cond3A_294 : i32
      scf.if %cond3A_295 {
        %add3A_305 = arith.constant 4 : i32
        %add3A_306 = arith.addi %add3A_272, %add3A_305 : i32
        %sub3A_307 = arith.constant 1 : i32
        %sub3A_308 = arith.subi %add3A_306, %sub3A_307 : i32
        %mul3A_309 = arith.constant 80 : i32
        %mul3A_310 = arith.muli %sub3A_308, %mul3A_309 : i32
        %add3A_311 = arith.addi %mul3A_2, %mul3A_310 : i32
        %dma_start3A_312 = arith.constant 4 : i32
        %dma_start3A_313 = arith.constant 0 : i32
        %dma_start3A_314 = tpu.memref_slice %arg7[%dma_start3A_312, %dma_start3A_313] : memref<8x80xi32, #tpu.memory_space<vmem>> -> memref<1x80xi32, #tpu.memory_space<vmem>>
        %dma_start3A_315 = tpu.memref_squeeze %dma_start3A_314 : memref<1x80xi32, #tpu.memory_space<vmem>> -> memref<80xi32, #tpu.memory_space<vmem>>
        %dma_start3A_316 = tpu.memref_slice %arg3[%add3A_311] : memref<320000xi32, #tpu.memory_space<hbm>> -> memref<80xi32, #tpu.memory_space<hbm>>
        %dma_start3A_317 = arith.constant 0 : i32
        %dma_start3A_318 = tpu.memref_slice %arg7[%dma_start3A_312, %dma_start3A_317] : memref<8x80xi32, #tpu.memory_space<vmem>> -> memref<1x80xi32, #tpu.memory_space<vmem>>
        %dma_start3A_319 = tpu.memref_squeeze %dma_start3A_318 : memref<1x80xi32, #tpu.memory_space<vmem>> -> memref<80xi32, #tpu.memory_space<vmem>>
        %dma_start3A_320 = tpu.memref_slice %arg3[%add3A_311] : memref<320000xi32, #tpu.memory_space<hbm>> -> memref<80xi32, #tpu.memory_space<hbm>>
        tpu.enqueue_dma source(%dma_start3A_320 : memref<80xi32, #tpu.memory_space<hbm>>) target(%dma_start3A_319 : memref<80xi32, #tpu.memory_space<vmem>>) target_semaphore(%arg12 : memref<!tpu.dma_semaphore, #tpu.memory_space<semaphore_mem>>)
        %dma_start3A_321 = arith.constant 5 : i32
        %dma_start3A_322 = arith.constant 0 : i32
        %dma_start3A_323 = tpu.memref_slice %arg7[%dma_start3A_321, %dma_start3A_322] : memref<8x80xi32, #tpu.memory_space<vmem>> -> memref<1x80xi32, #tpu.memory_space<vmem>>
        %dma_start3A_324 = tpu.memref_squeeze %dma_start3A_323 : memref<1x80xi32, #tpu.memory_space<vmem>> -> memref<80xi32, #tpu.memory_space<vmem>>
        %dma_start3A_325 = tpu.memref_slice %arg4[%add3A_311] : memref<320000xi32, #tpu.memory_space<hbm>> -> memref<80xi32, #tpu.memory_space<hbm>>
        %dma_start3A_326 = arith.constant 0 : i32
        %dma_start3A_327 = tpu.memref_slice %arg7[%dma_start3A_321, %dma_start3A_326] : memref<8x80xi32, #tpu.memory_space<vmem>> -> memref<1x80xi32, #tpu.memory_space<vmem>>
        %dma_start3A_328 = tpu.memref_squeeze %dma_start3A_327 : memref<1x80xi32, #tpu.memory_space<vmem>> -> memref<80xi32, #tpu.memory_space<vmem>>
        %dma_start3A_329 = tpu.memref_slice %arg4[%add3A_311] : memref<320000xi32, #tpu.memory_space<hbm>> -> memref<80xi32, #tpu.memory_space<hbm>>
        tpu.enqueue_dma source(%dma_start3A_329 : memref<80xi32, #tpu.memory_space<hbm>>) target(%dma_start3A_328 : memref<80xi32, #tpu.memory_space<vmem>>) target_semaphore(%arg12 : memref<!tpu.dma_semaphore, #tpu.memory_space<semaphore_mem>>)
      } else {
      }
      %add3A_296 = arith.constant 4 : i32
      %add3A_297 = arith.addi %add3A_272, %add3A_296 : i32
      %sub3A_298 = arith.constant 2 : i32
      %sub3A_299 = arith.subi %add3A_297, %sub3A_298 : i32
      %lt3A_300 = arith.constant 125 : i32
      %lt3A_301 = arith.cmpi slt, %sub3A_299, %lt3A_300 : i32
      %convert_element_type3A_302 = arith.extui %lt3A_301 : i1 to i32
      %cond3A_303 = arith.constant 0 : i32
      %cond3A_304 = arith.cmpi ne, %convert_element_type3A_302, %cond3A_303 : i32
      scf.if %cond3A_304 {
        %dma_wait3A_305 = arith.constant 2 : i32
        %dma_wait3A_306 = arith.constant 0 : i32
        %dma_wait3A_307 = tpu.memref_slice %arg7[%dma_wait3A_305, %dma_wait3A_306] : memref<8x80xi32, #tpu.memory_space<vmem>> -> memref<1x80xi32, #tpu.memory_space<vmem>>
        %dma_wait3A_308 = tpu.memref_squeeze %dma_wait3A_307 : memref<1x80xi32, #tpu.memory_space<vmem>> -> memref<80xi32, #tpu.memory_space<vmem>>
        %dma_wait3A_309 = arith.constant 0 : i32
        %dma_wait3A_310 = tpu.memref_slice %arg3[%dma_wait3A_309] : memref<320000xi32, #tpu.memory_space<hbm>> -> memref<80xi32, #tpu.memory_space<hbm>>
        %dma_wait3A_311 = arith.constant 0 : i32
        %dma_wait3A_312 = tpu.memref_slice %arg7[%dma_wait3A_305, %dma_wait3A_311] : memref<8x80xi32, #tpu.memory_space<vmem>> -> memref<1x80xi32, #tpu.memory_space<vmem>>
        %dma_wait3A_313 = tpu.memref_squeeze %dma_wait3A_312 : memref<1x80xi32, #tpu.memory_space<vmem>> -> memref<80xi32, #tpu.memory_space<vmem>>
        %dma_wait3A_314 = arith.constant 0 : i32
        %dma_wait3A_315 = tpu.memref_slice %arg3[%dma_wait3A_314] : memref<320000xi32, #tpu.memory_space<hbm>> -> memref<80xi32, #tpu.memory_space<hbm>>
        tpu.wait_dma2 semaphore(%arg11 : memref<!tpu.dma_semaphore, #tpu.memory_space<semaphore_mem>>) src(%dma_wait3A_315 : memref<80xi32, #tpu.memory_space<hbm>>) dst(%dma_wait3A_313 : memref<80xi32, #tpu.memory_space<vmem>>)
        %dma_wait3A_316 = arith.constant 3 : i32
        %dma_wait3A_317 = arith.constant 0 : i32
        %dma_wait3A_318 = tpu.memref_slice %arg7[%dma_wait3A_316, %dma_wait3A_317] : memref<8x80xi32, #tpu.memory_space<vmem>> -> memref<1x80xi32, #tpu.memory_space<vmem>>
        %dma_wait3A_319 = tpu.memref_squeeze %dma_wait3A_318 : memref<1x80xi32, #tpu.memory_space<vmem>> -> memref<80xi32, #tpu.memory_space<vmem>>
        %dma_wait3A_320 = arith.constant 0 : i32
        %dma_wait3A_321 = tpu.memref_slice %arg3[%dma_wait3A_320] : memref<320000xi32, #tpu.memory_space<hbm>> -> memref<80xi32, #tpu.memory_space<hbm>>
        %dma_wait3A_322 = arith.constant 0 : i32
        %dma_wait3A_323 = tpu.memref_slice %arg7[%dma_wait3A_316, %dma_wait3A_322] : memref<8x80xi32, #tpu.memory_space<vmem>> -> memref<1x80xi32, #tpu.memory_space<vmem>>
        %dma_wait3A_324 = tpu.memref_squeeze %dma_wait3A_323 : memref<1x80xi32, #tpu.memory_space<vmem>> -> memref<80xi32, #tpu.memory_space<vmem>>
        %dma_wait3A_325 = arith.constant 0 : i32
        %dma_wait3A_326 = tpu.memref_slice %arg3[%dma_wait3A_325] : memref<320000xi32, #tpu.memory_space<hbm>> -> memref<80xi32, #tpu.memory_space<hbm>>
        tpu.wait_dma2 semaphore(%arg11 : memref<!tpu.dma_semaphore, #tpu.memory_space<semaphore_mem>>) src(%dma_wait3A_326 : memref<80xi32, #tpu.memory_space<hbm>>) dst(%dma_wait3A_324 : memref<80xi32, #tpu.memory_space<vmem>>)
        %dma_start3A_327 = arith.constant 2 : i32
        %dma_start3A_328 = arith.constant 1 : i32
        %dma_start3A_329 = arith.constant 0 : i32
        %dma_start3A_330 = arith.constant 0 : i32
        %dma_start3A_331 = tpu.memref_slice %arg8[%dma_start3A_328, %dma_start3A_329, %dma_start3A_330] : memref<4x80x128xf32, #tpu.memory_space<vmem>> -> memref<1x80x128xf32, #tpu.memory_space<vmem>>
        %dma_start3A_332 = tpu.memref_squeeze %dma_start3A_331 : memref<1x80x128xf32, #tpu.memory_space<vmem>> -> memref<80x128xf32, #tpu.memory_space<vmem>>
        %dma_start3A_333 = arith.constant 0 : i32
        %dma_start3A_334 = tpu.memref_slice %arg7[%dma_start3A_327, %dma_start3A_333] : memref<8x80xi32, #tpu.memory_space<vmem>> -> memref<1x80xi32, #tpu.memory_space<vmem>>
        %dma_start3A_335 = tpu.memref_squeeze %dma_start3A_334 : memref<1x80xi32, #tpu.memory_space<vmem>> -> memref<80xi32, #tpu.memory_space<vmem>>
        %dma_start3A_336 = arith.constant 0 : i32
        %dma_start3A_337 = arith.constant 0 : i32
        %dma_start3A_338 = tpu.memref_slice %arg2[%dma_start3A_336, %dma_start3A_337] : memref<10000x128xf32, #tpu.memory_space<hbm>> -> memref<10000x128xf32, #tpu.memory_space<hbm>>
        tpu.enqueue_indirect_dma source(%dma_start3A_338 : memref<10000x128xf32, #tpu.memory_space<hbm>>) target(%dma_start3A_332 : memref<80x128xf32, #tpu.memory_space<vmem>>) offsets(%dma_start3A_335 : memref<80xi32, #tpu.memory_space<vmem>>) semaphore(%arg15 : memref<!tpu.dma_semaphore, #tpu.memory_space<semaphore_mem>>)
      } else {
      }
    }
    %scan3A_145 = arith.constant 31 : i32
    %dma_wait3A_146 = arith.constant 0 : i32
    %dma_wait3A_147 = arith.constant 0 : i32
    %dma_wait3A_148 = arith.constant 0 : i32
    %dma_wait3A_149 = arith.constant 0 : i32
    %dma_wait3A_150 = tpu.memref_slice %arg8[%dma_wait3A_147, %dma_wait3A_148, %dma_wait3A_149] : memref<4x80x128xf32, #tpu.memory_space<vmem>> -> memref<1x80x128xf32, #tpu.memory_space<vmem>>
    %dma_wait3A_151 = tpu.memref_squeeze %dma_wait3A_150 : memref<1x80x128xf32, #tpu.memory_space<vmem>> -> memref<80x128xf32, #tpu.memory_space<vmem>>
    %dma_wait3A_152 = arith.constant 0 : i32
    %dma_wait3A_153 = tpu.memref_slice %arg7[%dma_wait3A_146, %dma_wait3A_152] : memref<8x80xi32, #tpu.memory_space<vmem>> -> memref<1x80xi32, #tpu.memory_space<vmem>>
    %dma_wait3A_154 = tpu.memref_squeeze %dma_wait3A_153 : memref<1x80xi32, #tpu.memory_space<vmem>> -> memref<80xi32, #tpu.memory_space<vmem>>
    %dma_wait3A_155 = arith.constant 0 : i32
    %dma_wait3A_156 = arith.constant 0 : i32
    %dma_wait3A_157 = tpu.memref_slice %arg2[%dma_wait3A_155, %dma_wait3A_156] : memref<10000x128xf32, #tpu.memory_space<hbm>> -> memref<10000x128xf32, #tpu.memory_space<hbm>>
    tpu.wait_indirect_dma semaphore(%arg14 : memref<!tpu.dma_semaphore, #tpu.memory_space<semaphore_mem>>) src(%dma_wait3A_157 : memref<10000x128xf32, #tpu.memory_space<hbm>>) dst(%dma_wait3A_151 : memref<80x128xf32, #tpu.memory_space<vmem>>)
    %run_scoped3A = arith.constant 0 : i32
    %run_scoped3A_158 = arith.constant 1 : i32
    "tpu.region"() ({
      %run_scoped3A_164 = tpu.sem_alloc : memref<!tpu.dma_semaphore, #tpu.memory_space<semaphore_mem>>
      %dma_start3A_165 = arith.constant 0 : i32
      %dma_start3A_166 = arith.constant 0 : i32
      %dma_start3A_167 = tpu.memref_slice %arg8[%run_scoped3A, %dma_start3A_165, %dma_start3A_166] : memref<4x80x128xf32, #tpu.memory_space<vmem>> -> memref<1x80x128xf32, #tpu.memory_space<vmem>>
      %dma_start3A_168 = tpu.memref_squeeze %dma_start3A_167 : memref<1x80x128xf32, #tpu.memory_space<vmem>> -> memref<80x128xf32, #tpu.memory_space<vmem>>
      %dma_start3A_169 = arith.constant 0 : i32
      %dma_start3A_170 = tpu.memref_slice %arg7[%run_scoped3A_158, %dma_start3A_169] : memref<8x80xi32, #tpu.memory_space<vmem>> -> memref<1x80xi32, #tpu.memory_space<vmem>>
      %dma_start3A_171 = tpu.memref_squeeze %dma_start3A_170 : memref<1x80xi32, #tpu.memory_space<vmem>> -> memref<80xi32, #tpu.memory_space<vmem>>
      %dma_start3A_172 = arith.constant 0 : i32
      %dma_start3A_173 = arith.constant 0 : i32
      %dma_start3A_174 = tpu.memref_slice %arg9[%dma_start3A_172, %dma_start3A_173] : memref<10240x128xf32, #tpu.memory_space<vmem_shared>> -> memref<10240x128xf32, #tpu.memory_space<vmem_shared>>
      tpu.enqueue_indirect_dma source(%dma_start3A_168 : memref<80x128xf32, #tpu.memory_space<vmem>>) target(%dma_start3A_174 : memref<10240x128xf32, #tpu.memory_space<vmem_shared>>) offsets(%dma_start3A_171 : memref<80xi32, #tpu.memory_space<vmem>>) semaphore(%run_scoped3A_164 : memref<!tpu.dma_semaphore, #tpu.memory_space<semaphore_mem>>) {add = true}
      %dma_wait3A_175 = arith.constant 0 : i32
      %dma_wait3A_176 = arith.constant 0 : i32
      %dma_wait3A_177 = tpu.memref_slice %arg8[%run_scoped3A, %dma_wait3A_175, %dma_wait3A_176] : memref<4x80x128xf32, #tpu.memory_space<vmem>> -> memref<1x80x128xf32, #tpu.memory_space<vmem>>
      %dma_wait3A_178 = tpu.memref_squeeze %dma_wait3A_177 : memref<1x80x128xf32, #tpu.memory_space<vmem>> -> memref<80x128xf32, #tpu.memory_space<vmem>>
      %dma_wait3A_179 = arith.constant 0 : i32
      %dma_wait3A_180 = tpu.memref_slice %arg7[%run_scoped3A_158, %dma_wait3A_179] : memref<8x80xi32, #tpu.memory_space<vmem>> -> memref<1x80xi32, #tpu.memory_space<vmem>>
      %dma_wait3A_181 = tpu.memref_squeeze %dma_wait3A_180 : memref<1x80xi32, #tpu.memory_space<vmem>> -> memref<80xi32, #tpu.memory_space<vmem>>
      %dma_wait3A_182 = arith.constant 0 : i32
      %dma_wait3A_183 = arith.constant 0 : i32
      %dma_wait3A_184 = tpu.memref_slice %arg9[%dma_wait3A_182, %dma_wait3A_183] : memref<10240x128xf32, #tpu.memory_space<vmem_shared>> -> memref<10240x128xf32, #tpu.memory_space<vmem_shared>>
      tpu.wait_indirect_dma semaphore(%run_scoped3A_164 : memref<!tpu.dma_semaphore, #tpu.memory_space<semaphore_mem>>) src(%dma_wait3A_178 : memref<80x128xf32, #tpu.memory_space<vmem>>) dst(%dma_wait3A_184 : memref<10240x128xf32, #tpu.memory_space<vmem_shared>>)
      tpu.yield
    }) : () -> ()
    %barrier3A_159 = arith.constant 0 : index
    tpu.barrier barrier_id(%barrier3A_159)
    %mul3A_160 = arith.constant 640 : i32
    %mul3A_161 = arith.muli %arg1, %mul3A_160 : i32
    %mul3A_162 = arith.constant 640 : i32
    %mul3A_163 = arith.muli %arg1, %mul3A_162 : i32
    "tpu.region"() ({
      %run_scoped3A_164 = tpu.sem_alloc : memref<!tpu.dma_semaphore, #tpu.memory_space<semaphore_mem>>
      %dma_start3A_165 = arith.constant 0 : i32
      %dma_start3A_166 = tpu.memref_slice %arg6[%arg0, %mul3A_163, %dma_start3A_165] : memref<2x10240x128xf32, #tpu.memory_space<hbm>> -> memref<1x640x128xf32, #tpu.memory_space<hbm>>
      %dma_start3A_167 = tpu.memref_squeeze %dma_start3A_166 : memref<1x640x128xf32, #tpu.memory_space<hbm>> -> memref<640x128xf32, #tpu.memory_space<hbm>>
      %dma_start3A_168 = arith.constant 0 : i32
      %dma_start3A_169 = tpu.memref_slice %arg9[%mul3A_161, %dma_start3A_168] : memref<10240x128xf32, #tpu.memory_space<vmem_shared>> -> memref<640x128xf32, #tpu.memory_space<vmem_shared>>
      tpu.enqueue_dma source(%dma_start3A_169 : memref<640x128xf32, #tpu.memory_space<vmem_shared>>) target(%dma_start3A_167 : memref<640x128xf32, #tpu.memory_space<hbm>>) target_semaphore(%run_scoped3A_164 : memref<!tpu.dma_semaphore, #tpu.memory_space<semaphore_mem>>)
      %dma_wait3A_170 = arith.constant 0 : i32
      %dma_wait3A_171 = tpu.memref_slice %arg6[%arg0, %mul3A_163, %dma_wait3A_170] : memref<2x10240x128xf32, #tpu.memory_space<hbm>> -> memref<1x640x128xf32, #tpu.memory_space<hbm>>
      %dma_wait3A_172 = tpu.memref_squeeze %dma_wait3A_171 : memref<1x640x128xf32, #tpu.memory_space<hbm>> -> memref<640x128xf32, #tpu.memory_space<hbm>>
      %dma_wait3A_173 = arith.constant 0 : i32
      %dma_wait3A_174 = tpu.memref_slice %arg9[%mul3A_161, %dma_wait3A_173] : memref<10240x128xf32, #tpu.memory_space<vmem_shared>> -> memref<640x128xf32, #tpu.memory_space<vmem_shared>>
      tpu.wait_dma2 semaphore(%run_scoped3A_164 : memref<!tpu.dma_semaphore, #tpu.memory_space<semaphore_mem>>) src(%dma_wait3A_174 : memref<640x128xf32, #tpu.memory_space<vmem_shared>>) dst(%dma_wait3A_172 : memref<640x128xf32, #tpu.memory_space<hbm>>)
      tpu.yield
    }) : () -> ()
    return
  }
}

#map = affine_map<(d0, d1) -> (0, 0, 0)>
#map1 = affine_map<(d0, d1) -> (0, 0)>
module attributes {stable_mosaic.version = 14 : i64} {
  func.func @_sc_degree(%arg0: i32, %arg1: i32, %arg2: memref<32x125x80xi32, #tpu.memory_space<hbm>>, %arg3: memref<80x128xf32, #tpu.memory_space<hbm>>, %arg4: memref<10240x128xf32, #tpu.memory_space<hbm>>, %arg5: memref<2x10240x128xf32, #tpu.memory_space<hbm>>, %arg6: memref<125x80xi32, #tpu.memory_space<vmem>>, %arg7: memref<80x128xf32, #tpu.memory_space<vmem>>, %arg8: memref<10240x128xf32, #tpu.memory_space<vmem_shared>>, %arg9: memref<!tpu.dma_semaphore, #tpu.memory_space<semaphore_mem>>, %arg10: memref<!tpu.dma_semaphore, #tpu.memory_space<semaphore_mem>>) attributes {dimension_semantics = [#tpu.dimension_semantics<core_parallel>, #tpu.dimension_semantics<subcore_parallel>], iteration_bounds = array<i64: 2, 16>, scalar_prefetch = 0 : i64, scratch_operands = 5 : i64, tpu.core_type = #tpu.core_type<sc_vector_subcore>, window_params = [{transform_indices = #map}, {transform_indices = #map1}, {transform_indices = #map1}, {transform_indices = #map}]} {
    %mul3A = arith.constant 16 : i32
    %mul3A_0 = arith.muli %arg0, %mul3A : i32
    %add3A = arith.addi %mul3A_0, %arg1 : i32
    tpu.enqueue_dma source(%arg3 : memref<80x128xf32, #tpu.memory_space<hbm>>) target(%arg7 : memref<80x128xf32, #tpu.memory_space<vmem>>) target_semaphore(%arg9 : memref<!tpu.dma_semaphore, #tpu.memory_space<semaphore_mem>>)
    %mul3A_1 = arith.constant 640 : i32
    %mul3A_2 = arith.muli %arg1, %mul3A_1 : i32
    %mul3A_3 = arith.constant 640 : i32
    %mul3A_4 = arith.muli %arg1, %mul3A_3 : i32
    %dma_start3A = arith.constant 0 : i32
    %dma_start3A_5 = tpu.memref_slice %arg8[%mul3A_4, %dma_start3A] : memref<10240x128xf32, #tpu.memory_space<vmem_shared>> -> memref<640x128xf32, #tpu.memory_space<vmem_shared>>
    %dma_start3A_6 = arith.constant 0 : i32
    %dma_start3A_7 = tpu.memref_slice %arg4[%mul3A_2, %dma_start3A_6] : memref<10240x128xf32, #tpu.memory_space<hbm>> -> memref<640x128xf32, #tpu.memory_space<hbm>>
    tpu.enqueue_dma source(%dma_start3A_7 : memref<640x128xf32, #tpu.memory_space<hbm>>) target(%dma_start3A_5 : memref<640x128xf32, #tpu.memory_space<vmem_shared>>) target_semaphore(%arg10 : memref<!tpu.dma_semaphore, #tpu.memory_space<semaphore_mem>>)
    "tpu.region"() ({
      %run_scoped3A = tpu.sem_alloc : memref<!tpu.dma_semaphore, #tpu.memory_space<semaphore_mem>>
      %dma_start3A_42 = arith.constant 0 : i32
      %dma_start3A_43 = arith.constant 0 : i32
      %dma_start3A_44 = tpu.memref_slice %arg2[%add3A, %dma_start3A_42, %dma_start3A_43] : memref<32x125x80xi32, #tpu.memory_space<hbm>> -> memref<1x125x80xi32, #tpu.memory_space<hbm>>
      %dma_start3A_45 = tpu.memref_squeeze %dma_start3A_44 : memref<1x125x80xi32, #tpu.memory_space<hbm>> -> memref<125x80xi32, #tpu.memory_space<hbm>>
      %dma_start3A_46 = arith.constant 0 : i32
      %dma_start3A_47 = arith.constant 0 : i32
      %dma_start3A_48 = tpu.memref_slice %arg2[%add3A, %dma_start3A_46, %dma_start3A_47] : memref<32x125x80xi32, #tpu.memory_space<hbm>> -> memref<1x125x80xi32, #tpu.memory_space<hbm>>
      %dma_start3A_49 = tpu.memref_squeeze %dma_start3A_48 : memref<1x125x80xi32, #tpu.memory_space<hbm>> -> memref<125x80xi32, #tpu.memory_space<hbm>>
      tpu.enqueue_dma source(%dma_start3A_49 : memref<125x80xi32, #tpu.memory_space<hbm>>) target(%arg6 : memref<125x80xi32, #tpu.memory_space<vmem>>) target_semaphore(%run_scoped3A : memref<!tpu.dma_semaphore, #tpu.memory_space<semaphore_mem>>)
      %dma_wait3A_50 = arith.constant 0 : i32
      %dma_wait3A_51 = arith.constant 0 : i32
      %dma_wait3A_52 = tpu.memref_slice %arg2[%add3A, %dma_wait3A_50, %dma_wait3A_51] : memref<32x125x80xi32, #tpu.memory_space<hbm>> -> memref<1x125x80xi32, #tpu.memory_space<hbm>>
      %dma_wait3A_53 = tpu.memref_squeeze %dma_wait3A_52 : memref<1x125x80xi32, #tpu.memory_space<hbm>> -> memref<125x80xi32, #tpu.memory_space<hbm>>
      %dma_wait3A_54 = arith.constant 0 : i32
      %dma_wait3A_55 = arith.constant 0 : i32
      %dma_wait3A_56 = tpu.memref_slice %arg2[%add3A, %dma_wait3A_54, %dma_wait3A_55] : memref<32x125x80xi32, #tpu.memory_space<hbm>> -> memref<1x125x80xi32, #tpu.memory_space<hbm>>
      %dma_wait3A_57 = tpu.memref_squeeze %dma_wait3A_56 : memref<1x125x80xi32, #tpu.memory_space<hbm>> -> memref<125x80xi32, #tpu.memory_space<hbm>>
      tpu.wait_dma2 semaphore(%run_scoped3A : memref<!tpu.dma_semaphore, #tpu.memory_space<semaphore_mem>>) src(%dma_wait3A_57 : memref<125x80xi32, #tpu.memory_space<hbm>>) dst(%arg6 : memref<125x80xi32, #tpu.memory_space<vmem>>)
      tpu.yield
    }) : () -> ()
    tpu.wait_dma2 semaphore(%arg9 : memref<!tpu.dma_semaphore, #tpu.memory_space<semaphore_mem>>) src(%arg3 : memref<80x128xf32, #tpu.memory_space<hbm>>) dst(%arg7 : memref<80x128xf32, #tpu.memory_space<vmem>>)
    %dma_wait3A = arith.constant 0 : i32
    %dma_wait3A_8 = tpu.memref_slice %arg8[%mul3A_4, %dma_wait3A] : memref<10240x128xf32, #tpu.memory_space<vmem_shared>> -> memref<640x128xf32, #tpu.memory_space<vmem_shared>>
    %dma_wait3A_9 = arith.constant 0 : i32
    %dma_wait3A_10 = tpu.memref_slice %arg4[%mul3A_2, %dma_wait3A_9] : memref<10240x128xf32, #tpu.memory_space<hbm>> -> memref<640x128xf32, #tpu.memory_space<hbm>>
    tpu.wait_dma2 semaphore(%arg10 : memref<!tpu.dma_semaphore, #tpu.memory_space<semaphore_mem>>) src(%dma_wait3A_10 : memref<640x128xf32, #tpu.memory_space<hbm>>) dst(%dma_wait3A_8 : memref<640x128xf32, #tpu.memory_space<vmem_shared>>)
    %barrier3A = arith.constant 0 : index
    tpu.barrier barrier_id(%barrier3A)
    %dma_start3A_11 = arith.constant 0 : i32
    %dma_start3A_12 = arith.constant 0 : i32
    %dma_start3A_13 = tpu.memref_slice %arg6[%dma_start3A_11, %dma_start3A_12] : memref<125x80xi32, #tpu.memory_space<vmem>> -> memref<1x80xi32, #tpu.memory_space<vmem>>
    %dma_start3A_14 = tpu.memref_squeeze %dma_start3A_13 : memref<1x80xi32, #tpu.memory_space<vmem>> -> memref<80xi32, #tpu.memory_space<vmem>>
    %dma_start3A_15 = arith.constant 0 : i32
    %dma_start3A_16 = arith.constant 0 : i32
    %dma_start3A_17 = tpu.memref_slice %arg8[%dma_start3A_15, %dma_start3A_16] : memref<10240x128xf32, #tpu.memory_space<vmem_shared>> -> memref<10240x128xf32, #tpu.memory_space<vmem_shared>>
    tpu.enqueue_indirect_dma source(%arg7 : memref<80x128xf32, #tpu.memory_space<vmem>>) target(%dma_start3A_17 : memref<10240x128xf32, #tpu.memory_space<vmem_shared>>) offsets(%dma_start3A_14 : memref<80xi32, #tpu.memory_space<vmem>>) semaphore(%arg9 : memref<!tpu.dma_semaphore, #tpu.memory_space<semaphore_mem>>) {add = true}
    %dma_start3A_18 = arith.constant 1 : i32
    %dma_start3A_19 = arith.constant 0 : i32
    %dma_start3A_20 = tpu.memref_slice %arg6[%dma_start3A_18, %dma_start3A_19] : memref<125x80xi32, #tpu.memory_space<vmem>> -> memref<1x80xi32, #tpu.memory_space<vmem>>
    %dma_start3A_21 = tpu.memref_squeeze %dma_start3A_20 : memref<1x80xi32, #tpu.memory_space<vmem>> -> memref<80xi32, #tpu.memory_space<vmem>>
    %dma_start3A_22 = arith.constant 0 : i32
    %dma_start3A_23 = arith.constant 0 : i32
    %dma_start3A_24 = tpu.memref_slice %arg8[%dma_start3A_22, %dma_start3A_23] : memref<10240x128xf32, #tpu.memory_space<vmem_shared>> -> memref<10240x128xf32, #tpu.memory_space<vmem_shared>>
    tpu.enqueue_indirect_dma source(%arg7 : memref<80x128xf32, #tpu.memory_space<vmem>>) target(%dma_start3A_24 : memref<10240x128xf32, #tpu.memory_space<vmem_shared>>) offsets(%dma_start3A_21 : memref<80xi32, #tpu.memory_space<vmem>>) semaphore(%arg10 : memref<!tpu.dma_semaphore, #tpu.memory_space<semaphore_mem>>) {add = true}
    %scan3A = arith.constant 0 : i32
    %scan3A_25 = arith.constant 0 : i32
    %scan3A_26 = arith.constant 62 : i32
    %scan3A_27 = arith.addi %scan3A_25, %scan3A_26 : i32
    %scan3A_28 = arith.constant 1 : i32
    scf.for %scan3A_42 = %scan3A_25 to %scan3A_27 step %scan3A_28  : i32 {
      %mul3A_43 = arith.constant 2 : i32
      %mul3A_44 = arith.muli %scan3A_42, %mul3A_43 : i32
      %add3A_45 = arith.constant 0 : i32
      %add3A_46 = arith.addi %mul3A_44, %add3A_45 : i32
      %dma_wait3A_47 = arith.constant 0 : i32
      %dma_wait3A_48 = tpu.memref_slice %arg6[%add3A_46, %dma_wait3A_47] : memref<125x80xi32, #tpu.memory_space<vmem>> -> memref<1x80xi32, #tpu.memory_space<vmem>>
      %dma_wait3A_49 = tpu.memref_squeeze %dma_wait3A_48 : memref<1x80xi32, #tpu.memory_space<vmem>> -> memref<80xi32, #tpu.memory_space<vmem>>
      %dma_wait3A_50 = arith.constant 0 : i32
      %dma_wait3A_51 = arith.constant 0 : i32
      %dma_wait3A_52 = tpu.memref_slice %arg8[%dma_wait3A_50, %dma_wait3A_51] : memref<10240x128xf32, #tpu.memory_space<vmem_shared>> -> memref<10240x128xf32, #tpu.memory_space<vmem_shared>>
      tpu.wait_indirect_dma semaphore(%arg9 : memref<!tpu.dma_semaphore, #tpu.memory_space<semaphore_mem>>) src(%arg7 : memref<80x128xf32, #tpu.memory_space<vmem>>) dst(%dma_wait3A_52 : memref<10240x128xf32, #tpu.memory_space<vmem_shared>>)
      %add3A_53 = arith.constant 2 : i32
      %add3A_54 = arith.addi %add3A_46, %add3A_53 : i32
      %lt3A = arith.constant 125 : i32
      %lt3A_55 = arith.cmpi slt, %add3A_54, %lt3A : i32
      %convert_element_type3A = arith.extui %lt3A_55 : i1 to i32
      %cond3A = arith.constant 0 : i32
      %cond3A_56 = arith.cmpi ne, %convert_element_type3A, %cond3A : i32
      scf.if %cond3A_56 {
        %add3A_74 = arith.constant 2 : i32
        %add3A_75 = arith.addi %add3A_46, %add3A_74 : i32
        %dma_start3A_76 = arith.constant 0 : i32
        %dma_start3A_77 = tpu.memref_slice %arg6[%add3A_75, %dma_start3A_76] : memref<125x80xi32, #tpu.memory_space<vmem>> -> memref<1x80xi32, #tpu.memory_space<vmem>>
        %dma_start3A_78 = tpu.memref_squeeze %dma_start3A_77 : memref<1x80xi32, #tpu.memory_space<vmem>> -> memref<80xi32, #tpu.memory_space<vmem>>
        %dma_start3A_79 = arith.constant 0 : i32
        %dma_start3A_80 = arith.constant 0 : i32
        %dma_start3A_81 = tpu.memref_slice %arg8[%dma_start3A_79, %dma_start3A_80] : memref<10240x128xf32, #tpu.memory_space<vmem_shared>> -> memref<10240x128xf32, #tpu.memory_space<vmem_shared>>
        tpu.enqueue_indirect_dma source(%arg7 : memref<80x128xf32, #tpu.memory_space<vmem>>) target(%dma_start3A_81 : memref<10240x128xf32, #tpu.memory_space<vmem_shared>>) offsets(%dma_start3A_78 : memref<80xi32, #tpu.memory_space<vmem>>) semaphore(%arg9 : memref<!tpu.dma_semaphore, #tpu.memory_space<semaphore_mem>>) {add = true}
      } else {
      }
      %mul3A_57 = arith.constant 2 : i32
      %mul3A_58 = arith.muli %scan3A_42, %mul3A_57 : i32
      %add3A_59 = arith.constant 1 : i32
      %add3A_60 = arith.addi %mul3A_58, %add3A_59 : i32
      %dma_wait3A_61 = arith.constant 0 : i32
      %dma_wait3A_62 = tpu.memref_slice %arg6[%add3A_60, %dma_wait3A_61] : memref<125x80xi32, #tpu.memory_space<vmem>> -> memref<1x80xi32, #tpu.memory_space<vmem>>
      %dma_wait3A_63 = tpu.memref_squeeze %dma_wait3A_62 : memref<1x80xi32, #tpu.memory_space<vmem>> -> memref<80xi32, #tpu.memory_space<vmem>>
      %dma_wait3A_64 = arith.constant 0 : i32
      %dma_wait3A_65 = arith.constant 0 : i32
      %dma_wait3A_66 = tpu.memref_slice %arg8[%dma_wait3A_64, %dma_wait3A_65] : memref<10240x128xf32, #tpu.memory_space<vmem_shared>> -> memref<10240x128xf32, #tpu.memory_space<vmem_shared>>
      tpu.wait_indirect_dma semaphore(%arg10 : memref<!tpu.dma_semaphore, #tpu.memory_space<semaphore_mem>>) src(%arg7 : memref<80x128xf32, #tpu.memory_space<vmem>>) dst(%dma_wait3A_66 : memref<10240x128xf32, #tpu.memory_space<vmem_shared>>)
      %add3A_67 = arith.constant 2 : i32
      %add3A_68 = arith.addi %add3A_60, %add3A_67 : i32
      %lt3A_69 = arith.constant 125 : i32
      %lt3A_70 = arith.cmpi slt, %add3A_68, %lt3A_69 : i32
      %convert_element_type3A_71 = arith.extui %lt3A_70 : i1 to i32
      %cond3A_72 = arith.constant 0 : i32
      %cond3A_73 = arith.cmpi ne, %convert_element_type3A_71, %cond3A_72 : i32
      scf.if %cond3A_73 {
        %add3A_74 = arith.constant 2 : i32
        %add3A_75 = arith.addi %add3A_60, %add3A_74 : i32
        %dma_start3A_76 = arith.constant 0 : i32
        %dma_start3A_77 = tpu.memref_slice %arg6[%add3A_75, %dma_start3A_76] : memref<125x80xi32, #tpu.memory_space<vmem>> -> memref<1x80xi32, #tpu.memory_space<vmem>>
        %dma_start3A_78 = tpu.memref_squeeze %dma_start3A_77 : memref<1x80xi32, #tpu.memory_space<vmem>> -> memref<80xi32, #tpu.memory_space<vmem>>
        %dma_start3A_79 = arith.constant 0 : i32
        %dma_start3A_80 = arith.constant 0 : i32
        %dma_start3A_81 = tpu.memref_slice %arg8[%dma_start3A_79, %dma_start3A_80] : memref<10240x128xf32, #tpu.memory_space<vmem_shared>> -> memref<10240x128xf32, #tpu.memory_space<vmem_shared>>
        tpu.enqueue_indirect_dma source(%arg7 : memref<80x128xf32, #tpu.memory_space<vmem>>) target(%dma_start3A_81 : memref<10240x128xf32, #tpu.memory_space<vmem_shared>>) offsets(%dma_start3A_78 : memref<80xi32, #tpu.memory_space<vmem>>) semaphore(%arg10 : memref<!tpu.dma_semaphore, #tpu.memory_space<semaphore_mem>>) {add = true}
      } else {
      }
    }
    %scan3A_29 = arith.constant 62 : i32
    %dma_wait3A_30 = arith.constant 124 : i32
    %dma_wait3A_31 = arith.constant 0 : i32
    %dma_wait3A_32 = tpu.memref_slice %arg6[%dma_wait3A_30, %dma_wait3A_31] : memref<125x80xi32, #tpu.memory_space<vmem>> -> memref<1x80xi32, #tpu.memory_space<vmem>>
    %dma_wait3A_33 = tpu.memref_squeeze %dma_wait3A_32 : memref<1x80xi32, #tpu.memory_space<vmem>> -> memref<80xi32, #tpu.memory_space<vmem>>
    %dma_wait3A_34 = arith.constant 0 : i32
    %dma_wait3A_35 = arith.constant 0 : i32
    %dma_wait3A_36 = tpu.memref_slice %arg8[%dma_wait3A_34, %dma_wait3A_35] : memref<10240x128xf32, #tpu.memory_space<vmem_shared>> -> memref<10240x128xf32, #tpu.memory_space<vmem_shared>>
    tpu.wait_indirect_dma semaphore(%arg9 : memref<!tpu.dma_semaphore, #tpu.memory_space<semaphore_mem>>) src(%arg7 : memref<80x128xf32, #tpu.memory_space<vmem>>) dst(%dma_wait3A_36 : memref<10240x128xf32, #tpu.memory_space<vmem_shared>>)
    %barrier3A_37 = arith.constant 0 : index
    tpu.barrier barrier_id(%barrier3A_37)
    %mul3A_38 = arith.constant 640 : i32
    %mul3A_39 = arith.muli %arg1, %mul3A_38 : i32
    %mul3A_40 = arith.constant 640 : i32
    %mul3A_41 = arith.muli %arg1, %mul3A_40 : i32
    "tpu.region"() ({
      %run_scoped3A = tpu.sem_alloc : memref<!tpu.dma_semaphore, #tpu.memory_space<semaphore_mem>>
      %dma_start3A_42 = arith.constant 0 : i32
      %dma_start3A_43 = tpu.memref_slice %arg5[%arg0, %mul3A_41, %dma_start3A_42] : memref<2x10240x128xf32, #tpu.memory_space<hbm>> -> memref<1x640x128xf32, #tpu.memory_space<hbm>>
      %dma_start3A_44 = tpu.memref_squeeze %dma_start3A_43 : memref<1x640x128xf32, #tpu.memory_space<hbm>> -> memref<640x128xf32, #tpu.memory_space<hbm>>
      %dma_start3A_45 = arith.constant 0 : i32
      %dma_start3A_46 = tpu.memref_slice %arg8[%mul3A_39, %dma_start3A_45] : memref<10240x128xf32, #tpu.memory_space<vmem_shared>> -> memref<640x128xf32, #tpu.memory_space<vmem_shared>>
      tpu.enqueue_dma source(%dma_start3A_46 : memref<640x128xf32, #tpu.memory_space<vmem_shared>>) target(%dma_start3A_44 : memref<640x128xf32, #tpu.memory_space<hbm>>) target_semaphore(%run_scoped3A : memref<!tpu.dma_semaphore, #tpu.memory_space<semaphore_mem>>)
      %dma_wait3A_47 = arith.constant 0 : i32
      %dma_wait3A_48 = tpu.memref_slice %arg5[%arg0, %mul3A_41, %dma_wait3A_47] : memref<2x10240x128xf32, #tpu.memory_space<hbm>> -> memref<1x640x128xf32, #tpu.memory_space<hbm>>
      %dma_wait3A_49 = tpu.memref_squeeze %dma_wait3A_48 : memref<1x640x128xf32, #tpu.memory_space<hbm>> -> memref<640x128xf32, #tpu.memory_space<hbm>>
      %dma_wait3A_50 = arith.constant 0 : i32
      %dma_wait3A_51 = tpu.memref_slice %arg8[%mul3A_39, %dma_wait3A_50] : memref<10240x128xf32, #tpu.memory_space<vmem_shared>> -> memref<640x128xf32, #tpu.memory_space<vmem_shared>>
      tpu.wait_dma2 semaphore(%run_scoped3A : memref<!tpu.dma_semaphore, #tpu.memory_space<semaphore_mem>>) src(%dma_wait3A_51 : memref<640x128xf32, #tpu.memory_space<vmem_shared>>) dst(%dma_wait3A_49 : memref<640x128xf32, #tpu.memory_space<hbm>>)
      tpu.yield
    }) : () -> ()
    return
  }
}

module attributes {stable_mosaic.version = 14 : i64} {
  func.func @_tc_mid_body(%arg0: memref<2x10240x128xf32, #tpu.memory_space<vmem>>, %arg1: memref<10000x128xf32, #tpu.memory_space<vmem>>, %arg2: memref<10000x128xf32, #tpu.memory_space<vmem>>, %arg3: memref<1x128xf32, #tpu.memory_space<vmem>>, %arg4: memref<1x128xf32, #tpu.memory_space<vmem>>, %arg5: memref<1x128xf32, #tpu.memory_space<vmem>>, %arg6: memref<128x128xf32, #tpu.memory_space<vmem>>, %arg7: memref<10000x128xf32, #tpu.memory_space<vmem>>) attributes {dimension_semantics = [], scalar_prefetch = 0 : i64, scratch_operands = 0 : i64, tpu.core_type = #tpu.core_type<tc>} {
    %get3A = arith.constant 0 : index
    %get3A_0 = arith.constant 0 : index
    %get3A_1 = vector.load %arg2[%get3A, %get3A_0] : memref<10000x128xf32, #tpu.memory_space<vmem>>, vector<10000x128xf32>
    %get3A_2 = arith.constant 0 : index
    %get3A_3 = arith.constant 0 : index
    %get3A_4 = arith.constant 0 : index
    %get3A_5 = vector.load %arg0[%get3A_2, %get3A_3, %get3A_4] : memref<2x10240x128xf32, #tpu.memory_space<vmem>>, vector<2x10000x128xf32>
    %slice3A = vector.extract_strided_slice %get3A_5 {offsets = [0, 0, 0], sizes = [1, 10000, 128], strides = [1, 1, 1]} : vector<2x10000x128xf32> to vector<1x10000x128xf32>
    %squeeze3A = vector.shape_cast %slice3A : vector<1x10000x128xf32> to vector<10000x128xf32>
    %slice3A_6 = vector.extract_strided_slice %get3A_5 {offsets = [1, 0, 0], sizes = [1, 10000, 128], strides = [1, 1, 1]} : vector<2x10000x128xf32> to vector<1x10000x128xf32>
    %squeeze3A_7 = vector.shape_cast %slice3A_6 : vector<1x10000x128xf32> to vector<10000x128xf32>
    %add3A = arith.addf %squeeze3A, %squeeze3A_7 : vector<10000x128xf32>
    %get3A_8 = arith.constant 0 : index
    %get3A_9 = arith.constant 0 : index
    %get3A_10 = vector.load %arg1[%get3A_8, %get3A_9] : memref<10000x128xf32, #tpu.memory_space<vmem>>, vector<10000x128xf32>
    %add3A_11 = arith.addf %add3A, %get3A_10 : vector<10000x128xf32>
    %mul3A = arith.mulf %get3A_1, %add3A_11 : vector<10000x128xf32>
    %get3A_12 = arith.constant 0 : index
    %get3A_13 = arith.constant 0 : index
    %get3A_14 = vector.load %arg3[%get3A_12, %get3A_13] : memref<1x128xf32, #tpu.memory_space<vmem>>, vector<1x128xf32>
    %add3A_15 = vector.broadcast %get3A_14 : vector<1x128xf32> to vector<10000x128xf32>
    %add3A_16 = arith.addf %mul3A, %add3A_15 : vector<10000x128xf32>
    %reduce_sum3A = arith.constant dense<0.000000e+00> : vector<128xf32>
    %reduce_sum3A_17 = vector.multi_reduction <add>, %add3A_16, %reduce_sum3A [0] : vector<10000x128xf32> to vector<128xf32>
    %broadcast_in_dim3A = vector.shape_cast %reduce_sum3A_17 : vector<128xf32> to vector<1x128xf32>
    %div3A = arith.constant 1.000000e+04 : f32
    %div3A_18 = vector.broadcast %div3A : f32 to vector<1x128xf32>
    %div3A_19 = arith.divf %broadcast_in_dim3A, %div3A_18 : vector<1x128xf32>
    %sub3A = vector.broadcast %div3A_19 : vector<1x128xf32> to vector<10000x128xf32>
    %sub3A_20 = arith.subf %add3A_16, %sub3A : vector<10000x128xf32>
    %integer_pow3A = arith.mulf %sub3A_20, %sub3A_20 : vector<10000x128xf32>
    %reduce_sum3A_21 = arith.constant dense<0.000000e+00> : vector<128xf32>
    %reduce_sum3A_22 = vector.multi_reduction <add>, %integer_pow3A, %reduce_sum3A_21 [0] : vector<10000x128xf32> to vector<128xf32>
    %broadcast_in_dim3A_23 = vector.shape_cast %reduce_sum3A_22 : vector<128xf32> to vector<1x128xf32>
    %div3A_24 = arith.constant 1.000000e+04 : f32
    %div3A_25 = vector.broadcast %div3A_24 : f32 to vector<1x128xf32>
    %div3A_26 = arith.divf %broadcast_in_dim3A_23, %div3A_25 : vector<1x128xf32>
    %get3A_27 = arith.constant 0 : index
    %get3A_28 = arith.constant 0 : index
    %get3A_29 = vector.load %arg4[%get3A_27, %get3A_28] : memref<1x128xf32, #tpu.memory_space<vmem>>, vector<1x128xf32>
    %sub3A_30 = vector.broadcast %div3A_19 : vector<1x128xf32> to vector<10000x128xf32>
    %sub3A_31 = arith.subf %add3A_16, %sub3A_30 : vector<10000x128xf32>
    %mul3A_32 = vector.broadcast %get3A_29 : vector<1x128xf32> to vector<10000x128xf32>
    %mul3A_33 = arith.mulf %mul3A_32, %sub3A_31 : vector<10000x128xf32>
    %add3A_34 = arith.constant 9.99999974E-6 : f32
    %add3A_35 = vector.broadcast %add3A_34 : f32 to vector<1x128xf32>
    %add3A_36 = arith.addf %div3A_26, %add3A_35 : vector<1x128xf32>
    %rsqrt3A = math.rsqrt %add3A_36 : vector<1x128xf32>
    %mul3A_37 = vector.broadcast %rsqrt3A : vector<1x128xf32> to vector<10000x128xf32>
    %mul3A_38 = arith.mulf %mul3A_33, %mul3A_37 : vector<10000x128xf32>
    %get3A_39 = arith.constant 0 : index
    %get3A_40 = arith.constant 0 : index
    %get3A_41 = vector.load %arg5[%get3A_39, %get3A_40] : memref<1x128xf32, #tpu.memory_space<vmem>>, vector<1x128xf32>
    %add3A_42 = vector.broadcast %get3A_41 : vector<1x128xf32> to vector<10000x128xf32>
    %add3A_43 = arith.addf %mul3A_38, %add3A_42 : vector<10000x128xf32>
    %gt3A = arith.constant 0.000000e+00 : f32
    %gt3A_44 = vector.broadcast %gt3A : f32 to vector<10000x128xf32>
    %gt3A_45 = arith.cmpf ogt, %add3A_43, %gt3A_44 : vector<10000x128xf32>
    %mul3A_46 = arith.constant 0.00999999977 : f32
    %mul3A_47 = vector.broadcast %mul3A_46 : f32 to vector<10000x128xf32>
    %mul3A_48 = arith.mulf %mul3A_47, %add3A_43 : vector<10000x128xf32>
    %select_n3A = arith.select %gt3A_45, %add3A_43, %mul3A_48 : vector<10000x128xi1>, vector<10000x128xf32>
    %get3A_49 = arith.constant 0 : index
    %get3A_50 = arith.constant 0 : index
    %get3A_51 = vector.load %arg6[%get3A_49, %get3A_50] : memref<128x128xf32, #tpu.memory_space<vmem>>, vector<128x128xf32>
    %dot_general3A = arith.constant dense<0.000000e+00> : vector<10000x128xf32>
    %dot_general3A_52 = tpu.matmul %select_n3A, %get3A_51, %dot_general3A {dimension_numbers = #tpu.dot_dimension_numbers<[1], [0], [0], [1], [0, 0, 1, 1], [], []>, transpose_lhs_hint = false} : vector<10000x128xf32>, vector<128x128xf32>, vector<10000x128xf32> -> vector<10000x128xf32>
    %mul3A_53 = arith.mulf %dot_general3A_52, %get3A_1 : vector<10000x128xf32>
    %swap3A = arith.constant 0 : index
    %swap3A_54 = arith.constant 0 : index
    %swap3A_55 = vector.load %arg7[%swap3A, %swap3A_54] : memref<10000x128xf32, #tpu.memory_space<vmem>>, vector<10000x128xf32>
    tpu.vector_store %arg7[%swap3A, %swap3A_54], %mul3A_53 {strides = array<i32>} : memref<10000x128xf32, #tpu.memory_space<vmem>>, vector<10000x128xf32>,
    return
  }
}

module attributes {stable_mosaic.version = 14 : i64} {
  func.func @_tc_front_body(%arg0: memref<10000x128xf32, #tpu.memory_space<vmem>>, %arg1: memref<128x128xf32, #tpu.memory_space<vmem>>, %arg2: memref<2x10240x128xf32, #tpu.memory_space<vmem>>, %arg3: memref<10000x128xf32, #tpu.memory_space<vmem>>, %arg4: memref<10000x128xf32, #tpu.memory_space<vmem>>) attributes {dimension_semantics = [], scalar_prefetch = 0 : i64, scratch_operands = 0 : i64, tpu.core_type = #tpu.core_type<tc>} {
    %get3A = arith.constant 0 : index
    %get3A_0 = arith.constant 0 : index
    %get3A_1 = arith.constant 0 : index
    %get3A_2 = vector.load %arg2[%get3A, %get3A_0, %get3A_1] : memref<2x10240x128xf32, #tpu.memory_space<vmem>>, vector<2x10240x128xf32>
    %slice3A = vector.extract_strided_slice %get3A_2 {offsets = [0, 0, 0], sizes = [1, 10000, 1], strides = [1, 1, 1]} : vector<2x10240x128xf32> to vector<1x10000x1xf32>
    %squeeze3A = vector.shape_cast %slice3A : vector<1x10000x1xf32> to vector<10000x1xf32>
    %slice3A_3 = vector.extract_strided_slice %get3A_2 {offsets = [1, 0, 0], sizes = [1, 10000, 1], strides = [1, 1, 1]} : vector<2x10240x128xf32> to vector<1x10000x1xf32>
    %squeeze3A_4 = vector.shape_cast %slice3A_3 : vector<1x10000x1xf32> to vector<10000x1xf32>
    %add3A = arith.addf %squeeze3A, %squeeze3A_4 : vector<10000x1xf32>
    %add3A_5 = arith.constant 1.000000e+00 : f32
    %add3A_6 = vector.broadcast %add3A_5 : f32 to vector<10000x1xf32>
    %add3A_7 = arith.addf %add3A, %add3A_6 : vector<10000x1xf32>
    %rsqrt3A = math.rsqrt %add3A_7 : vector<10000x1xf32>
    %get3A_8 = arith.constant 0 : index
    %get3A_9 = arith.constant 0 : index
    %get3A_10 = vector.load %arg0[%get3A_8, %get3A_9] : memref<10000x128xf32, #tpu.memory_space<vmem>>, vector<10000x128xf32>
    %get3A_11 = arith.constant 0 : index
    %get3A_12 = arith.constant 0 : index
    %get3A_13 = vector.load %arg1[%get3A_11, %get3A_12] : memref<128x128xf32, #tpu.memory_space<vmem>>, vector<128x128xf32>
    %dot_general3A = arith.constant dense<0.000000e+00> : vector<10000x128xf32>
    %dot_general3A_14 = tpu.matmul %get3A_10, %get3A_13, %dot_general3A {dimension_numbers = #tpu.dot_dimension_numbers<[1], [0], [0], [1], [0, 0, 1, 1], [], []>, transpose_lhs_hint = false} : vector<10000x128xf32>, vector<128x128xf32>, vector<10000x128xf32> -> vector<10000x128xf32>
    %mul3A = vector.broadcast %rsqrt3A : vector<10000x1xf32> to vector<10000x128xf32>
    %mul3A_15 = arith.mulf %dot_general3A_14, %mul3A : vector<10000x128xf32>
    %swap3A = arith.constant 0 : index
    %swap3A_16 = arith.constant 0 : index
    %swap3A_17 = vector.load %arg3[%swap3A, %swap3A_16] : memref<10000x128xf32, #tpu.memory_space<vmem>>, vector<10000x128xf32>
    tpu.vector_store %arg3[%swap3A, %swap3A_16], %mul3A_15 {strides = array<i32>} : memref<10000x128xf32, #tpu.memory_space<vmem>>, vector<10000x128xf32>,
    %broadcast_in_dim3A = vector.shape_cast %rsqrt3A : vector<10000x1xf32> to vector<10000x1xf32>
    %broadcast_in_dim3A_18 = vector.broadcast %broadcast_in_dim3A : vector<10000x1xf32> to vector<10000x128xf32>
    %swap3A_19 = arith.constant 0 : index
    %swap3A_20 = arith.constant 0 : index
    %swap3A_21 = vector.load %arg4[%swap3A_19, %swap3A_20] : memref<10000x128xf32, #tpu.memory_space<vmem>>, vector<10000x128xf32>
    tpu.vector_store %arg4[%swap3A_19, %swap3A_20], %broadcast_in_dim3A_18 {strides = array<i32>} : memref<10000x128xf32, #tpu.memory_space<vmem>>, vector<10000x128xf32>,
    return
  }
}

module attributes {stable_mosaic.version = 14 : i64} {
  func.func @_tc_back_body(%arg0: memref<2x10240x128xf32, #tpu.memory_space<vmem>>, %arg1: memref<10000x128xf32, #tpu.memory_space<vmem>>, %arg2: memref<10000x128xf32, #tpu.memory_space<vmem>>, %arg3: memref<1x128xf32, #tpu.memory_space<vmem>>, %arg4: memref<10000x128xf32, #tpu.memory_space<vmem>>) attributes {dimension_semantics = [], scalar_prefetch = 0 : i64, scratch_operands = 0 : i64, tpu.core_type = #tpu.core_type<tc>} {
    %get3A = arith.constant 0 : index
    %get3A_0 = arith.constant 0 : index
    %get3A_1 = vector.load %arg2[%get3A, %get3A_0] : memref<10000x128xf32, #tpu.memory_space<vmem>>, vector<10000x128xf32>
    %get3A_2 = arith.constant 0 : index
    %get3A_3 = arith.constant 0 : index
    %get3A_4 = arith.constant 0 : index
    %get3A_5 = vector.load %arg0[%get3A_2, %get3A_3, %get3A_4] : memref<2x10240x128xf32, #tpu.memory_space<vmem>>, vector<2x10000x128xf32>
    %slice3A = vector.extract_strided_slice %get3A_5 {offsets = [0, 0, 0], sizes = [1, 10000, 128], strides = [1, 1, 1]} : vector<2x10000x128xf32> to vector<1x10000x128xf32>
    %squeeze3A = vector.shape_cast %slice3A : vector<1x10000x128xf32> to vector<10000x128xf32>
    %slice3A_6 = vector.extract_strided_slice %get3A_5 {offsets = [1, 0, 0], sizes = [1, 10000, 128], strides = [1, 1, 1]} : vector<2x10000x128xf32> to vector<1x10000x128xf32>
    %squeeze3A_7 = vector.shape_cast %slice3A_6 : vector<1x10000x128xf32> to vector<10000x128xf32>
    %add3A = arith.addf %squeeze3A, %squeeze3A_7 : vector<10000x128xf32>
    %get3A_8 = arith.constant 0 : index
    %get3A_9 = arith.constant 0 : index
    %get3A_10 = vector.load %arg1[%get3A_8, %get3A_9] : memref<10000x128xf32, #tpu.memory_space<vmem>>, vector<10000x128xf32>
    %add3A_11 = arith.addf %add3A, %get3A_10 : vector<10000x128xf32>
    %mul3A = arith.mulf %get3A_1, %add3A_11 : vector<10000x128xf32>
    %get3A_12 = arith.constant 0 : index
    %get3A_13 = arith.constant 0 : index
    %get3A_14 = vector.load %arg3[%get3A_12, %get3A_13] : memref<1x128xf32, #tpu.memory_space<vmem>>, vector<1x128xf32>
    %add3A_15 = vector.broadcast %get3A_14 : vector<1x128xf32> to vector<10000x128xf32>
    %add3A_16 = arith.addf %mul3A, %add3A_15 : vector<10000x128xf32>
    %swap3A = arith.constant 0 : index
    %swap3A_17 = arith.constant 0 : index
    %swap3A_18 = vector.load %arg4[%swap3A, %swap3A_17] : memref<10000x128xf32, #tpu.memory_space<vmem>>, vector<10000x128xf32>
    tpu.vector_store %arg4[%swap3A, %swap3A_17], %add3A_16 {strides = array<i32>} : memref<10000x128xf32, #tpu.memory_space<vmem>>, vector<10000x128xf32>,
    return
  }
}

</mosaic_0001>

<sc_bundles>
// kernel: kernel.11.cloned.1.call-start
scs
__scs_entry_jumppad:
0x0: {  	(pc) =	sbr.rel $0x88, $3  }
0x1: {  	(tag) =	ssettag $0x0;
	lr =	simm.s32 $0x1  }
0x2: {  	[smem:$0x3F99] =	sst lr;
	_ =	strace $0xD0000000  }
0x3: {  	_ = 	snop  }
0x4: {  	_ = 	snop  }
0x5: {  	_ = 	snop  }
0x6: {  	_ = 	snop  }
0x7: {  	_ = 	snop  }
__scs_overlays_trampoline_lowered:
0x8: {  	[smem:$0x3FA8] =	sst s0  }
0x9: {  	[smem:$0x3FA9] =	sst s1  }
0xa: {  	[smem:$0x3FAA] =	sst s2  }
0xb: {  	[smem:$0x3FAB] =	sst s3  }
0xc: {  	[smem:$0x3FAC] =	sst s4  }
0xd: {  	[smem:$0x3FAD] =	sst s5  }
0xe: {  	[smem:$0x3FAE] =	sst s6  }
0xf: {  	[smem:$0x3FAF] =	sst s7  }
0x10: {  	[smem:$0x3FB0] =	sst s8  }
0x11: {  	[smem:$0x3FB1] =	sst s9;
	s0 =	simm.s32 @!p0 $0x0  }
0x12: {  	s1 =	sld [smem:$0x3F97];
	s0 =	simm.s32 @p0 $0x1  }
0x13: {  	[smem:$0x3FB2] =	sst s0;
	s0 =	simm.s32 @!p1 $0x0  }
0x14: {  	s2 =	sld [smem:$0x3F96];
	s0 =	simm.s32 @p1 $0x1  }
0x15: {  	[smem:$0x3FB3] =	sst s0;
	s0 =	simm.s32 @!p2 $0x0  }
0x16: {  	s3 =	sld [smem:$0x3FDB];
	s0 =	simm.s32 @p2 $0x1  }
0x17: {  	s4 =	simm.s32 $0x1BF5;
	[smem:$0x3FB5] =	sst s0  }
0x18: {  	s0 =	sld [smem:$0x3F98];
	_ =	swait.ge [sflag:s4], $0x0  }
0x19: {  	s7 =	sld [smem:$0x3F99]  }
0x1a: {  	s8 =	sadd.s32 $0xFFFFE003, lr  }
0x1b: {  	s9 =	sadd.s32 $0xFFFFFEF7, lr;
	s5 =	simm.s32 $0xFFFFFFFF;
	p2 =	slt.u32 s8, $0xFFFFF086  }
0x1c: {  	p1 =	slt.u32 s9, $0xF7A;
	s5 =	simm.s32 @!p2 $0x0  }
0x1d: {  	s5 =	simm.s32 @p1 $0x1;
	p0 =	seq.s32 s7, s2  }
0x1e: {  	s7 =	smul.u32 @!p0 $0xF7A, s2;
	p2 =	seq.s32 @!p0 s5, $0x0  }
0x1f: {  	s9 =	smul.u32 $0xF7A, s1;
	s8 =	simm.s32 @!p0 $0x1BF5;
	p2 =	por !p2, p0  }
0x20: {  	[sflag:s8] =	ssyncset.s32 @!p0 $0xFFFFF086;
	s6 =	sadd.s32 @!p0 s3, s7;
	s7 =	simm.s32 @!p0 $0x108  }
0x21: {  	s3 =	sadd.s32 s3, s9;
	s6 =	sadd.s32 @!p0 $0x88, s6;
	s7 =	simm.s32 @p2 $0x1082  }
0x22: {  	[simem:s7], [sflag:s8] =	dma.local @!p0 [hbm:s6], $0xF7A  }
0x23: {  	s9 =	sor.u32 $0xD0000000, s2;
	s6 =	simm.s32 $0x108;
	_ =	swait.ge @!p0 [sflag:s8], $0x0  }
0x24: {  	s3 =	sadd.s32 $0x88, s3;
	s6 =	simm.s32 @!p1 $0x1082;
	[sflag:s4] =	ssyncset.s32 $0xFFFFF086  }
0x25: {  	[simem:s6], [sflag:s4] =	dma.local [hbm:s3], $0xF7A  }
0x26: {  	[smem:$0x3F99] =	sst s1;
	(tag) =	ssettag s2;
	_ =	strace s9  }
0x27: {  	s1 =	sld [smem:$0x3FA9]  }
0x28: {  	s2 =	sld [smem:$0x3FAA]  }
0x29: {  	s4 =	sld [smem:$0x3FAC]  }
0x2a: {  	p0 =	seq.s32 s5, $0x0;
	s5 =	sld [smem:$0x3FAD]  }
0x2b: {  	s6 =	sld [smem:$0x3FAE]  }
0x2c: {  	s7 =	sld [smem:$0x3FAF]  }
0x2d: {  	s3 =	simm.s32 $0x108;
	s8 =	sld [smem:$0x3FB0]  }
0x2e: {  	s3 =	simm.s32 @!p0 $0x1082;
	s9 =	sld [smem:$0x3FB1]  }
0x2f: {  	lr =	sadd.s32 s0, s3;
	s0 =	sld [smem:$0x3FA8]  }
0x30: {  	s3 =	sld [smem:$0x3FAB]  }
0x31: {  	[smem:$0x3FB4] =	sst s10  }
0x32: {  	s10 =	sld [smem:$0x3FB2];
	_ =	sdelay $0x3  }
0x33: {  	p0 =	seq.s32 s10, $0x1;
	s10 =	sld [smem:$0x3FB4];
	_ =	sdelay $0x3  }
0x34: {  	[smem:$0x3FB4] =	sst s10  }
0x35: {  	s10 =	sld [smem:$0x3FB3];
	_ =	sdelay $0x3  }
0x36: {  	p1 =	seq.s32 s10, $0x1;
	s10 =	sld [smem:$0x3FB4];
	_ =	sdelay $0x3  }
0x37: {  	[smem:$0x3FB4] =	sst s10  }
0x38: {  	s10 =	sld [smem:$0x3FB5]  }
0x39: {  	_ = 	snop;
	(pc) =	sbr.ind lr, $3  }
0x3a: {  	_ = 	snop  }
0x3b: {  	_ = 	snop  }
0x3c: {  	p2 =	seq.s32 s10, $0x1;
	s10 =	sld [smem:$0x3FB4]  }
0x3d: {  	_ =	shalt  }
0x3e: {  	_ =	shalt  }
0x3f: {  	_ =	shalt  }
0x40: {  	_ =	shalt  }
0x41: {  	_ =	shalt  }
0x42: {  	_ =	shalt  }
0x43: {  	_ =	shalt  }
0x44: {  	_ =	shalt  }
0x45: {  	_ =	shalt  }
0x46: {  	_ =	shalt  }
0x47: {  	_ =	shalt  }
0x48: {  	_ =	shalt  }
0x49: {  	_ =	shalt  }
0x4a: {  	_ =	shalt  }
0x4b: {  	_ =	shalt  }
0x4c: {  	_ =	shalt  }
0x4d: {  	_ =	shalt  }
0x4e: {  	_ =	shalt  }
0x4f: {  	_ =	shalt  }
0x50: {  	_ =	shalt  }
0x51: {  	_ =	shalt  }
0x52: {  	_ =	shalt  }
0x53: {  	_ =	shalt  }
0x54: {  	_ =	shalt  }
0x55: {  	_ =	shalt  }
0x56: {  	_ =	shalt  }
0x57: {  	_ =	shalt  }
0x58: {  	_ =	shalt  }
0x59: {  	_ =	shalt  }
0x5a: {  	_ =	shalt  }
0x5b: {  	_ =	shalt  }
0x5c: {  	_ =	shalt  }
0x5d: {  	_ =	shalt  }
0x5e: {  	_ =	shalt  }
0x5f: {  	_ =	shalt  }
0x60: {  	_ =	shalt  }
0x61: {  	_ =	shalt  }
0x62: {  	_ =	shalt  }
0x63: {  	_ =	shalt  }
0x64: {  	_ =	shalt  }
0x65: {  	_ =	shalt  }
0x66: {  	_ =	shalt  }
0x67: {  	_ =	shalt  }
0x68: {  	_ =	shalt  }
0x69: {  	_ =	shalt  }
0x6a: {  	_ =	shalt  }
0x6b: {  	_ =	shalt  }
0x6c: {  	_ =	shalt  }
0x6d: {  	_ =	shalt  }
0x6e: {  	_ =	shalt  }
0x6f: {  	_ =	shalt  }
0x70: {  	_ =	shalt  }
0x71: {  	_ =	shalt  }
0x72: {  	_ =	shalt  }
0x73: {  	_ =	shalt  }
0x74: {  	_ =	shalt  }
0x75: {  	_ =	shalt  }
0x76: {  	_ =	shalt  }
0x77: {  	_ =	shalt  }
0x78: {  	_ =	shalt  }
0x79: {  	_ =	shalt  }
0x7a: {  	_ =	shalt  }
0x7b: {  	_ =	shalt  }
0x7c: {  	_ =	shalt  }
0x7d: {  	_ =	shalt  }
0x7e: {  	_ =	shalt  }
0x7f: {  	_ =	shalt  }
0x80: {  	_ =	shalt  }
0x81: {  	_ =	shalt  }
0x82: {  	_ =	shalt  }
0x83: {  	_ =	shalt  }
0x84: {  	_ =	shalt  }
0x85: {  	_ =	shalt  }
0x86: {  	_ =	shalt  }
0x87: {  	_ =	shalt  }
.Lfunc_end0:
.L_simem_size_0:
called_computation.1_lowered:
.L_overlay_start_0:
0x88: {  	s2 =	sld [smem:$0x3FD9]  }
0x89: {  	s3 =	sld [smem:$0x3FFE];
	_ =	sdelay $0x1  }
0x8a: {  	s1 =	srdreg.scid  }
0x8b: {  	s0 =	sand.u32 $0x1, s1  }
0x8c: {  	s17 =	sshll.u32 s0, $0xA;
	s2 =	sadd.s32 s3, s2  }
0x8d: {  	s2 =	sadd.s32 s2, s17  }
0x8e: {  	[smem:$0x3FC0] =	sst s2  }
0x8f: {  	_ = 	snop  }
0x90: {  	s2 =	sld [smem:$0x3FD0];
	(tm) =	ssettm $0x1  }
0x91: {  	s18 =	sld [smem:$0x3FFB];
	_ =	sdelay $0x3  }
0x92: {  	_ =	strace s18  }
0x93: {  	s3 =	sld [smem:$0x3FFC];
	_ =	sdelay $0x3  }
0x94: {  	_ =	strace s3  }
0x95: {  	s3 =	sld [smem:$0x3FFD];
	_ =	sdelay $0x3  }
0x96: {  	_ =	strace s3  }
0x97: {  	_ =	strace $0x8FFFFFFF  }
0x98: {  	s19 =	sld [smem:$0x3FDB];
	_ =	sdelay $0x1  }
0x99: {  	s4 =	simm.s32 $_scs_section_size  }
0x9a: {  	s5 =	simm.s32 $_size__tile_overlayer_lowered;
	s6 =	simm.s32 $_tile_overlayer_lowered  }
0x9b: {  	s22 =	simm.s32 $0x1BFF;
	s21 =	sshll.u32 s6, $0x1;
	s3 =	sadd.s32 s4, s19  }
0x9c: {  	s7 =	simm.s32 $0x0;
	s20 =	sshll.u32 s5, $0x1;
	s5 =	sadd.s32 s21, s3  }
0x9d: {  	[timem:s7], [sflag:s22] =	dma.local [hbm:s5], s20  }
0x9e: {  	_ =	swait.ge [sflag:s22], s20  }
0x9f: {  	s4 =	ssub.s32 $0x0, s20;
	[sflag:s22] =	ssyncset.done $0x0  }
0xa0: {  	[sflag:s22] =	ssyncadd.s32 s4;
	_ =	sdelay $0x1  }
0xa1: {  	s23 =	simm.s32 $0x1B8B  }
0xa2: {  	_ =	swait.ge [sflag:s23], $0x1  }
0xa3: {  	[sflag:s23] =	ssyncset.done $0x0  }
0xa4: {  	s25 =	simm.s32 $0x1B8E;
	s24 =	sld [smem:$0x3FFE];
	[sflag:s23] =	ssyncadd.s32 $0xFFFFFFFF  }
0xa5: {  	s26 =	simm.s32 $execute0_lowered;
	[smem:$0x3FD2] =	sst s25  }
0xa6: {  	s5 =	sshll.u32 s26, $0x1;
	_ =	strace $0x80000049;
	[dreg:$0x1] =	wrdreg $0xFFFFFFFF  }
0xa7: {  	s28 =	simm.s32 $_size_execute0_lowered;
	s3 =	sadd.s32 s3, s5;
	[dreg:$0x0] =	wrdreg $0x0  }
0xa8: {  	s5 =	sshll.u32 s28, $0x1;
	[dreg:$0x2] =	wrdreg s3  }
0xa9: {  	[dreg:$0x3] =	wrdreg s5  }
0xaa: {  	[dreg:$0x4] =	wrdreg $0xC0  }
0xab: {  	_ =	task [dreg:s7], $0x5FFFF  }
0xac: {  	[dreg:$0x1] =	wrdreg $0xFFFFFFFF  }
0xad: {  	[dreg:$0x0] =	wrdreg $0x60  }
0xae: {  	[dreg:$0x2] =	wrdreg s2  }
0xaf: {  	[dreg:$0x3] =	wrdreg s24  }
0xb0: {  	[dreg:$0x4] =	wrdreg $0xA4000  }
0xb1: {  	[dreg:$0x5] =	wrdreg $0x9  }
0xb2: {  	_ =	task.clear_ibuf [dreg:s7], $0x6FFFF;
	_ =	strace $0x90000049  }
0xb3: {  	s29 =	simm.s32 $0x9;
	_ =	strace $0x8000004B  }
0xb4: {  	_ =	swait.ge [sflag:s29], $0x1  }
0xb5: {  	[sflag:s29] =	ssyncadd.s32 $0xFFFFFFFF  }
0xb6: {  	_ =	strace $0x9000004B  }
0xb7: {  	_ =	sfence  }
0xb8: {  	s30 =	sld [smem:$0x0];
	_ =	sdelay $0x2  }
0xb9: {  	s31 =	sshll.u32 s1, $0xD;
	s1 =	sshrl.u32 s1, $0x2  }
0xba: {  	s3 =	sand.u32 $0x4000, s31;
	s1 =	sadd.s32 s1, s30  }
0xbb: {  	s0 =	sor.u32 s3, s0;
	s1 =	sshll.u32 s1, $0x11  }
0xbc: {  	s0 =	sor.u32 s1, s0  }
0xbd: {  	s0 =	sadd.s32 $0x8F2B, s0  }
0xbe: {  	[sflag:s0] =	ssyncadd.remote.s32 $0x1  }
0xbf: {  	_ =	sfence.sel $0xFFFF  }
0xc0: {  	[dreg:$0x0] =	wrdreg $0xFFFFFFFF;
	(pc) =	sbr.abs _section_cstart, $3  }
0xc1: {  	[dreg:$0x1] =	wrdreg $0xFFFFFFFF  }
0xc2: {  	_ =	task.clear_ibuf [dreg:s7], $0x2FFFF;
	_ =	strace $0x9FFFFFFF  }
0xc3: {  	(tm) =	ssettm $0x7FFFFFFF  }
tec
execute0_lowered:
.L_overlay_start_1:
0x0: {  	(tag) =	ssettag $0x1  }
0x1: {  	s2 =	rddreg [dreg:$0x0]  }
0x2: {  	s0 =	rddreg [dreg:$0x1]  }
0x3: {  	s3 =	rddreg [dreg:$0x2];
	s11 =	stileid.u32  }
0x4: {  	s1 =	srdreg.scid;
	s4 =	simm.s32 $0x0;
	s30 =	simm.s32 $0x200  }
0x5: {  	s31 =	simm.s32 $0x280;
	s28 =	simm.s32 $0x8;
	s5 =	smul.u32 $0x14000, s11  }
0x6: {  	s1 =	sand.u32 $0x1, s1;
	[smem:$0x7FF] =	sst s4;
	s10 =	smul.u32 $0x50000, s11  }
0x7: {  	s12 =	sadd.s32 $0x2600, s0;
	s16 =	sshll.u32 s11, $0x6;
	s19 =	smul.u32 $0x2710, s11  }
0x8: {  	s6 =	smul.u32 $0x140000, s1;
	_ =	strace $0x8000004A;
	s8 =	ssub.s32 $0x2, s1  }
0x9: {  	s9 =	sshll.u32 s1, $0x4;
	[dreg:$0x6] =	wrdreg s16;
	s1 =	smul.u32 $0x27100, s1  }
0xa: {  	s7 =	sshrl.u32 s5, $0x3;
	s13 =	sshrl.u32 s8, $0x1;
	s9 =	sor.u32 s11, s9  }
0xb: {  	s15 =	sshrl.u32 s10, $0x2;
	s10 =	simm.s32 $0x2C00;
	s11 =	simm.s32 $0x7  }
0xc: {  	s5 =	sadd.s32 s5, s6;
	s6 =	sadd.s32 $0xC400, s0;
	s7 =	sadd.s32 s7, s0  }
0xd: {  	s14 =	smul.u32 $0x2710, s9;
	s9 =	sadd.s32 s15, s3;
	s1 =	sadd.s32 s19, s1  }
0xe: {  	s15 =	simm.s32 $0x3;
	s19 =	simm.s32 $0x7C00;
	s5 =	sshrl.u32 s5, $0x3  }
0xf: {  	[dreg:$0x4] =	wrdreg s9;
	s7 =	sadd.s32 $0x16800, s7;
	s23 =	sadd.s32 $0x190, s1  }
0x10: {  	s24 =	sadd.s32 $0x140, s1;
	s26 =	sadd.s32 $0x1E0, s1;
	s1 =	sadd.s32 $0xF0, s1  }
0x11: {  	s9 =	simm.s32 $0x5;
	s0 =	sadd.s32 s5, s0;
	s5 =	ssub.s32 s8, s13  }
0x12: {  	[dreg:$0x5] =	wrdreg s7;
	s7 =	sor.u32 $0x1C09, s16;
	s17 =	sshrl.u32 s14, $0x3  }
0x13: {  	[dreg:$0x10] =	wrdreg s24;
	s29 =	sshrl.u32 s26, $0x3;
	s1 =	sshrl.u32 s1, $0x3  }
0x14: {  	s26 =	simm.s32 $0x80;
	s13 =	simm.s32 $0x300;
	s14 =	simm.s32 $0x380  }
0x15: {  	s16 =	simm.s32 $0x5400;
	[dreg:$0x7] =	wrdreg s7;
	s8 =	sadd.s32 s12, s17  }
0x16: {  	s18 =	sadd.s32 $0xA, s17;
	s20 =	sadd.s32 s6, s17;
	[dreg:$0x8] =	wrdreg s8  }
0x17: {  	s7 =	sadd.s32 $0x14, s17;
	s0 =	sadd.s32 $0x3E800, s0;
	[dreg:$0x9] =	wrdreg s20  }
0x18: {  	s5 =	smax.u32 s5, $0x1;
	s24 =	sadd.s32 s1, s6;
	[dreg:$0xe] =	wrdreg s0  }
0x19: {  	s17 =	simm.s32 $0x6;
	s21 =	sadd.s32 s12, s18;
	[dreg:$0xf] =	wrdreg s5  }
0x1a: {  	s8 =	sadd.s32 s6, s18;
	s22 =	sadd.s32 s12, s7;
	[dreg:$0xa] =	wrdreg s21  }
0x1b: {  	s7 =	sadd.s32 s6, s7;
	s0 =	sshrl.u32 s23, $0x3;
	[dreg:$0xb] =	wrdreg s8  }
0x1c: {  	s5 =	sadd.s32 s29, s6;
	s23 =	smov.u32 s12;
	[dreg:$0xc] =	wrdreg s22  }
0x1d: {  	s18 =	simm.s32 $0x4;
	[dreg:$0xd] =	wrdreg s7;
	s25 =	sadd.s32 s0, s6  }
.Ltmp0:
0x1e: {  	s0 =	sadd.s32 s0, s12;
	[dreg:$0x13] =	wrdreg s5;
	(pc) =	sbr.rel .LBB2_1-.Ltmp0, $4  }
0x1f: {  	s21 =	smov.u32 s6;
	s7 =	simm.s32 $0x400;
	[dreg:$0x11] =	wrdreg s25  }
0x20: {  	s8 =	simm.s32 $0x2;
	s6 =	simm.s32 $0x0;
	[dreg:$0x12] =	wrdreg s0  }
0x21: {  	s0 =	sadd.s32 s29, s12;
	s25 =	sadd.s32 s1, s12;
	s1 =	simm.s32 $0x50  }
0x22: {  	s12 =	simm.s32 $0xA;
	[dreg:$0x14] =	wrdreg s0;
	s0 =	simm.s32 $0x1  }
.LBB2_4:
0x23: {  	_ =	swait.ge [sflag:s9], $0x2800  }
0x24: {  	[sflag:s9] =	ssyncset.done $0x0  }
0x25: {  	[sflag:s9] =	ssyncadd.s32 $0xFFFFD800  }
0x26: {  	[spmem:s3] =	stream.indirect.scatter.add.f32 [tilespmem:s7], [sflag:$0xA], $0x80, s26, s1, $0xb8;
	[tilespmem:$0x1E400] =	vst v63  }
0x27: {  	_ =	swait.ge [sflag:s12], $0x2800  }
0x28: {  	[sflag:s12] =	ssyncset.done $0x0  }
0x29: {  	[sflag:s12] =	ssyncadd.s32 $0xFFFFD800  }
0x2a: {  	[bflag:$0x0] =	sbarrier.arrive $0xFFFF  }
0x2b: {  	s5 =	rddreg [dreg:$0x6]  }
0x2c: {  	s6 =	rddreg [dreg:$0xe]  }
0x2d: {  	s20 =	rddreg [dreg:$0x16];
	s5 =	sor.u32 $0x1C0A, s5  }
0x2e: {  	[hbm:s6], [sflag:s5] =	dma.local [spmem:s20], $0x2800  }
0x2f: {  	_ =	swait.ge [sflag:s12], $0x2800  }
0x30: {  	s22 =	rddreg [dreg:$0x15]  }
0x31: {  	s29 =	rddreg [dreg:$0xf];
	s6 =	sadd.s32 $0x1, s22  }
0x32: {  	p0 =	sne.s32 s6, s29  }
.Ltmp1:
0x33: {  	_ = 	snop;
	(pc) =	sbr.rel @!p0 .LBB2_5-.Ltmp1, $3  }
0x34: {  	_ =	sdelay $0x1  }
0x35: {  	[sflag:s12] =	ssyncset.done $0x0  }
0x36: {  	[sflag:s12] =	ssyncadd.s32 $0xFFFFD800  }
.LBB2_1:
0x37: {  	[dreg:$0x15] =	wrdreg s6  }
0x38: {  	s5 =	rddreg [dreg:$0x4]  }
0x39: {  	s6 =	rddreg [dreg:$0x5]  }
0x3a: {  	s22 =	rddreg [dreg:$0x7];
	s20 =	sshrl.u32 s5, $0x3  }
0x3b: {  	[dreg:$0x16] =	wrdreg s20  }
0x3c: {  	[spmem:s20], [sflag:s22] =	dma.local [hbm:s6], $0x2800  }
0x3d: {  	s5 =	rddreg [dreg:$0x8]  }
0x3e: {  	[tilespmem:s4], [sflag:$0x1] =	stream.linear.gather [hbm4b:s5+s4], $0x50, $0x38;
	[tilespmem:$0x1E400] =	vst v63  }
0x3f: {  	s20 =	rddreg [dreg:$0x9]  }
0x40: {  	[tilespmem:s26], [sflag:$0x1] =	stream.linear.gather [hbm4b:s20+s4], $0x50, $0x38;
	[tilespmem:$0x1E400] =	vst v63  }
0x41: {  	s6 =	simm.s32 $0x100;
	s22 =	rddreg [dreg:$0xa]  }
0x42: {  	[tilespmem:s6], [sflag:$0x2] =	stream.linear.gather [hbm4b:s22+s4], $0x50, $0x38;
	[tilespmem:$0x1E400] =	vst v63  }
0x43: {  	s20 =	rddreg [dreg:$0xb];
	s22 =	simm.s32 $0x180  }
0x44: {  	[tilespmem:s22], [sflag:$0x2] =	stream.linear.gather [hbm4b:s20+s4], $0x50, $0x38;
	[tilespmem:$0x1E400] =	vst v63  }
0x45: {  	s22 =	rddreg [dreg:$0xc]  }
0x46: {  	[tilespmem:s30], [sflag:$0x3] =	stream.linear.gather [hbm4b:s22+s4], $0x50, $0x38;
	[tilespmem:$0x1E400] =	vst v63  }
0x47: {  	s20 =	rddreg [dreg:$0xd]  }
0x48: {  	[tilespmem:s31], [sflag:$0x3] =	stream.linear.gather [hbm4b:s20+s4], $0x50, $0x38;
	[tilespmem:$0x1E400] =	vst v63  }
0x49: {  	_ =	swait.ge [sflag:s0], $0x50  }
0x4a: {  	[sflag:s0] =	ssyncset.done $0x0  }
0x4b: {  	[sflag:s0] =	ssyncadd.s32 $0xFFFFFFB0  }
0x4c: {  	_ =	swait.ge [sflag:s0], $0x50  }
0x4d: {  	[sflag:s0] =	ssyncset.done $0x0  }
0x4e: {  	[sflag:s0] =	ssyncadd.s32 $0xFFFFFFB0  }
0x4f: {  	[tilespmem:s7], [sflag:$0x5] =	stream.indirect.gather [hbm4b:s2+s1], $0x80, s4, s1, $0xb8;
	[tilespmem:$0x1E400] =	vst v63  }
0x50: {  	_ =	swait.ge [sflag:s8], $0x50  }
0x51: {  	[sflag:s8] =	ssyncset.done $0x0  }
0x52: {  	[sflag:s8] =	ssyncadd.s32 $0xFFFFFFB0  }
0x53: {  	_ =	swait.ge [sflag:s8], $0x50  }
0x54: {  	[sflag:s8] =	ssyncset.done $0x0  }
0x55: {  	s22 =	simm.s32 $0x9;
	[sflag:s8] =	ssyncadd.s32 $0xFFFFFFB0  }
0x56: {  	[tilespmem:s10], [sflag:$0x6] =	stream.indirect.gather [hbm4b:s2+s1], $0x80, s6, s1, $0xb8;
	[tilespmem:$0x1E400] =	vst v63  }
0x57: {  	_ =	swait.ge [sflag:s22], $0x2800  }
0x58: {  	[sflag:s22] =	ssyncset.done $0x0  }
0x59: {  	[sflag:s22] =	ssyncadd.s32 $0xFFFFD800  }
0x5a: {  	[bflag:$0x0] =	sbarrier.arrive $0xFFFF  }
0x5b: {  	s5 =	simm.s32 $0x0;
	s29 =	rddreg [dreg:$0x10]  }
.LBB2_2:
0x5c: {  	_ =	swait.ge [sflag:s9], $0x2800  }
0x5d: {  	[sflag:s9] =	ssyncset.done $0x0  }
0x5e: {  	[sflag:s9] =	ssyncadd.s32 $0xFFFFD800  }
0x5f: {  	[spmem:s3] =	stream.indirect.scatter.add.f32 [tilespmem:s7], [sflag:$0xA], $0x80, s26, s1, $0xb8;
	[tilespmem:$0x1E400] =	vst v63  }
0x60: {  	_ =	swait.ge [sflag:s12], $0x2800  }
0x61: {  	[sflag:s12] =	ssyncset.done $0x0  }
0x62: {  	s6 =	sadd.s32 s5, s25;
	[sflag:s12] =	ssyncadd.s32 $0xFFFFD800  }
0x63: {  	[tilespmem:s13], [sflag:$0x4] =	stream.linear.gather [hbm4b:s6+s4], $0x50, $0x38;
	[tilespmem:$0x1E400] =	vst v63  }
0x64: {  	s22 =	sadd.s32 s5, s24  }
0x65: {  	[tilespmem:s14], [sflag:$0x4] =	stream.linear.gather [hbm4b:s22+s4], $0x50, $0x38;
	[tilespmem:$0x1E400] =	vst v63  }
0x66: {  	_ =	swait.ge [sflag:s15], $0x50  }
0x67: {  	[sflag:s15] =	ssyncset.done $0x0  }
0x68: {  	[sflag:s15] =	ssyncadd.s32 $0xFFFFFFB0  }
0x69: {  	_ =	swait.ge [sflag:s15], $0x50  }
0x6a: {  	[sflag:s15] =	ssyncset.done $0x0  }
0x6b: {  	[sflag:s15] =	ssyncadd.s32 $0xFFFFFFB0  }
0x6c: {  	[tilespmem:s16], [sflag:$0x7] =	stream.indirect.gather [hbm4b:s2+s1], $0x80, s30, s1, $0xb8;
	[tilespmem:$0x1E400] =	vst v63  }
0x6d: {  	_ =	swait.ge [sflag:s17], $0x2800  }
0x6e: {  	[sflag:s17] =	ssyncset.done $0x0  }
0x6f: {  	s20 =	simm.s32 $0x180;
	[sflag:s17] =	ssyncadd.s32 $0xFFFFD800  }
0x70: {  	[spmem:s3] =	stream.indirect.scatter.add.f32 [tilespmem:s10], [sflag:$0xA], $0x80, s20, s1, $0xb8;
	[tilespmem:$0x1E400] =	vst v63  }
0x71: {  	_ =	swait.ge [sflag:s12], $0x2800  }
0x72: {  	s22 =	sshrl.u32 s29, $0x3;
	[sflag:s12] =	ssyncset.done $0x0  }
0x73: {  	s20 =	sadd.s32 s23, s22;
	[sflag:s12] =	ssyncadd.s32 $0xFFFFD800  }
0x74: {  	[tilespmem:s4], [sflag:$0x1] =	stream.linear.gather [hbm4b:s20+s4], $0x50, $0x38;
	[tilespmem:$0x1E400] =	vst v63  }
0x75: {  	s6 =	sadd.s32 s21, s22  }
0x76: {  	[tilespmem:s26], [sflag:$0x1] =	stream.linear.gather [hbm4b:s6+s4], $0x50, $0x38;
	[tilespmem:$0x1E400] =	vst v63  }
0x77: {  	_ =	swait.ge [sflag:s18], $0x50  }
0x78: {  	[sflag:s18] =	ssyncset.done $0x0  }
0x79: {  	[sflag:s18] =	ssyncadd.s32 $0xFFFFFFB0  }
0x7a: {  	_ =	swait.ge [sflag:s18], $0x50  }
0x7b: {  	[sflag:s18] =	ssyncset.done $0x0  }
0x7c: {  	[sflag:s18] =	ssyncadd.s32 $0xFFFFFFB0  }
0x7d: {  	[tilespmem:s19], [sflag:$0x8] =	stream.indirect.gather [hbm4b:s2+s1], $0x80, s13, s1, $0xb8;
	[tilespmem:$0x1E400] =	vst v63  }
0x7e: {  	_ =	swait.ge [sflag:s11], $0x2800  }
0x7f: {  	[sflag:s11] =	ssyncset.done $0x0  }
0x80: {  	[sflag:s11] =	ssyncadd.s32 $0xFFFFD800  }
0x81: {  	[spmem:s3] =	stream.indirect.scatter.add.f32 [tilespmem:s16], [sflag:$0xA], $0x80, s31, s1, $0xb8;
	[tilespmem:$0x1E400] =	vst v63  }
0x82: {  	p0 =	seq.s32 s5, $0x4B0;
	_ =	swait.ge [sflag:s12], $0x2800  }
0x83: {  	s22 =	simm.s32 @!p0 $0x100;
	[sflag:s12] =	ssyncset.done $0x0;
	s6 =	rddreg [dreg:$0x12]  }
0x84: {  	s20 =	simm.s32 @!p0 $0x0;
	[sflag:s12] =	ssyncadd.s32 $0xFFFFD800;
	s6 =	sadd.s32 @!p0 s5, s6  }
0x85: {  	[tilespmem:s22], [sflag:$0x2] =	stream.linear.gather @!p0 [hbm4b:s6+s20], $0x50, $0x38;
	[tilespmem:$0x1E400] =	vst v63  }
0x86: {  	s6 =	rddreg [dreg:$0x11]  }
0x87: {  	s22 =	simm.s32 @!p0 $0x180;
	s6 =	sadd.s32 @!p0 s5, s6  }
0x88: {  	[tilespmem:s22], [sflag:$0x2] =	stream.linear.gather @!p0 [hbm4b:s6+s20], $0x50, $0x38;
	[tilespmem:$0x1E400] =	vst v63  }
0x89: {  	_ =	swait.ge [sflag:s0], $0x50  }
0x8a: {  	[sflag:s0] =	ssyncset.done $0x0  }
0x8b: {  	[sflag:s0] =	ssyncadd.s32 $0xFFFFFFB0  }
0x8c: {  	_ =	swait.ge [sflag:s0], $0x50  }
0x8d: {  	[sflag:s0] =	ssyncset.done $0x0  }
0x8e: {  	[sflag:s0] =	ssyncadd.s32 $0xFFFFFFB0  }
0x8f: {  	[tilespmem:s7], [sflag:$0x5] =	stream.indirect.gather [hbm4b:s2+s1], $0x80, s4, s1, $0xb8;
	[tilespmem:$0x1E400] =	vst v63  }
0x90: {  	_ =	swait.ge [sflag:s28], $0x2800  }
0x91: {  	[sflag:s28] =	ssyncset.done $0x0  }
.Ltmp2:
0x92: {  	[sflag:s28] =	ssyncadd.s32 $0xFFFFD800;
	(pc) =	sbr.rel @p0 .LBB2_4-.Ltmp2, $4  }
0x93: {  	[spmem:s3] =	stream.indirect.scatter.add.f32 [tilespmem:s19], [sflag:$0xA], $0x80, s14, s1, $0xb8;
	[tilespmem:$0x1E400] =	vst v63  }
0x94: {  	_ =	swait.ge [sflag:s12], $0x2800  }
0x95: {  	[sflag:s12] =	ssyncset.done $0x0  }
0x96: {  	[sflag:s12] =	ssyncadd.s32 $0xFFFFD800  }
0x97: {  	s6 =	rddreg [dreg:$0x14]  }
0x98: {  	s20 =	rddreg [dreg:$0x13];
	s6 =	sadd.s32 s5, s6  }
0x99: {  	[tilespmem:s30], [sflag:$0x3] =	stream.linear.gather [hbm4b:s6+s4], $0x50, $0x38;
	[tilespmem:$0x1E400] =	vst v63  }
0x9a: {  	s6 =	sadd.s32 s5, s20  }
0x9b: {  	[tilespmem:s31], [sflag:$0x3] =	stream.linear.gather [hbm4b:s6+s4], $0x50, $0x38;
	[tilespmem:$0x1E400] =	vst v63  }
0x9c: {  	_ =	swait.ge [sflag:s8], $0x50  }
0x9d: {  	[sflag:s8] =	ssyncset.done $0x0  }
.Ltmp3:
0x9e: {  	[sflag:s8] =	ssyncadd.s32 $0xFFFFFFB0;
	(pc) =	sbr.rel .LBB2_2-.Ltmp3, $4  }
0x9f: {  	_ =	swait.ge [sflag:s8], $0x50  }
0xa0: {  	s22 =	simm.s32 $0x100;
	[sflag:s8] =	ssyncset.done $0x0  }
0xa1: {  	s29 =	sadd.s32 $0x140, s29;
	s5 =	sadd.s32 $0x28, s5;
	[sflag:s8] =	ssyncadd.s32 $0xFFFFFFB0  }
0xa2: {  	[tilespmem:s10], [sflag:$0x6] =	stream.indirect.gather [hbm4b:s2+s1], $0x80, s22, s1, $0xb8;
	[tilespmem:$0x1E400] =	vst v63  }
.LBB2_5:
0xa3: {  	_ =	sfence.sel $0x180000  }
0xa4: {  	[bflag:$0x0] =	sbarrier.arrive $0xFFFF  }
0xa5: {  	_ =	strace $0x9000004A  }
0xa6: {  	s0 =	stileid.u32;
	[bflag:$0x2] =	sbarrier.arrive $0xFFFF  }
0xa7: {  	p0 =	sne.s32 s0, $0x0;
	s0 =	rddreg [dreg:$0x3]  }
0xa8: {  	s0 =	sadd.s32 @!p0 $0x100000, s0  }
0xa9: {  	[sflag:s0] =	ssyncadd.tile.s32 @!p0 $0x1;
	_ =	shalt  }
.Lfunc_end2:
_tile_overlayer_lowered:
.L_overlay_start_2:
0xaa: {  	(tag) =	ssettag $0x2  }
0xab: {  	s0 =	rddreg [dreg:$0x0];
	s2 =	stileid.u32  }
0xac: {  	s1 =	rddreg [dreg:$0x1];
	p0 =	sne.s32 s2, $0x0  }
0xad: {  	s3 =	rddreg [dreg:$0x2];
	[bflag:$0x3] =	sbarrier.arrive $0xFFFF;
	s2 =	simm.s32 @!p0 $0x1C0A  }
0xae: {  	[timem:s3], [sflag:s2] =	dma.local @!p0 [hbm:s0], s1  }
0xaf: {  	s0 =	simm.s32 @!p0 $0xA  }
0xb0: {  	_ =	swait.ge @!p0 [sflag:s0], s1  }
0xb1: {  	s1 =	ssub.s32 @!p0 $0x0, s1;
	[sflag:s0] =	ssyncset.done @!p0 $0x0  }
0xb2: {  	[sflag:s0] =	ssyncadd.s32 @!p0 s1  }
0xb3: {  	[bflag:$0x3] =	sbarrier.arrive $0xFFFF  }
0xb4: {  	_ =	shalt  }

// kernel: kernel.14.cloned.1.call-start
scs
__scs_entry_jumppad:
0x0: {  	(pc) =	sbr.rel $0x88, $3  }
0x1: {  	(tag) =	ssettag $0x0;
	lr =	simm.s32 $0x1  }
0x2: {  	[smem:$0x3F99] =	sst lr;
	_ =	strace $0xD0000000  }
0x3: {  	_ = 	snop  }
0x4: {  	_ = 	snop  }
0x5: {  	_ = 	snop  }
0x6: {  	_ = 	snop  }
0x7: {  	_ = 	snop  }
__scs_overlays_trampoline_lowered:
0x8: {  	[smem:$0x3FA8] =	sst s0  }
0x9: {  	[smem:$0x3FA9] =	sst s1  }
0xa: {  	[smem:$0x3FAA] =	sst s2  }
0xb: {  	[smem:$0x3FAB] =	sst s3  }
0xc: {  	[smem:$0x3FAC] =	sst s4  }
0xd: {  	[smem:$0x3FAD] =	sst s5  }
0xe: {  	[smem:$0x3FAE] =	sst s6  }
0xf: {  	[smem:$0x3FAF] =	sst s7  }
0x10: {  	[smem:$0x3FB0] =	sst s8  }
0x11: {  	[smem:$0x3FB1] =	sst s9;
	s0 =	simm.s32 @!p0 $0x0  }
0x12: {  	s1 =	sld [smem:$0x3F97];
	s0 =	simm.s32 @p0 $0x1  }
0x13: {  	[smem:$0x3FB2] =	sst s0;
	s0 =	simm.s32 @!p1 $0x0  }
0x14: {  	s2 =	sld [smem:$0x3F96];
	s0 =	simm.s32 @p1 $0x1  }
0x15: {  	[smem:$0x3FB3] =	sst s0;
	s0 =	simm.s32 @!p2 $0x0  }
0x16: {  	s3 =	sld [smem:$0x3FDB];
	s0 =	simm.s32 @p2 $0x1  }
0x17: {  	s4 =	simm.s32 $0x1BF5;
	[smem:$0x3FB5] =	sst s0  }
0x18: {  	s0 =	sld [smem:$0x3F98];
	_ =	swait.ge [sflag:s4], $0x0  }
0x19: {  	s7 =	sld [smem:$0x3F99]  }
0x1a: {  	s8 =	sadd.s32 $0xFFFFE003, lr  }
0x1b: {  	s9 =	sadd.s32 $0xFFFFFEF7, lr;
	s5 =	simm.s32 $0xFFFFFFFF;
	p2 =	slt.u32 s8, $0xFFFFF086  }
0x1c: {  	p1 =	slt.u32 s9, $0xF7A;
	s5 =	simm.s32 @!p2 $0x0  }
0x1d: {  	s5 =	simm.s32 @p1 $0x1;
	p0 =	seq.s32 s7, s2  }
0x1e: {  	s7 =	smul.u32 @!p0 $0xF7A, s2;
	p2 =	seq.s32 @!p0 s5, $0x0  }
0x1f: {  	s9 =	smul.u32 $0xF7A, s1;
	s8 =	simm.s32 @!p0 $0x1BF5;
	p2 =	por !p2, p0  }
0x20: {  	[sflag:s8] =	ssyncset.s32 @!p0 $0xFFFFF086;
	s6 =	sadd.s32 @!p0 s3, s7;
	s7 =	simm.s32 @!p0 $0x108  }
0x21: {  	s3 =	sadd.s32 s3, s9;
	s6 =	sadd.s32 @!p0 $0x88, s6;
	s7 =	simm.s32 @p2 $0x1082  }
0x22: {  	[simem:s7], [sflag:s8] =	dma.local @!p0 [hbm:s6], $0xF7A  }
0x23: {  	s9 =	sor.u32 $0xD0000000, s2;
	s6 =	simm.s32 $0x108;
	_ =	swait.ge @!p0 [sflag:s8], $0x0  }
0x24: {  	s3 =	sadd.s32 $0x88, s3;
	s6 =	simm.s32 @!p1 $0x1082;
	[sflag:s4] =	ssyncset.s32 $0xFFFFF086  }
0x25: {  	[simem:s6], [sflag:s4] =	dma.local [hbm:s3], $0xF7A  }
0x26: {  	[smem:$0x3F99] =	sst s1;
	(tag) =	ssettag s2;
	_ =	strace s9  }
0x27: {  	s1 =	sld [smem:$0x3FA9]  }
0x28: {  	s2 =	sld [smem:$0x3FAA]  }
0x29: {  	s4 =	sld [smem:$0x3FAC]  }
0x2a: {  	p0 =	seq.s32 s5, $0x0;
	s5 =	sld [smem:$0x3FAD]  }
0x2b: {  	s6 =	sld [smem:$0x3FAE]  }
0x2c: {  	s7 =	sld [smem:$0x3FAF]  }
0x2d: {  	s3 =	simm.s32 $0x108;
	s8 =	sld [smem:$0x3FB0]  }
0x2e: {  	s3 =	simm.s32 @!p0 $0x1082;
	s9 =	sld [smem:$0x3FB1]  }
0x2f: {  	lr =	sadd.s32 s0, s3;
	s0 =	sld [smem:$0x3FA8]  }
0x30: {  	s3 =	sld [smem:$0x3FAB]  }
0x31: {  	[smem:$0x3FB4] =	sst s10  }
0x32: {  	s10 =	sld [smem:$0x3FB2];
	_ =	sdelay $0x3  }
0x33: {  	p0 =	seq.s32 s10, $0x1;
	s10 =	sld [smem:$0x3FB4];
	_ =	sdelay $0x3  }
0x34: {  	[smem:$0x3FB4] =	sst s10  }
0x35: {  	s10 =	sld [smem:$0x3FB3];
	_ =	sdelay $0x3  }
0x36: {  	p1 =	seq.s32 s10, $0x1;
	s10 =	sld [smem:$0x3FB4];
	_ =	sdelay $0x3  }
0x37: {  	[smem:$0x3FB4] =	sst s10  }
0x38: {  	s10 =	sld [smem:$0x3FB5]  }
0x39: {  	_ = 	snop;
	(pc) =	sbr.ind lr, $3  }
0x3a: {  	_ = 	snop  }
0x3b: {  	_ = 	snop  }
0x3c: {  	p2 =	seq.s32 s10, $0x1;
	s10 =	sld [smem:$0x3FB4]  }
0x3d: {  	_ =	shalt  }
0x3e: {  	_ =	shalt  }
0x3f: {  	_ =	shalt  }
0x40: {  	_ =	shalt  }
0x41: {  	_ =	shalt  }
0x42: {  	_ =	shalt  }
0x43: {  	_ =	shalt  }
0x44: {  	_ =	shalt  }
0x45: {  	_ =	shalt  }
0x46: {  	_ =	shalt  }
0x47: {  	_ =	shalt  }
0x48: {  	_ =	shalt  }
0x49: {  	_ =	shalt  }
0x4a: {  	_ =	shalt  }
0x4b: {  	_ =	shalt  }
0x4c: {  	_ =	shalt  }
0x4d: {  	_ =	shalt  }
0x4e: {  	_ =	shalt  }
0x4f: {  	_ =	shalt  }
0x50: {  	_ =	shalt  }
0x51: {  	_ =	shalt  }
0x52: {  	_ =	shalt  }
0x53: {  	_ =	shalt  }
0x54: {  	_ =	shalt  }
0x55: {  	_ =	shalt  }
0x56: {  	_ =	shalt  }
0x57: {  	_ =	shalt  }
0x58: {  	_ =	shalt  }
0x59: {  	_ =	shalt  }
0x5a: {  	_ =	shalt  }
0x5b: {  	_ =	shalt  }
0x5c: {  	_ =	shalt  }
0x5d: {  	_ =	shalt  }
0x5e: {  	_ =	shalt  }
0x5f: {  	_ =	shalt  }
0x60: {  	_ =	shalt  }
0x61: {  	_ =	shalt  }
0x62: {  	_ =	shalt  }
0x63: {  	_ =	shalt  }
0x64: {  	_ =	shalt  }
0x65: {  	_ =	shalt  }
0x66: {  	_ =	shalt  }
0x67: {  	_ =	shalt  }
0x68: {  	_ =	shalt  }
0x69: {  	_ =	shalt  }
0x6a: {  	_ =	shalt  }
0x6b: {  	_ =	shalt  }
0x6c: {  	_ =	shalt  }
0x6d: {  	_ =	shalt  }
0x6e: {  	_ =	shalt  }
0x6f: {  	_ =	shalt  }
0x70: {  	_ =	shalt  }
0x71: {  	_ =	shalt  }
0x72: {  	_ =	shalt  }
0x73: {  	_ =	shalt  }
0x74: {  	_ =	shalt  }
0x75: {  	_ =	shalt  }
0x76: {  	_ =	shalt  }
0x77: {  	_ =	shalt  }
0x78: {  	_ =	shalt  }
0x79: {  	_ =	shalt  }
0x7a: {  	_ =	shalt  }
0x7b: {  	_ =	shalt  }
0x7c: {  	_ =	shalt  }
0x7d: {  	_ =	shalt  }
0x7e: {  	_ =	shalt  }
0x7f: {  	_ =	shalt  }
0x80: {  	_ =	shalt  }
0x81: {  	_ =	shalt  }
0x82: {  	_ =	shalt  }
0x83: {  	_ =	shalt  }
0x84: {  	_ =	shalt  }
0x85: {  	_ =	shalt  }
0x86: {  	_ =	shalt  }
0x87: {  	_ =	shalt  }
.Lfunc_end0:
.L_simem_size_0:
called_computation.2_lowered:
.L_overlay_start_0:
0x88: {  	s2 =	sld [smem:$0x3FD9]  }
0x89: {  	s3 =	sld [smem:$0x3FFE];
	_ =	sdelay $0x1  }
0x8a: {  	s1 =	srdreg.scid  }
0x8b: {  	s0 =	sand.u32 $0x1, s1  }
0x8c: {  	s17 =	sshll.u32 s0, $0xA;
	s2 =	sadd.s32 s3, s2  }
0x8d: {  	s2 =	sadd.s32 s2, s17  }
0x8e: {  	[smem:$0x3FC0] =	sst s2  }
0x8f: {  	_ = 	snop  }
0x90: {  	s2 =	sld [smem:$0x3FD0];
	(tm) =	ssettm $0x1  }
0x91: {  	s18 =	sld [smem:$0x3FFB];
	_ =	sdelay $0x3  }
0x92: {  	_ =	strace s18  }
0x93: {  	s3 =	sld [smem:$0x3FFC];
	_ =	sdelay $0x3  }
0x94: {  	_ =	strace s3  }
0x95: {  	s3 =	sld [smem:$0x3FFD];
	_ =	sdelay $0x3  }
0x96: {  	_ =	strace s3  }
0x97: {  	_ =	strace $0x8FFFFFFF  }
0x98: {  	s19 =	sld [smem:$0x3FDB];
	_ =	sdelay $0x1  }
0x99: {  	s4 =	simm.s32 $_scs_section_size  }
0x9a: {  	s5 =	simm.s32 $_size__tile_overlayer_lowered;
	s6 =	simm.s32 $_tile_overlayer_lowered  }
0x9b: {  	s22 =	simm.s32 $0x1BFF;
	s21 =	sshll.u32 s6, $0x1;
	s3 =	sadd.s32 s4, s19  }
0x9c: {  	s7 =	simm.s32 $0x0;
	s20 =	sshll.u32 s5, $0x1;
	s5 =	sadd.s32 s21, s3  }
0x9d: {  	[timem:s7], [sflag:s22] =	dma.local [hbm:s5], s20  }
0x9e: {  	_ =	swait.ge [sflag:s22], s20  }
0x9f: {  	s4 =	ssub.s32 $0x0, s20;
	[sflag:s22] =	ssyncset.done $0x0  }
0xa0: {  	[sflag:s22] =	ssyncadd.s32 s4;
	_ =	sdelay $0x1  }
0xa1: {  	s23 =	simm.s32 $0x1B8B  }
0xa2: {  	_ =	swait.ge [sflag:s23], $0x1  }
0xa3: {  	[sflag:s23] =	ssyncset.done $0x0  }
0xa4: {  	s25 =	simm.s32 $0x1B8E;
	s24 =	sld [smem:$0x3FFE];
	[sflag:s23] =	ssyncadd.s32 $0xFFFFFFFF  }
0xa5: {  	s26 =	simm.s32 $execute0_lowered;
	[smem:$0x3FD2] =	sst s25  }
0xa6: {  	s5 =	sshll.u32 s26, $0x1;
	_ =	strace $0x8000004C;
	[dreg:$0x1] =	wrdreg $0xFFFFFFFF  }
0xa7: {  	s28 =	simm.s32 $_size_execute0_lowered;
	s3 =	sadd.s32 s3, s5;
	[dreg:$0x0] =	wrdreg $0x0  }
0xa8: {  	s5 =	sshll.u32 s28, $0x1;
	[dreg:$0x2] =	wrdreg s3  }
0xa9: {  	[dreg:$0x3] =	wrdreg s5  }
0xaa: {  	[dreg:$0x4] =	wrdreg $0xC0  }
0xab: {  	_ =	task [dreg:s7], $0x5FFFF  }
0xac: {  	[dreg:$0x1] =	wrdreg $0xFFFFFFFF  }
0xad: {  	[dreg:$0x0] =	wrdreg $0x60  }
0xae: {  	[dreg:$0x2] =	wrdreg s2  }
0xaf: {  	[dreg:$0x3] =	wrdreg s24  }
0xb0: {  	[dreg:$0x4] =	wrdreg $0xA4000  }
0xb1: {  	[dreg:$0x5] =	wrdreg $0x9  }
0xb2: {  	_ =	task.clear_ibuf [dreg:s7], $0x6FFFF;
	_ =	strace $0x9000004C  }
0xb3: {  	s29 =	simm.s32 $0x9;
	_ =	strace $0x8000004E  }
0xb4: {  	_ =	swait.ge [sflag:s29], $0x1  }
0xb5: {  	[sflag:s29] =	ssyncadd.s32 $0xFFFFFFFF  }
0xb6: {  	_ =	strace $0x9000004E  }
0xb7: {  	_ =	sfence  }
0xb8: {  	s30 =	sld [smem:$0x0];
	_ =	sdelay $0x2  }
0xb9: {  	s31 =	sshll.u32 s1, $0xD;
	s1 =	sshrl.u32 s1, $0x2  }
0xba: {  	s3 =	sand.u32 $0x4000, s31;
	s1 =	sadd.s32 s1, s30  }
0xbb: {  	s0 =	sor.u32 s3, s0;
	s1 =	sshll.u32 s1, $0x11  }
0xbc: {  	s0 =	sor.u32 s1, s0  }
0xbd: {  	s0 =	sadd.s32 $0x8F2B, s0  }
0xbe: {  	[sflag:s0] =	ssyncadd.remote.s32 $0x1  }
0xbf: {  	_ =	sfence.sel $0xFFFF  }
0xc0: {  	[dreg:$0x0] =	wrdreg $0xFFFFFFFF;
	(pc) =	sbr.abs _section_cstart, $3  }
0xc1: {  	[dreg:$0x1] =	wrdreg $0xFFFFFFFF  }
0xc2: {  	_ =	task.clear_ibuf [dreg:s7], $0x2FFFF;
	_ =	strace $0x9FFFFFFF  }
0xc3: {  	(tm) =	ssettm $0x7FFFFFFF  }
tec
execute0_lowered:
.L_overlay_start_1:
0x0: {  	(tag) =	ssettag $0x1  }
0x1: {  	s2 =	rddreg [dreg:$0x0]  }
0x2: {  	s0 =	rddreg [dreg:$0x1]  }
0x3: {  	s3 =	rddreg [dreg:$0x2];
	s11 =	stileid.u32  }
0x4: {  	s1 =	srdreg.scid;
	s4 =	simm.s32 $0x0;
	s30 =	simm.s32 $0x200  }
0x5: {  	s31 =	simm.s32 $0x280;
	s28 =	simm.s32 $0x8;
	s5 =	smul.u32 $0x14000, s11  }
0x6: {  	s1 =	sand.u32 $0x1, s1;
	[smem:$0x7FF] =	sst s4;
	s10 =	smul.u32 $0x50000, s11  }
0x7: {  	s12 =	sadd.s32 $0x2600, s0;
	s16 =	sshll.u32 s11, $0x6;
	s19 =	smul.u32 $0x2710, s11  }
0x8: {  	s6 =	smul.u32 $0x140000, s1;
	_ =	strace $0x8000004D;
	s8 =	ssub.s32 $0x2, s1  }
0x9: {  	s9 =	sshll.u32 s1, $0x4;
	[dreg:$0x6] =	wrdreg s16;
	s1 =	smul.u32 $0x27100, s1  }
0xa: {  	s7 =	sshrl.u32 s5, $0x3;
	s13 =	sshrl.u32 s8, $0x1;
	s9 =	sor.u32 s11, s9  }
0xb: {  	s15 =	sshrl.u32 s10, $0x2;
	s10 =	simm.s32 $0x2C00;
	s11 =	simm.s32 $0x7  }
0xc: {  	s5 =	sadd.s32 s5, s6;
	s6 =	sadd.s32 $0xC400, s0;
	s7 =	sadd.s32 s7, s0  }
0xd: {  	s14 =	smul.u32 $0x2710, s9;
	s9 =	sadd.s32 s15, s3;
	s1 =	sadd.s32 s19, s1  }
0xe: {  	s15 =	simm.s32 $0x3;
	s19 =	simm.s32 $0x7C00;
	s5 =	sshrl.u32 s5, $0x3  }
0xf: {  	[dreg:$0x4] =	wrdreg s9;
	s7 =	sadd.s32 $0x16800, s7;
	s23 =	sadd.s32 $0x190, s1  }
0x10: {  	s24 =	sadd.s32 $0x140, s1;
	s26 =	sadd.s32 $0x1E0, s1;
	s1 =	sadd.s32 $0xF0, s1  }
0x11: {  	s9 =	simm.s32 $0x5;
	s0 =	sadd.s32 s5, s0;
	s5 =	ssub.s32 s8, s13  }
0x12: {  	[dreg:$0x5] =	wrdreg s7;
	s7 =	sor.u32 $0x1C09, s16;
	s17 =	sshrl.u32 s14, $0x3  }
0x13: {  	[dreg:$0x10] =	wrdreg s24;
	s29 =	sshrl.u32 s26, $0x3;
	s1 =	sshrl.u32 s1, $0x3  }
0x14: {  	s26 =	simm.s32 $0x80;
	s13 =	simm.s32 $0x300;
	s14 =	simm.s32 $0x380  }
0x15: {  	s16 =	simm.s32 $0x5400;
	[dreg:$0x7] =	wrdreg s7;
	s8 =	sadd.s32 s12, s17  }
0x16: {  	s18 =	sadd.s32 $0xA, s17;
	s20 =	sadd.s32 s6, s17;
	[dreg:$0x8] =	wrdreg s8  }
0x17: {  	s7 =	sadd.s32 $0x14, s17;
	s0 =	sadd.s32 $0x3E800, s0;
	[dreg:$0x9] =	wrdreg s20  }
0x18: {  	s5 =	smax.u32 s5, $0x1;
	s24 =	sadd.s32 s1, s6;
	[dreg:$0xe] =	wrdreg s0  }
0x19: {  	s17 =	simm.s32 $0x6;
	s21 =	sadd.s32 s12, s18;
	[dreg:$0xf] =	wrdreg s5  }
0x1a: {  	s8 =	sadd.s32 s6, s18;
	s22 =	sadd.s32 s12, s7;
	[dreg:$0xa] =	wrdreg s21  }
0x1b: {  	s7 =	sadd.s32 s6, s7;
	s0 =	sshrl.u32 s23, $0x3;
	[dreg:$0xb] =	wrdreg s8  }
0x1c: {  	s5 =	sadd.s32 s29, s6;
	s23 =	smov.u32 s12;
	[dreg:$0xc] =	wrdreg s22  }
0x1d: {  	s18 =	simm.s32 $0x4;
	[dreg:$0xd] =	wrdreg s7;
	s25 =	sadd.s32 s0, s6  }
.Ltmp0:
0x1e: {  	s0 =	sadd.s32 s0, s12;
	[dreg:$0x13] =	wrdreg s5;
	(pc) =	sbr.rel .LBB2_1-.Ltmp0, $4  }
0x1f: {  	s21 =	smov.u32 s6;
	s7 =	simm.s32 $0x400;
	[dreg:$0x11] =	wrdreg s25  }
0x20: {  	s8 =	simm.s32 $0x2;
	s6 =	simm.s32 $0x0;
	[dreg:$0x12] =	wrdreg s0  }
0x21: {  	s0 =	sadd.s32 s29, s12;
	s25 =	sadd.s32 s1, s12;
	s1 =	simm.s32 $0x50  }
0x22: {  	s12 =	simm.s32 $0xA;
	[dreg:$0x14] =	wrdreg s0;
	s0 =	simm.s32 $0x1  }
.LBB2_4:
0x23: {  	_ =	swait.ge [sflag:s9], $0x2800  }
0x24: {  	[sflag:s9] =	ssyncset.done $0x0  }
0x25: {  	[sflag:s9] =	ssyncadd.s32 $0xFFFFD800  }
0x26: {  	[spmem:s3] =	stream.indirect.scatter.add.f32 [tilespmem:s7], [sflag:$0xA], $0x80, s26, s1, $0xb8;
	[tilespmem:$0x1E400] =	vst v63  }
0x27: {  	_ =	swait.ge [sflag:s12], $0x2800  }
0x28: {  	[sflag:s12] =	ssyncset.done $0x0  }
0x29: {  	[sflag:s12] =	ssyncadd.s32 $0xFFFFD800  }
0x2a: {  	[bflag:$0x0] =	sbarrier.arrive $0xFFFF  }
0x2b: {  	s5 =	rddreg [dreg:$0x6]  }
0x2c: {  	s6 =	rddreg [dreg:$0xe]  }
0x2d: {  	s20 =	rddreg [dreg:$0x16];
	s5 =	sor.u32 $0x1C0A, s5  }
0x2e: {  	[hbm:s6], [sflag:s5] =	dma.local [spmem:s20], $0x2800  }
0x2f: {  	_ =	swait.ge [sflag:s12], $0x2800  }
0x30: {  	s22 =	rddreg [dreg:$0x15]  }
0x31: {  	s29 =	rddreg [dreg:$0xf];
	s6 =	sadd.s32 $0x1, s22  }
0x32: {  	p0 =	sne.s32 s6, s29  }
.Ltmp1:
0x33: {  	_ = 	snop;
	(pc) =	sbr.rel @!p0 .LBB2_5-.Ltmp1, $3  }
0x34: {  	_ =	sdelay $0x1  }
0x35: {  	[sflag:s12] =	ssyncset.done $0x0  }
0x36: {  	[sflag:s12] =	ssyncadd.s32 $0xFFFFD800  }
.LBB2_1:
0x37: {  	[dreg:$0x15] =	wrdreg s6  }
0x38: {  	s5 =	rddreg [dreg:$0x4]  }
0x39: {  	s6 =	rddreg [dreg:$0x5]  }
0x3a: {  	s22 =	rddreg [dreg:$0x7];
	s20 =	sshrl.u32 s5, $0x3  }
0x3b: {  	[dreg:$0x16] =	wrdreg s20  }
0x3c: {  	[spmem:s20], [sflag:s22] =	dma.local [hbm:s6], $0x2800  }
0x3d: {  	s5 =	rddreg [dreg:$0x8]  }
0x3e: {  	[tilespmem:s4], [sflag:$0x1] =	stream.linear.gather [hbm4b:s5+s4], $0x50, $0x38;
	[tilespmem:$0x1E400] =	vst v63  }
0x3f: {  	s20 =	rddreg [dreg:$0x9]  }
0x40: {  	[tilespmem:s26], [sflag:$0x1] =	stream.linear.gather [hbm4b:s20+s4], $0x50, $0x38;
	[tilespmem:$0x1E400] =	vst v63  }
0x41: {  	s6 =	simm.s32 $0x100;
	s22 =	rddreg [dreg:$0xa]  }
0x42: {  	[tilespmem:s6], [sflag:$0x2] =	stream.linear.gather [hbm4b:s22+s4], $0x50, $0x38;
	[tilespmem:$0x1E400] =	vst v63  }
0x43: {  	s20 =	rddreg [dreg:$0xb];
	s22 =	simm.s32 $0x180  }
0x44: {  	[tilespmem:s22], [sflag:$0x2] =	stream.linear.gather [hbm4b:s20+s4], $0x50, $0x38;
	[tilespmem:$0x1E400] =	vst v63  }
0x45: {  	s22 =	rddreg [dreg:$0xc]  }
0x46: {  	[tilespmem:s30], [sflag:$0x3] =	stream.linear.gather [hbm4b:s22+s4], $0x50, $0x38;
	[tilespmem:$0x1E400] =	vst v63  }
0x47: {  	s20 =	rddreg [dreg:$0xd]  }
0x48: {  	[tilespmem:s31], [sflag:$0x3] =	stream.linear.gather [hbm4b:s20+s4], $0x50, $0x38;
	[tilespmem:$0x1E400] =	vst v63  }
0x49: {  	_ =	swait.ge [sflag:s0], $0x50  }
0x4a: {  	[sflag:s0] =	ssyncset.done $0x0  }
0x4b: {  	[sflag:s0] =	ssyncadd.s32 $0xFFFFFFB0  }
0x4c: {  	_ =	swait.ge [sflag:s0], $0x50  }
0x4d: {  	[sflag:s0] =	ssyncset.done $0x0  }
0x4e: {  	[sflag:s0] =	ssyncadd.s32 $0xFFFFFFB0  }
0x4f: {  	[tilespmem:s7], [sflag:$0x5] =	stream.indirect.gather [hbm4b:s2+s1], $0x80, s4, s1, $0xb8;
	[tilespmem:$0x1E400] =	vst v63  }
0x50: {  	_ =	swait.ge [sflag:s8], $0x50  }
0x51: {  	[sflag:s8] =	ssyncset.done $0x0  }
0x52: {  	[sflag:s8] =	ssyncadd.s32 $0xFFFFFFB0  }
0x53: {  	_ =	swait.ge [sflag:s8], $0x50  }
0x54: {  	[sflag:s8] =	ssyncset.done $0x0  }
0x55: {  	s22 =	simm.s32 $0x9;
	[sflag:s8] =	ssyncadd.s32 $0xFFFFFFB0  }
0x56: {  	[tilespmem:s10], [sflag:$0x6] =	stream.indirect.gather [hbm4b:s2+s1], $0x80, s6, s1, $0xb8;
	[tilespmem:$0x1E400] =	vst v63  }
0x57: {  	_ =	swait.ge [sflag:s22], $0x2800  }
0x58: {  	[sflag:s22] =	ssyncset.done $0x0  }
0x59: {  	[sflag:s22] =	ssyncadd.s32 $0xFFFFD800  }
0x5a: {  	[bflag:$0x0] =	sbarrier.arrive $0xFFFF  }
0x5b: {  	s5 =	simm.s32 $0x0;
	s29 =	rddreg [dreg:$0x10]  }
.LBB2_2:
0x5c: {  	_ =	swait.ge [sflag:s9], $0x2800  }
0x5d: {  	[sflag:s9] =	ssyncset.done $0x0  }
0x5e: {  	[sflag:s9] =	ssyncadd.s32 $0xFFFFD800  }
0x5f: {  	[spmem:s3] =	stream.indirect.scatter.add.f32 [tilespmem:s7], [sflag:$0xA], $0x80, s26, s1, $0xb8;
	[tilespmem:$0x1E400] =	vst v63  }
0x60: {  	_ =	swait.ge [sflag:s12], $0x2800  }
0x61: {  	[sflag:s12] =	ssyncset.done $0x0  }
0x62: {  	s6 =	sadd.s32 s5, s25;
	[sflag:s12] =	ssyncadd.s32 $0xFFFFD800  }
0x63: {  	[tilespmem:s13], [sflag:$0x4] =	stream.linear.gather [hbm4b:s6+s4], $0x50, $0x38;
	[tilespmem:$0x1E400] =	vst v63  }
0x64: {  	s22 =	sadd.s32 s5, s24  }
0x65: {  	[tilespmem:s14], [sflag:$0x4] =	stream.linear.gather [hbm4b:s22+s4], $0x50, $0x38;
	[tilespmem:$0x1E400] =	vst v63  }
0x66: {  	_ =	swait.ge [sflag:s15], $0x50  }
0x67: {  	[sflag:s15] =	ssyncset.done $0x0  }
0x68: {  	[sflag:s15] =	ssyncadd.s32 $0xFFFFFFB0  }
0x69: {  	_ =	swait.ge [sflag:s15], $0x50  }
0x6a: {  	[sflag:s15] =	ssyncset.done $0x0  }
0x6b: {  	[sflag:s15] =	ssyncadd.s32 $0xFFFFFFB0  }
0x6c: {  	[tilespmem:s16], [sflag:$0x7] =	stream.indirect.gather [hbm4b:s2+s1], $0x80, s30, s1, $0xb8;
	[tilespmem:$0x1E400] =	vst v63  }
0x6d: {  	_ =	swait.ge [sflag:s17], $0x2800  }
0x6e: {  	[sflag:s17] =	ssyncset.done $0x0  }
0x6f: {  	s20 =	simm.s32 $0x180;
	[sflag:s17] =	ssyncadd.s32 $0xFFFFD800  }
0x70: {  	[spmem:s3] =	stream.indirect.scatter.add.f32 [tilespmem:s10], [sflag:$0xA], $0x80, s20, s1, $0xb8;
	[tilespmem:$0x1E400] =	vst v63  }
0x71: {  	_ =	swait.ge [sflag:s12], $0x2800  }
0x72: {  	s22 =	sshrl.u32 s29, $0x3;
	[sflag:s12] =	ssyncset.done $0x0  }
0x73: {  	s20 =	sadd.s32 s23, s22;
	[sflag:s12] =	ssyncadd.s32 $0xFFFFD800  }
0x74: {  	[tilespmem:s4], [sflag:$0x1] =	stream.linear.gather [hbm4b:s20+s4], $0x50, $0x38;
	[tilespmem:$0x1E400] =	vst v63  }
0x75: {  	s6 =	sadd.s32 s21, s22  }
0x76: {  	[tilespmem:s26], [sflag:$0x1] =	stream.linear.gather [hbm4b:s6+s4], $0x50, $0x38;
	[tilespmem:$0x1E400] =	vst v63  }
0x77: {  	_ =	swait.ge [sflag:s18], $0x50  }
0x78: {  	[sflag:s18] =	ssyncset.done $0x0  }
0x79: {  	[sflag:s18] =	ssyncadd.s32 $0xFFFFFFB0  }
0x7a: {  	_ =	swait.ge [sflag:s18], $0x50  }
0x7b: {  	[sflag:s18] =	ssyncset.done $0x0  }
0x7c: {  	[sflag:s18] =	ssyncadd.s32 $0xFFFFFFB0  }
0x7d: {  	[tilespmem:s19], [sflag:$0x8] =	stream.indirect.gather [hbm4b:s2+s1], $0x80, s13, s1, $0xb8;
	[tilespmem:$0x1E400] =	vst v63  }
0x7e: {  	_ =	swait.ge [sflag:s11], $0x2800  }
0x7f: {  	[sflag:s11] =	ssyncset.done $0x0  }
0x80: {  	[sflag:s11] =	ssyncadd.s32 $0xFFFFD800  }
0x81: {  	[spmem:s3] =	stream.indirect.scatter.add.f32 [tilespmem:s16], [sflag:$0xA], $0x80, s31, s1, $0xb8;
	[tilespmem:$0x1E400] =	vst v63  }
0x82: {  	p0 =	seq.s32 s5, $0x4B0;
	_ =	swait.ge [sflag:s12], $0x2800  }
0x83: {  	s22 =	simm.s32 @!p0 $0x100;
	[sflag:s12] =	ssyncset.done $0x0;
	s6 =	rddreg [dreg:$0x12]  }
0x84: {  	s20 =	simm.s32 @!p0 $0x0;
	[sflag:s12] =	ssyncadd.s32 $0xFFFFD800;
	s6 =	sadd.s32 @!p0 s5, s6  }
0x85: {  	[tilespmem:s22], [sflag:$0x2] =	stream.linear.gather @!p0 [hbm4b:s6+s20], $0x50, $0x38;
	[tilespmem:$0x1E400] =	vst v63  }
0x86: {  	s6 =	rddreg [dreg:$0x11]  }
0x87: {  	s22 =	simm.s32 @!p0 $0x180;
	s6 =	sadd.s32 @!p0 s5, s6  }
0x88: {  	[tilespmem:s22], [sflag:$0x2] =	stream.linear.gather @!p0 [hbm4b:s6+s20], $0x50, $0x38;
	[tilespmem:$0x1E400] =	vst v63  }
0x89: {  	_ =	swait.ge [sflag:s0], $0x50  }
0x8a: {  	[sflag:s0] =	ssyncset.done $0x0  }
0x8b: {  	[sflag:s0] =	ssyncadd.s32 $0xFFFFFFB0  }
0x8c: {  	_ =	swait.ge [sflag:s0], $0x50  }
0x8d: {  	[sflag:s0] =	ssyncset.done $0x0  }
0x8e: {  	[sflag:s0] =	ssyncadd.s32 $0xFFFFFFB0  }
0x8f: {  	[tilespmem:s7], [sflag:$0x5] =	stream.indirect.gather [hbm4b:s2+s1], $0x80, s4, s1, $0xb8;
	[tilespmem:$0x1E400] =	vst v63  }
0x90: {  	_ =	swait.ge [sflag:s28], $0x2800  }
0x91: {  	[sflag:s28] =	ssyncset.done $0x0  }
.Ltmp2:
0x92: {  	[sflag:s28] =	ssyncadd.s32 $0xFFFFD800;
	(pc) =	sbr.rel @p0 .LBB2_4-.Ltmp2, $4  }
0x93: {  	[spmem:s3] =	stream.indirect.scatter.add.f32 [tilespmem:s19], [sflag:$0xA], $0x80, s14, s1, $0xb8;
	[tilespmem:$0x1E400] =	vst v63  }
0x94: {  	_ =	swait.ge [sflag:s12], $0x2800  }
0x95: {  	[sflag:s12] =	ssyncset.done $0x0  }
0x96: {  	[sflag:s12] =	ssyncadd.s32 $0xFFFFD800  }
0x97: {  	s6 =	rddreg [dreg:$0x14]  }
0x98: {  	s20 =	rddreg [dreg:$0x13];
	s6 =	sadd.s32 s5, s6  }
0x99: {  	[tilespmem:s30], [sflag:$0x3] =	stream.linear.gather [hbm4b:s6+s4], $0x50, $0x38;
	[tilespmem:$0x1E400] =	vst v63  }
0x9a: {  	s6 =	sadd.s32 s5, s20  }
0x9b: {  	[tilespmem:s31], [sflag:$0x3] =	stream.linear.gather [hbm4b:s6+s4], $0x50, $0x38;
	[tilespmem:$0x1E400] =	vst v63  }
0x9c: {  	_ =	swait.ge [sflag:s8], $0x50  }
0x9d: {  	[sflag:s8] =	ssyncset.done $0x0  }
.Ltmp3:
0x9e: {  	[sflag:s8] =	ssyncadd.s32 $0xFFFFFFB0;
	(pc) =	sbr.rel .LBB2_2-.Ltmp3, $4  }
0x9f: {  	_ =	swait.ge [sflag:s8], $0x50  }
0xa0: {  	s22 =	simm.s32 $0x100;
	[sflag:s8] =	ssyncset.done $0x0  }
0xa1: {  	s29 =	sadd.s32 $0x140, s29;
	s5 =	sadd.s32 $0x28, s5;
	[sflag:s8] =	ssyncadd.s32 $0xFFFFFFB0  }
0xa2: {  	[tilespmem:s10], [sflag:$0x6] =	stream.indirect.gather [hbm4b:s2+s1], $0x80, s22, s1, $0xb8;
	[tilespmem:$0x1E400] =	vst v63  }
.LBB2_5:
0xa3: {  	_ =	sfence.sel $0x180000  }
0xa4: {  	[bflag:$0x0] =	sbarrier.arrive $0xFFFF  }
0xa5: {  	_ =	strace $0x9000004D  }
0xa6: {  	s0 =	stileid.u32;
	[bflag:$0x2] =	sbarrier.arrive $0xFFFF  }
0xa7: {  	p0 =	sne.s32 s0, $0x0;
	s0 =	rddreg [dreg:$0x3]  }
0xa8: {  	s0 =	sadd.s32 @!p0 $0x100000, s0  }
0xa9: {  	[sflag:s0] =	ssyncadd.tile.s32 @!p0 $0x1;
	_ =	shalt  }
.Lfunc_end2:
_tile_overlayer_lowered:
.L_overlay_start_2:
0xaa: {  	(tag) =	ssettag $0x2  }
0xab: {  	s0 =	rddreg [dreg:$0x0];
	s2 =	stileid.u32  }
0xac: {  	s1 =	rddreg [dreg:$0x1];
	p0 =	sne.s32 s2, $0x0  }
0xad: {  	s3 =	rddreg [dreg:$0x2];
	[bflag:$0x3] =	sbarrier.arrive $0xFFFF;
	s2 =	simm.s32 @!p0 $0x1C0A  }
0xae: {  	[timem:s3], [sflag:s2] =	dma.local @!p0 [hbm:s0], s1  }
0xaf: {  	s0 =	simm.s32 @!p0 $0xA  }
0xb0: {  	_ =	swait.ge @!p0 [sflag:s0], s1  }
0xb1: {  	s1 =	ssub.s32 @!p0 $0x0, s1;
	[sflag:s0] =	ssyncset.done @!p0 $0x0  }
0xb2: {  	[sflag:s0] =	ssyncadd.s32 @!p0 s1  }
0xb3: {  	[bflag:$0x3] =	sbarrier.arrive $0xFFFF  }
0xb4: {  	_ =	shalt  }

// kernel: kernel.8.cloned.1.call-start
scs
__scs_entry_jumppad:
0x0: {  	(pc) =	sbr.rel $0x88, $3  }
0x1: {  	(tag) =	ssettag $0x0;
	lr =	simm.s32 $0x1  }
0x2: {  	[smem:$0x3F99] =	sst lr;
	_ =	strace $0xD0000000  }
0x3: {  	_ = 	snop  }
0x4: {  	_ = 	snop  }
0x5: {  	_ = 	snop  }
0x6: {  	_ = 	snop  }
0x7: {  	_ = 	snop  }
__scs_overlays_trampoline_lowered:
0x8: {  	[smem:$0x3FA8] =	sst s0  }
0x9: {  	[smem:$0x3FA9] =	sst s1  }
0xa: {  	[smem:$0x3FAA] =	sst s2  }
0xb: {  	[smem:$0x3FAB] =	sst s3  }
0xc: {  	[smem:$0x3FAC] =	sst s4  }
0xd: {  	[smem:$0x3FAD] =	sst s5  }
0xe: {  	[smem:$0x3FAE] =	sst s6  }
0xf: {  	[smem:$0x3FAF] =	sst s7  }
0x10: {  	[smem:$0x3FB0] =	sst s8  }
0x11: {  	[smem:$0x3FB1] =	sst s9;
	s0 =	simm.s32 @!p0 $0x0  }
0x12: {  	s1 =	sld [smem:$0x3F97];
	s0 =	simm.s32 @p0 $0x1  }
0x13: {  	[smem:$0x3FB2] =	sst s0;
	s0 =	simm.s32 @!p1 $0x0  }
0x14: {  	s2 =	sld [smem:$0x3F96];
	s0 =	simm.s32 @p1 $0x1  }
0x15: {  	[smem:$0x3FB3] =	sst s0;
	s0 =	simm.s32 @!p2 $0x0  }
0x16: {  	s3 =	sld [smem:$0x3FDB];
	s0 =	simm.s32 @p2 $0x1  }
0x17: {  	s4 =	simm.s32 $0x1BF5;
	[smem:$0x3FB5] =	sst s0  }
0x18: {  	s0 =	sld [smem:$0x3F98];
	_ =	swait.ge [sflag:s4], $0x0  }
0x19: {  	s7 =	sld [smem:$0x3F99]  }
0x1a: {  	s8 =	sadd.s32 $0xFFFFE003, lr  }
0x1b: {  	s9 =	sadd.s32 $0xFFFFFEF7, lr;
	s5 =	simm.s32 $0xFFFFFFFF;
	p2 =	slt.u32 s8, $0xFFFFF086  }
0x1c: {  	p1 =	slt.u32 s9, $0xF7A;
	s5 =	simm.s32 @!p2 $0x0  }
0x1d: {  	s5 =	simm.s32 @p1 $0x1;
	p0 =	seq.s32 s7, s2  }
0x1e: {  	s7 =	smul.u32 @!p0 $0xF7A, s2;
	p2 =	seq.s32 @!p0 s5, $0x0  }
0x1f: {  	s9 =	smul.u32 $0xF7A, s1;
	s8 =	simm.s32 @!p0 $0x1BF5;
	p2 =	por !p2, p0  }
0x20: {  	[sflag:s8] =	ssyncset.s32 @!p0 $0xFFFFF086;
	s6 =	sadd.s32 @!p0 s3, s7;
	s7 =	simm.s32 @!p0 $0x108  }
0x21: {  	s3 =	sadd.s32 s3, s9;
	s6 =	sadd.s32 @!p0 $0x88, s6;
	s7 =	simm.s32 @p2 $0x1082  }
0x22: {  	[simem:s7], [sflag:s8] =	dma.local @!p0 [hbm:s6], $0xF7A  }
0x23: {  	s9 =	sor.u32 $0xD0000000, s2;
	s6 =	simm.s32 $0x108;
	_ =	swait.ge @!p0 [sflag:s8], $0x0  }
0x24: {  	s3 =	sadd.s32 $0x88, s3;
	s6 =	simm.s32 @!p1 $0x1082;
	[sflag:s4] =	ssyncset.s32 $0xFFFFF086  }
0x25: {  	[simem:s6], [sflag:s4] =	dma.local [hbm:s3], $0xF7A  }
0x26: {  	[smem:$0x3F99] =	sst s1;
	(tag) =	ssettag s2;
	_ =	strace s9  }
0x27: {  	s1 =	sld [smem:$0x3FA9]  }
0x28: {  	s2 =	sld [smem:$0x3FAA]  }
0x29: {  	s4 =	sld [smem:$0x3FAC]  }
0x2a: {  	p0 =	seq.s32 s5, $0x0;
	s5 =	sld [smem:$0x3FAD]  }
0x2b: {  	s6 =	sld [smem:$0x3FAE]  }
0x2c: {  	s7 =	sld [smem:$0x3FAF]  }
0x2d: {  	s3 =	simm.s32 $0x108;
	s8 =	sld [smem:$0x3FB0]  }
0x2e: {  	s3 =	simm.s32 @!p0 $0x1082;
	s9 =	sld [smem:$0x3FB1]  }
0x2f: {  	lr =	sadd.s32 s0, s3;
	s0 =	sld [smem:$0x3FA8]  }
0x30: {  	s3 =	sld [smem:$0x3FAB]  }
0x31: {  	[smem:$0x3FB4] =	sst s10  }
0x32: {  	s10 =	sld [smem:$0x3FB2];
	_ =	sdelay $0x3  }
0x33: {  	p0 =	seq.s32 s10, $0x1;
	s10 =	sld [smem:$0x3FB4];
	_ =	sdelay $0x3  }
0x34: {  	[smem:$0x3FB4] =	sst s10  }
0x35: {  	s10 =	sld [smem:$0x3FB3];
	_ =	sdelay $0x3  }
0x36: {  	p1 =	seq.s32 s10, $0x1;
	s10 =	sld [smem:$0x3FB4];
	_ =	sdelay $0x3  }
0x37: {  	[smem:$0x3FB4] =	sst s10  }
0x38: {  	s10 =	sld [smem:$0x3FB5]  }
0x39: {  	_ = 	snop;
	(pc) =	sbr.ind lr, $3  }
0x3a: {  	_ = 	snop  }
0x3b: {  	_ = 	snop  }
0x3c: {  	p2 =	seq.s32 s10, $0x1;
	s10 =	sld [smem:$0x3FB4]  }
0x3d: {  	_ =	shalt  }
0x3e: {  	_ =	shalt  }
0x3f: {  	_ =	shalt  }
0x40: {  	_ =	shalt  }
0x41: {  	_ =	shalt  }
0x42: {  	_ =	shalt  }
0x43: {  	_ =	shalt  }
0x44: {  	_ =	shalt  }
0x45: {  	_ =	shalt  }
0x46: {  	_ =	shalt  }
0x47: {  	_ =	shalt  }
0x48: {  	_ =	shalt  }
0x49: {  	_ =	shalt  }
0x4a: {  	_ =	shalt  }
0x4b: {  	_ =	shalt  }
0x4c: {  	_ =	shalt  }
0x4d: {  	_ =	shalt  }
0x4e: {  	_ =	shalt  }
0x4f: {  	_ =	shalt  }
0x50: {  	_ =	shalt  }
0x51: {  	_ =	shalt  }
0x52: {  	_ =	shalt  }
0x53: {  	_ =	shalt  }
0x54: {  	_ =	shalt  }
0x55: {  	_ =	shalt  }
0x56: {  	_ =	shalt  }
0x57: {  	_ =	shalt  }
0x58: {  	_ =	shalt  }
0x59: {  	_ =	shalt  }
0x5a: {  	_ =	shalt  }
0x5b: {  	_ =	shalt  }
0x5c: {  	_ =	shalt  }
0x5d: {  	_ =	shalt  }
0x5e: {  	_ =	shalt  }
0x5f: {  	_ =	shalt  }
0x60: {  	_ =	shalt  }
0x61: {  	_ =	shalt  }
0x62: {  	_ =	shalt  }
0x63: {  	_ =	shalt  }
0x64: {  	_ =	shalt  }
0x65: {  	_ =	shalt  }
0x66: {  	_ =	shalt  }
0x67: {  	_ =	shalt  }
0x68: {  	_ =	shalt  }
0x69: {  	_ =	shalt  }
0x6a: {  	_ =	shalt  }
0x6b: {  	_ =	shalt  }
0x6c: {  	_ =	shalt  }
0x6d: {  	_ =	shalt  }
0x6e: {  	_ =	shalt  }
0x6f: {  	_ =	shalt  }
0x70: {  	_ =	shalt  }
0x71: {  	_ =	shalt  }
0x72: {  	_ =	shalt  }
0x73: {  	_ =	shalt  }
0x74: {  	_ =	shalt  }
0x75: {  	_ =	shalt  }
0x76: {  	_ =	shalt  }
0x77: {  	_ =	shalt  }
0x78: {  	_ =	shalt  }
0x79: {  	_ =	shalt  }
0x7a: {  	_ =	shalt  }
0x7b: {  	_ =	shalt  }
0x7c: {  	_ =	shalt  }
0x7d: {  	_ =	shalt  }
0x7e: {  	_ =	shalt  }
0x7f: {  	_ =	shalt  }
0x80: {  	_ =	shalt  }
0x81: {  	_ =	shalt  }
0x82: {  	_ =	shalt  }
0x83: {  	_ =	shalt  }
0x84: {  	_ =	shalt  }
0x85: {  	_ =	shalt  }
0x86: {  	_ =	shalt  }
0x87: {  	_ =	shalt  }
.Lfunc_end0:
.L_simem_size_0:
called_computation_lowered:
.L_overlay_start_0:
0x88: {  	s2 =	sld [smem:$0x3FD9]  }
0x89: {  	s3 =	sld [smem:$0x3FFE];
	_ =	sdelay $0x1  }
0x8a: {  	s1 =	srdreg.scid  }
0x8b: {  	s0 =	sand.u32 $0x1, s1  }
0x8c: {  	s17 =	sshll.u32 s0, $0xA;
	s2 =	sadd.s32 s3, s2  }
0x8d: {  	s2 =	sadd.s32 s2, s17  }
0x8e: {  	[smem:$0x3FC0] =	sst s2  }
0x8f: {  	_ = 	snop  }
0x90: {  	s2 =	sld [smem:$0x3FD0];
	(tm) =	ssettm $0x1  }
0x91: {  	s18 =	sld [smem:$0x3FFB];
	_ =	sdelay $0x3  }
0x92: {  	_ =	strace s18  }
0x93: {  	s3 =	sld [smem:$0x3FFC];
	_ =	sdelay $0x3  }
0x94: {  	_ =	strace s3  }
0x95: {  	s3 =	sld [smem:$0x3FFD];
	_ =	sdelay $0x3  }
0x96: {  	_ =	strace s3  }
0x97: {  	_ =	strace $0x8FFFFFFF  }
0x98: {  	s19 =	sld [smem:$0x3FDB];
	_ =	sdelay $0x1  }
0x99: {  	s4 =	simm.s32 $_scs_section_size  }
0x9a: {  	s5 =	simm.s32 $_size__tile_overlayer_lowered;
	s6 =	simm.s32 $_tile_overlayer_lowered  }
0x9b: {  	s22 =	simm.s32 $0x1BFF;
	s21 =	sshll.u32 s6, $0x1;
	s3 =	sadd.s32 s4, s19  }
0x9c: {  	s7 =	simm.s32 $0x0;
	s20 =	sshll.u32 s5, $0x1;
	s5 =	sadd.s32 s21, s3  }
0x9d: {  	[timem:s7], [sflag:s22] =	dma.local [hbm:s5], s20  }
0x9e: {  	_ =	swait.ge [sflag:s22], s20  }
0x9f: {  	s4 =	ssub.s32 $0x0, s20;
	[sflag:s22] =	ssyncset.done $0x0  }
0xa0: {  	[sflag:s22] =	ssyncadd.s32 s4;
	_ =	sdelay $0x1  }
0xa1: {  	s23 =	simm.s32 $0x1B8B  }
0xa2: {  	_ =	swait.ge [sflag:s23], $0x1  }
0xa3: {  	[sflag:s23] =	ssyncset.done $0x0  }
0xa4: {  	s25 =	simm.s32 $0x1B8E;
	s24 =	sld [smem:$0x3FFE];
	[sflag:s23] =	ssyncadd.s32 $0xFFFFFFFF  }
0xa5: {  	s26 =	simm.s32 $execute0_lowered;
	[smem:$0x3FD2] =	sst s25  }
0xa6: {  	s5 =	sshll.u32 s26, $0x1;
	_ =	strace $0x80000046;
	[dreg:$0x1] =	wrdreg $0xFFFFFFFF  }
0xa7: {  	s28 =	simm.s32 $_size_execute0_lowered;
	s3 =	sadd.s32 s3, s5;
	[dreg:$0x0] =	wrdreg $0x0  }
0xa8: {  	s5 =	sshll.u32 s28, $0x1;
	[dreg:$0x2] =	wrdreg s3  }
0xa9: {  	[dreg:$0x3] =	wrdreg s5  }
0xaa: {  	[dreg:$0x4] =	wrdreg $0xC0  }
0xab: {  	_ =	task [dreg:s7], $0x5FFFF  }
0xac: {  	[dreg:$0x1] =	wrdreg $0xFFFFFFFF  }
0xad: {  	[dreg:$0x0] =	wrdreg $0x60  }
0xae: {  	[dreg:$0x2] =	wrdreg s2  }
0xaf: {  	[dreg:$0x3] =	wrdreg s24  }
0xb0: {  	[dreg:$0x4] =	wrdreg $0x68000  }
0xb1: {  	[dreg:$0x5] =	wrdreg $0x9  }
0xb2: {  	_ =	task.clear_ibuf [dreg:s7], $0x6FFFF;
	_ =	strace $0x90000046  }
0xb3: {  	s29 =	simm.s32 $0x9;
	_ =	strace $0x80000048  }
0xb4: {  	_ =	swait.ge [sflag:s29], $0x1  }
0xb5: {  	[sflag:s29] =	ssyncadd.s32 $0xFFFFFFFF  }
0xb6: {  	_ =	strace $0x90000048  }
0xb7: {  	_ =	sfence  }
0xb8: {  	s30 =	sld [smem:$0x0];
	_ =	sdelay $0x2  }
0xb9: {  	s31 =	sshll.u32 s1, $0xD;
	s1 =	sshrl.u32 s1, $0x2  }
0xba: {  	s3 =	sand.u32 $0x4000, s31;
	s1 =	sadd.s32 s1, s30  }
0xbb: {  	s0 =	sor.u32 s3, s0;
	s1 =	sshll.u32 s1, $0x11  }
0xbc: {  	s0 =	sor.u32 s1, s0  }
0xbd: {  	s0 =	sadd.s32 $0x8F2B, s0  }
0xbe: {  	[sflag:s0] =	ssyncadd.remote.s32 $0x1  }
0xbf: {  	_ =	sfence.sel $0xFFFF  }
0xc0: {  	[dreg:$0x0] =	wrdreg $0xFFFFFFFF;
	(pc) =	sbr.abs _section_cstart, $3  }
0xc1: {  	[dreg:$0x1] =	wrdreg $0xFFFFFFFF  }
0xc2: {  	_ =	task.clear_ibuf [dreg:s7], $0x2FFFF;
	_ =	strace $0x9FFFFFFF  }
0xc3: {  	(tm) =	ssettm $0x7FFFFFFF  }
tec
execute0_lowered:
.L_overlay_start_1:
0x0: {  	(tag) =	ssettag $0x1  }
0x1: {  	s5 =	rddreg [dreg:$0x0]  }
0x2: {  	s6 =	rddreg [dreg:$0x1]  }
0x3: {  	s2 =	rddreg [dreg:$0x2]  }
0x4: {  	s0 =	rddreg [dreg:$0x3]  }
0x5: {  	s1 =	stileid.u32;
	s4 =	srdreg.scid;
	s3 =	simm.s32 $0x0  }
0x6: {  	s13 =	simm.s32 $0x1;
	s14 =	simm.s32 $0x2;
	s15 =	simm.s32 $0x50  }
0x7: {  	s16 =	simm.s32 $0x80;
	s17 =	simm.s32 $0x3E00;
	s19 =	simm.s32 $0x0  }
0x8: {  	s7 =	smul.u32 $0x14000, s1;
	s8 =	sand.u32 $0x1, s4;
	[smem:$0x7FF] =	sst s3  }
0x9: {  	s4 =	sadd.s32 $0x16200, s6;
	s23 =	smul.u32 $0x50000, s1;
	s29 =	sshll.u32 s1, $0xB  }
0xa: {  	s18 =	sshll.u32 s1, $0x6;
	s9 =	smul.u32 $0x140000, s8;
	_ =	strace $0x80000047  }
0xb: {  	s11 =	ssub.s32 $0x2, s8;
	s30 =	sshll.u32 s8, $0xF;
	s31 =	sadd.s32 s5, s29  }
0xc: {  	s10 =	sshrl.u32 s7, $0x3;
	s24 =	sshrl.u32 s11, $0x1;
	s25 =	sshrl.u32 s23, $0x2  }
0xd: {  	s7 =	sadd.s32 s7, s9;
	s10 =	sadd.s32 s10, s6;
	s26 =	ssub.s32 s11, s24  }
0xe: {  	s28 =	sadd.s32 s25, s2;
	s7 =	sshrl.u32 s7, $0x3;
	s5 =	sadd.s32 $0x16800, s10  }
0xf: {  	s9 =	smax.u32 s26, $0x1;
	s10 =	simm.s32 $0x4000;
	s11 =	sshrl.u32 s28, $0x3  }
0x10: {  	s12 =	sadd.s32 s7, s6;
	s6 =	sor.u32 $0x1C02, s18;
	s7 =	sadd.s32 s30, s31  }
0x11: {  	s18 =	sor.u32 $0x1C03, s18;
	s8 =	sadd.s32 $0x3E800, s12;
	s12 =	simm.s32 $0x3  }
.LBB2_1:
0x12: {  	[tilespmem:s10], [sflag:$0x1] =	stream.linear.gather [hbm4b:s4+s3], $0x2800, $0x38;
	[tilespmem:$0x1A800] =	vst v63  }
0x13: {  	[spmem:s11], [sflag:s6] =	dma.local [hbm:s5], $0x2800  }
0x14: {  	[tilespmem:s3], [sflag:$0x3] =	stream.linear.gather [hbm4b:s7+s3], $0x3E80, $0x38;
	[tilespmem:$0x1A800] =	vst v63  }
0x15: {  	_ =	swait.ge [sflag:s12], $0x3E80  }
0x16: {  	[sflag:s12] =	ssyncset.done $0x0  }
0x17: {  	[sflag:s12] =	ssyncadd.s32 $0xFFFFC180  }
0x18: {  	_ =	swait.ge [sflag:s13], $0x2800  }
0x19: {  	[sflag:s13] =	ssyncset.done $0x0  }
0x1a: {  	[sflag:s13] =	ssyncadd.s32 $0xFFFFD800  }
0x1b: {  	_ =	swait.ge [sflag:s14], $0x2800  }
0x1c: {  	[sflag:s14] =	ssyncset.done $0x0  }
0x1d: {  	[sflag:s14] =	ssyncadd.s32 $0xFFFFD800  }
0x1e: {  	[bflag:$0x0] =	sbarrier.arrive $0xFFFF  }
0x1f: {  	[spmem:s2] =	stream.indirect.scatter.add.f32 [tilespmem:s10], [sflag:$0x1], $0x80, s3, s15, $0xb8;
	[tilespmem:$0x1A800] =	vst v63  }
0x20: {  	_ = 	snop  }
0x21: {  	[spmem:s2] =	stream.indirect.scatter.add.f32 [tilespmem:s10], [sflag:$0x2], $0x80, s16, s15, $0xb8;
	[tilespmem:$0x1A800] =	vst v63  }
0x22: {  	_ =	swait.ge [sflag:s13], $0x2800  }
0x23: {  	[sflag:s13] =	ssyncset.done $0x0  }
0x24: {  	s20 =	simm.s32 $0x100;
	[sflag:s13] =	ssyncadd.s32 $0xFFFFD800  }
0x25: {  	[spmem:s2] =	stream.indirect.scatter.add.f32 [tilespmem:s10], [sflag:$0x1], $0x80, s20, s15, $0xb8;
	[tilespmem:$0x1A800] =	vst v63  }
0x26: {  	_ =	swait.ge [sflag:s14], $0x2800  }
0x27: {  	[sflag:s14] =	ssyncset.done $0x0  }
0x28: {  	s21 =	simm.s32 $0x180;
	s20 =	simm.s32 $0xFFFF1000;
	[sflag:s14] =	ssyncadd.s32 $0xFFFFD800  }
.LBB2_2:
0x29: {  	[spmem:s2] =	stream.indirect.scatter.add.f32 [tilespmem:s10], [sflag:$0x2], $0x80, s21, s15, $0xb8;
	[tilespmem:$0x1A800] =	vst v63  }
0x2a: {  	s21 =	smov.u32 s20  }
0x2b: {  	p0 =	sne.s32 s20, $0xFFFFFC00;
	s20 =	sadd.s32 $0x400, s20;
	_ =	swait.ge [sflag:s13], $0x2800  }
0x2c: {  	s21 =	sshra.s32 s21, $0x2;
	[sflag:s13] =	ssyncset.done $0x0  }
.Ltmp0:
0x2d: {  	s22 =	sadd.s32 $0x3E00, s21;
	[sflag:s13] =	ssyncadd.s32 $0xFFFFD800;
	(pc) =	sbr.rel @p0 .LBB2_2-.Ltmp0, $4  }
0x2e: {  	[spmem:s2] =	stream.indirect.scatter.add.f32 [tilespmem:s10], [sflag:$0x1], $0x80, s22, s15, $0xb8;
	[tilespmem:$0x1A800] =	vst v63  }
0x2f: {  	_ =	swait.ge [sflag:s14], $0x2800  }
0x30: {  	[sflag:s14] =	ssyncset.done $0x0  }
0x31: {  	s21 =	sadd.s32 $0x3E80, s21;
	[sflag:s14] =	ssyncadd.s32 $0xFFFFD800  }
0x32: {  	[spmem:s2] =	stream.indirect.scatter.add.f32 [tilespmem:s10], [sflag:$0x2], $0x80, s21, s15, $0xb8;
	[tilespmem:$0x1A800] =	vst v63  }
0x33: {  	_ =	swait.ge [sflag:s13], $0x2800  }
0x34: {  	[sflag:s13] =	ssyncset.done $0x0  }
0x35: {  	[sflag:s13] =	ssyncadd.s32 $0xFFFFD800  }
0x36: {  	[spmem:s2] =	stream.indirect.scatter.add.f32 [tilespmem:s10], [sflag:$0x1], $0x80, s17, s15, $0xb8;
	[tilespmem:$0x1A800] =	vst v63  }
0x37: {  	_ =	swait.ge [sflag:s14], $0x2800  }
0x38: {  	[sflag:s14] =	ssyncset.done $0x0  }
0x39: {  	[sflag:s14] =	ssyncadd.s32 $0xFFFFD800  }
0x3a: {  	_ =	swait.ge [sflag:s13], $0x2800  }
0x3b: {  	s19 =	sadd.s32 $0x1, s19;
	[sflag:s13] =	ssyncset.done $0x0  }
0x3c: {  	p0 =	sne.s32 s19, s9;
	[sflag:s13] =	ssyncadd.s32 $0xFFFFD800  }
.Ltmp1:
0x3d: {  	[bflag:$0x0] =	sbarrier.arrive $0xFFFF;
	(pc) =	sbr.rel @p0 .LBB2_1-.Ltmp1, $4  }
0x3e: {  	[hbm:s8], [sflag:s18] =	dma.local [spmem:s11], $0x2800  }
0x3f: {  	_ =	swait.ge [sflag:s12], $0x2800  }
0x40: {  	[sflag:s12] =	ssyncset.done $0x0  }
0x41: {  	[sflag:s12] =	ssyncadd.s32 $0xFFFFD800  }
0x42: {  	_ =	sfence.sel $0x180000  }
0x43: {  	[bflag:$0x0] =	sbarrier.arrive $0xFFFF  }
0x44: {  	p0 =	sne.s32 s1, $0x0;
	_ =	strace $0x90000047  }
0x45: {  	s0 =	sadd.s32 @!p0 $0x100000, s0;
	[bflag:$0x2] =	sbarrier.arrive $0xFFFF  }
0x46: {  	[sflag:s0] =	ssyncadd.tile.s32 @!p0 $0x1;
	_ =	shalt  }
.Lfunc_end2:
_tile_overlayer_lowered:
.L_overlay_start_2:
0x47: {  	(tag) =	ssettag $0x2  }
0x48: {  	s0 =	rddreg [dreg:$0x0];
	s2 =	stileid.u32  }
0x49: {  	s1 =	rddreg [dreg:$0x1];
	p0 =	sne.s32 s2, $0x0  }
0x4a: {  	s3 =	rddreg [dreg:$0x2];
	[bflag:$0x3] =	sbarrier.arrive $0xFFFF;
	s2 =	simm.s32 @!p0 $0x1C03  }
0x4b: {  	[timem:s3], [sflag:s2] =	dma.local @!p0 [hbm:s0], s1  }
0x4c: {  	s0 =	simm.s32 @!p0 $0x3  }
0x4d: {  	_ =	swait.ge @!p0 [sflag:s0], s1  }
0x4e: {  	s1 =	ssub.s32 @!p0 $0x0, s1;
	[sflag:s0] =	ssyncset.done @!p0 $0x0  }
0x4f: {  	[sflag:s0] =	ssyncadd.s32 @!p0 s1  }
0x50: {  	[bflag:$0x3] =	sbarrier.arrive $0xFFFF  }
0x51: {  	_ =	shalt  }

</sc_bundles>
